<compile_context>
chip_gen: v7x
topology: tpu7x:2x2x1
jax: 0.10.2.dev20260603
libtpu: 0.0.44.dev20260713+nightly
codegen_flags: <defaults>
</compile_context>

<pallas_src>
import functools

import numpy as np

import jax
import jax.numpy as jnp
from jax import lax
from jax.experimental import pallas as pl
from jax.experimental.pallas import tpu as pltpu
from jax.experimental.pallas import tpu_sc as plsc

N = 10000
E = 320000
D = 128
H = 128

NC = 2
NS = 16
NW = NC * NS
CHUNK = 128
NCH_T = 80
EPAD = NW * NCH_T * CHUNK
NP_ = 10240
ROWS_PER_SUB = NP_ // NS

_MM = functools.partial(jnp.dot, precision=lax.Precision.HIGHEST,
                        preferred_element_type=jnp.float32)

_MESH = dict(core_axis_name="c", subcore_axis_name="s")

_NCHUNKS = EPAD // CHUNK
_PERM = np.arange(_NCHUNKS).reshape(NCH_T, NW).T.reshape(-1)



@functools.lru_cache(maxsize=None)
def _make_sc_agg():
    mesh = plsc.VectorSubcoreMesh(num_cores=NC, num_subcores=NS, **_MESH)
    scratch = [
        pltpu.VMEM((NCH_T, CHUNK), jnp.int32),
        pltpu.VMEM((CHUNK,), jnp.int32),
        pltpu.VMEM((CHUNK,), jnp.int32),
        pltpu.VMEM((CHUNK, D), jnp.float32),
        pltpu.VMEM((CHUNK, D), jnp.float32),
        pltpu.VMEM_SHARED((NP_, D), jnp.float32),
        pltpu.SemaphoreType.DMA,
        pltpu.SemaphoreType.DMA,
    ]

    @functools.partial(
        pl.kernel, mesh=mesh, scratch_types=scratch,
        out_type=jax.ShapeDtypeStruct((NC, NP_, D), jnp.float32))
    def sc_agg(h_hbm, src1_hbm, dst2_hbm, zd_hbm, agg_out,
               dst2v, src_a, src_b, rows_a, rows_b, acc_sh, sem_a, sem_b):
        cid = lax.axis_index("c")
        sid = lax.axis_index("s")
        wid = sid * NC + cid
        row0 = sid * ROWS_PER_SUB
        cbase = wid * NCH_T

        pltpu.sync_copy(zd_hbm, rows_a)

        @pl.loop(0, ROWS_PER_SUB // CHUNK)
        def _(i):
            pltpu.sync_copy(rows_a, acc_sh.at[pl.ds(row0 + i * CHUNK, CHUNK)])

        pltpu.sync_copy(dst2_hbm.at[pl.ds(cbase, NCH_T)], dst2v)
        plsc.subcore_barrier()

        def load_src(buf, c):
            pltpu.sync_copy(src1_hbm.at[pl.ds(c * CHUNK, CHUNK)], buf)

        def start_gather(idx_buf, rows_buf, sem):
            pltpu.async_copy(h_hbm.at[idx_buf], rows_buf, sem)

        def finish_gather(idx_buf, rows_buf, sem):
            pltpu.make_async_copy(h_hbm.at[idx_buf], rows_buf, sem).wait()

        def scatter(rows_buf, c):
            pltpu.sync_copy(rows_buf, acc_sh.at[dst2v.at[c - cbase]], add=True)

        load_src(src_a, cbase)
        start_gather(src_a, rows_a, sem_a)

        @pl.loop(0, NCH_T // 2 - 1)
        def _(p):
            c0 = cbase + 2 * p
            load_src(src_b, c0 + 1)
            start_gather(src_b, rows_b, sem_b)
            finish_gather(src_a, rows_a, sem_a)
            scatter(rows_a, c0)
            load_src(src_a, c0 + 2)
            start_gather(src_a, rows_a, sem_a)
            finish_gather(src_b, rows_b, sem_b)
            scatter(rows_b, c0 + 1)

        clast = cbase + NCH_T - 1
        load_src(src_b, clast)
        start_gather(src_b, rows_b, sem_b)
        finish_gather(src_a, rows_a, sem_a)
        scatter(rows_a, clast - 1)
        finish_gather(src_b, rows_b, sem_b)
        scatter(rows_b, clast)

        plsc.subcore_barrier()
        rows = pl.ds(row0, ROWS_PER_SUB)
        pltpu.sync_copy(acc_sh.at[rows], agg_out.at[cid, rows])

    return sc_agg


@functools.lru_cache(maxsize=None)
def _make_sc_cnt():
    mesh = plsc.VectorSubcoreMesh(num_cores=NC, num_subcores=NS, **_MESH)
    scratch = [
        pltpu.VMEM((NCH_T, CHUNK), jnp.int32),
        pltpu.VMEM((CHUNK, D), jnp.float32),
        pltpu.VMEM((CHUNK, D), jnp.float32),
        pltpu.VMEM_SHARED((NP_, D), jnp.float32),
        pltpu.SemaphoreType.DMA,
    ]

    @functools.partial(
        pl.kernel, mesh=mesh, scratch_types=scratch,
        out_type=jax.ShapeDtypeStruct((NC, NP_, D), jnp.float32))
    def sc_cnt(dst2_hbm, zd_hbm, ones_hbm, cnt_out,
               dst2v, ones_v, zbuf, cnt_sh, sem):
        cid = lax.axis_index("c")
        sid = lax.axis_index("s")
        wid = sid * NC + cid
        row0 = sid * ROWS_PER_SUB
        cbase = wid * NCH_T

        pltpu.sync_copy(zd_hbm, zbuf)
        pltpu.sync_copy(ones_hbm, ones_v)
        pltpu.sync_copy(dst2_hbm.at[pl.ds(cbase, NCH_T)], dst2v)

        @pl.loop(0, ROWS_PER_SUB // CHUNK)
        def _(i):
            pltpu.sync_copy(zbuf, cnt_sh.at[pl.ds(row0 + i * CHUNK, CHUNK)])

        plsc.subcore_barrier()

        @pl.loop(0, NCH_T // 16)
        def _(w):
            @pl.loop(0, 16)
            def _(i):
                pltpu.async_copy(ones_v, cnt_sh.at[dst2v.at[w * 16 + i]],
                                 sem, add=True)

            @pl.loop(0, 16)
            def _(i):
                pltpu.make_async_copy(ones_v, cnt_sh.at[dst2v.at[w * 16 + i]],
                                      sem).wait()

        plsc.subcore_barrier()
        rows = pl.ds(row0, ROWS_PER_SUB)
        pltpu.sync_copy(cnt_sh.at[rows], cnt_out.at[cid, rows])

    return sc_cnt


def _sc_agg(h, src2, dst2, zd):
    return _make_sc_agg()(h, src2, dst2, zd)


def _sc_cnt(dst2, zd, ones):
    return _make_sc_cnt()(dst2, zd, ones)


ROWS = 1000
_GRID = N // ROWS


def _rows_spec(minor):
    return pl.BlockSpec((ROWS, minor), lambda i: (i, 0))


def _full_spec(shape):
    nd = len(shape)
    return pl.BlockSpec(shape, lambda i, _nd=nd: (0,) * _nd)


def _norm_res_body(x_ref, wp_ref, bp_ref, xn_ref, res_ref):
    x = x_ref[...]
    nrm = jnp.sqrt(jnp.sum(x * x, axis=1, keepdims=True))
    xn = x / jnp.maximum(nrm, 1e-12)
    xn_ref[...] = xn
    res_ref[...] = _MM(xn, wp_ref[...]) + bp_ref[...]


_norm_res = pl.pallas_call(
    _norm_res_body,
    grid=(_GRID,),
    in_specs=[_rows_spec(D), _full_spec((D, H)), _full_spec((1, H))],
    out_specs=[_rows_spec(D), _rows_spec(H)],
    out_shape=[jax.ShapeDtypeStruct((N, D), jnp.float32),
               jax.ShapeDtypeStruct((N, H), jnp.float32)],
)


def _layer_body(a_ref, c_ref, h_ref, res_ref, wl_ref, bl_ref, wr_ref, out_ref):
    agg = a_ref[0] + a_ref[1]
    cnt = c_ref[0, :, 0:1] + c_ref[1, :, 0:1]
    mean = agg / jnp.maximum(cnt, 1.0)
    h = h_ref[...]
    pre = _MM(mean, wl_ref[...]) + bl_ref[...] + _MM(h, wr_ref[...])
    out_ref[...] = jnp.maximum(pre, 0.0) + res_ref[...]


def _agg_spec():
    return pl.BlockSpec((NC, ROWS, D), lambda i: (0, i, 0))


_sage_layer = pl.pallas_call(
    _layer_body,
    grid=(_GRID,),
    in_specs=[_agg_spec(), _agg_spec(), _rows_spec(D), _rows_spec(H),
              _full_spec((D, H)), _full_spec((1, H)), _full_spec((D, H))],
    out_specs=_rows_spec(H),
    out_shape=jax.ShapeDtypeStruct((N, H), jnp.float32),
)


def _head_body(h2_ref, rr_ref, ws1_ref, bs1_ref, ws2_ref, bs2_ref,
               alpha_ref, out_ref):
    h2 = h2_ref[...]
    t = jnp.maximum(_MM(h2, ws1_ref[...]) + bs1_ref[...], 0.0)
    g = jnp.sum(t * ws2_ref[...], axis=1, keepdims=True) + bs2_ref[...]
    alpha = alpha_ref[...]
    out_ref[...] = alpha * rr_ref[...] + (1.0 - alpha) * g


_head = pl.pallas_call(
    _head_body,
    grid=(_GRID,),
    in_specs=[_rows_spec(H), _rows_spec(1), _full_spec((H, H // 2)),
              _full_spec((1, H // 2)), _full_spec((1, H // 2)),
              _full_spec((1, 1)), _full_spec((1, 1))],
    out_specs=_rows_spec(1),
    out_shape=jax.ShapeDtypeStruct((N, 1), jnp.float32),
)


def kernel(x, edge_index, reranker_scores, Wp, bp, Wl0, bl0, Wr0, Wl1, bl1,
           Wr1, Ws1, bs1, Ws2, bs2, alpha_logit):
    zd = jnp.zeros((CHUNK, D), jnp.float32)
    ones = jnp.ones((CHUNK, D), jnp.float32)

    pad = EPAD - E
    psrc = jnp.arange(pad, dtype=jnp.int32) % N
    src1 = jnp.concatenate([edge_index[0], psrc]).reshape(-1, CHUNK)
    src1 = src1[_PERM].reshape(-1)
    dump = N + (jnp.arange(pad, dtype=jnp.int32) % (NP_ - N))
    dst2 = jnp.concatenate([edge_index[1], dump]).reshape(-1, CHUNK)
    dst2 = dst2[_PERM]

    cnt = _sc_cnt(dst2, zd, ones)
    xn, res = _norm_res(x, Wp, bp.reshape(1, H))
    agg0 = _sc_agg(xn, src1, dst2, zd)
    h1 = _sage_layer(agg0, cnt, xn, res, Wl0, bl0.reshape(1, H), Wr0)
    agg1 = _sc_agg(h1, src1, dst2, zd)
    h2 = _sage_layer(agg1, cnt, h1, h1, Wl1, bl1.reshape(1, H), Wr1)

    alpha = jax.nn.sigmoid(alpha_logit).reshape(1, 1)
    out = _head(h2, reranker_scores.reshape(N, 1), Ws1, bs1.reshape(1, H // 2),
                Ws2.reshape(1, H // 2), bs2.reshape(1, 1), alpha)
    return out[:, 0]

# --- scband reference (transcript-rebuilt; emitter-appended) ---
"""Pipeline reference for scband-sagereranker-with-norm-48885317763286 (READ-ONLY COPY).

The authoritative reference and input builder live on the scoring server;
editing this copy changes nothing except your own understanding.
"""

import jax, jax.numpy as jnp
import numpy as np

N = 10000
E = 320000
D = 128
H = 128


def setup_inputs(seed: int = 0) -> dict:
    key = jax.random.key(seed)
    ks = jax.random.split(key, 20)
    s = 0.05
    inp = {}
    inp['x'] = jax.random.normal(ks[0], (N, D), dtype=jnp.float32)
    inp['edge_index'] = jax.random.randint(ks[1], (2, E), 0, N, dtype=jnp.int32)
    inp['reranker_scores'] = jax.random.normal(ks[2], (N,), dtype=jnp.float32)
    inp['Wp'] = jax.random.normal(ks[3], (D, H), dtype=jnp.float32) * s
    inp['bp'] = jnp.zeros((H,), dtype=jnp.float32)
    inp['Wl0'] = jax.random.normal(ks[4], (D, H), dtype=jnp.float32) * s
    inp['bl0'] = jnp.zeros((H,), dtype=jnp.float32)
    inp['Wr0'] = jax.random.normal(ks[5], (D, H), dtype=jnp.float32) * s
    inp['Wl1'] = jax.random.normal(ks[6], (H, H), dtype=jnp.float32) * s
    inp['bl1'] = jnp.zeros((H,), dtype=jnp.float32)
    inp['Wr1'] = jax.random.normal(ks[7], (H, H), dtype=jnp.float32) * s
    inp['Ws1'] = jax.random.normal(ks[8], (H, H // 2), dtype=jnp.float32) * s
    inp['bs1'] = jnp.zeros((H // 2,), dtype=jnp.float32)
    inp['Ws2'] = jax.random.normal(ks[9], (H // 2, 1), dtype=jnp.float32) * s
    inp['bs2'] = jnp.zeros((1,), dtype=jnp.float32)
    inp['alpha_logit'] = jnp.asarray(0.6190392, dtype=jnp.float32)  # logit(0.65)
    return inp


def _sage_conv(h, src, dst, Wl, bl, Wr, n):
    # PyG SAGEConv with mean aggregation: lin_l(mean_j x_j) + lin_r(x_i)
    msg = h[src]
    agg = jax.ops.segment_sum(msg, dst, num_segments=n)
    cnt = jax.ops.segment_sum(jnp.ones((src.shape[0],), dtype=h.dtype), dst, num_segments=n)
    mean = agg / jnp.maximum(cnt, 1.0)[:, None]
    return mean @ Wl + bl + h @ Wr


def reference(x, edge_index, reranker_scores, Wp, bp, Wl0, bl0, Wr0, Wl1, bl1, Wr1, Ws1, bs1, Ws2, bs2, alpha_logit):
    # norm_type == 'l2' input normalization (F.normalize, eps=1e-12)
    xn = x / jnp.maximum(jnp.linalg.norm(x, axis=-1, keepdims=True), 1e-12)
    residual = xn @ Wp + bp
    src = edge_index[0]
    dst = edge_index[1]
    # layer 0 (dropout inactive in eval mode)
    h1 = jax.nn.relu(_sage_conv(xn, src, dst, Wl0, bl0, Wr0, N)) + residual
    # layer 1
    h2 = jax.nn.relu(_sage_conv(h1, src, dst, Wl1, bl1, Wr1, N)) + h1
    gnn_scores = (jax.nn.relu(h2 @ Ws1 + bs1) @ Ws2 + bs2)[:, 0]
    alpha = jax.nn.sigmoid(alpha_logit)
    return alpha * reranker_scores + (1.0 - alpha) * gnn_scores

if __name__ == "__main__":
    import jax
    _d = setup_inputs()
    print(jax.jit(kernel)(*tuple(_d.values())))

</pallas_src>

<mosaic_0001>
#map = affine_map<(d0, d1) -> (0, 0)>
#map1 = affine_map<(d0, d1) -> (0)>
#map2 = affine_map<(d0, d1) -> (0, 0, 0)>
module attributes {stable_mosaic.version = 14 : i64} {
  func.func @sc_agg(%arg0: i32, %arg1: i32, %arg2: memref<10000x128xf32, #tpu.memory_space<hbm>>, %arg3: memref<327680xi32, #tpu.memory_space<hbm>>, %arg4: memref<2560x128xi32, #tpu.memory_space<hbm>>, %arg5: memref<128x128xf32, #tpu.memory_space<hbm>>, %arg6: memref<2x10240x128xf32, #tpu.memory_space<hbm>>, %arg7: memref<80x128xi32, #tpu.memory_space<vmem>>, %arg8: memref<128xi32, #tpu.memory_space<vmem>>, %arg9: memref<128xi32, #tpu.memory_space<vmem>>, %arg10: memref<128x128xf32, #tpu.memory_space<vmem>>, %arg11: memref<128x128xf32, #tpu.memory_space<vmem>>, %arg12: memref<10240x128xf32, #tpu.memory_space<vmem_shared>>, %arg13: memref<!tpu.dma_semaphore, #tpu.memory_space<semaphore_mem>>, %arg14: memref<!tpu.dma_semaphore, #tpu.memory_space<semaphore_mem>>) attributes {dimension_semantics = [#tpu.dimension_semantics<core_parallel>, #tpu.dimension_semantics<subcore_parallel>], iteration_bounds = array<i64: 2, 16>, scalar_prefetch = 0 : i64, scratch_operands = 8 : i64, tpu.core_type = #tpu.core_type<sc_vector_subcore>, window_params = [{transform_indices = #map}, {transform_indices = #map1}, {transform_indices = #map}, {transform_indices = #map}, {transform_indices = #map2}]} {
    %mul3A = arith.constant 2 : i32
    %mul3A_0 = arith.muli %arg1, %mul3A : i32
    %add3A = arith.addi %mul3A_0, %arg0 : i32
    %mul3A_1 = arith.constant 640 : i32
    %mul3A_2 = arith.muli %arg1, %mul3A_1 : i32
    %mul3A_3 = arith.constant 80 : i32
    %mul3A_4 = arith.muli %add3A, %mul3A_3 : i32
    "tpu.region"() ({
      %run_scoped3A = tpu.sem_alloc : memref<!tpu.dma_semaphore, #tpu.memory_space<semaphore_mem>>
      tpu.enqueue_dma source(%arg5 : memref<128x128xf32, #tpu.memory_space<hbm>>) target(%arg10 : memref<128x128xf32, #tpu.memory_space<vmem>>) target_semaphore(%run_scoped3A : memref<!tpu.dma_semaphore, #tpu.memory_space<semaphore_mem>>)
      tpu.wait_dma2 semaphore(%run_scoped3A : memref<!tpu.dma_semaphore, #tpu.memory_space<semaphore_mem>>) src(%arg5 : memref<128x128xf32, #tpu.memory_space<hbm>>) dst(%arg10 : memref<128x128xf32, #tpu.memory_space<vmem>>)
      tpu.yield
    }) : () -> ()
    %scan3A = arith.constant 0 : i32
    %scan3A_5 = arith.constant 5 : i32
    %scan3A_6 = arith.addi %scan3A, %scan3A_5 : i32
    %scan3A_7 = arith.constant 1 : i32
    scf.for %scan3A_36 = %scan3A to %scan3A_6 step %scan3A_7  : i32 {
      %mul3A_37 = arith.constant 1 : i32
      %mul3A_38 = arith.muli %scan3A_36, %mul3A_37 : i32
      %add3A_39 = arith.constant 0 : i32
      %add3A_40 = arith.addi %add3A_39, %mul3A_38 : i32
      %mul3A_41 = arith.constant 128 : i32
      %mul3A_42 = arith.muli %add3A_40, %mul3A_41 : i32
      %add3A_43 = arith.addi %mul3A_2, %mul3A_42 : i32
      "tpu.region"() ({
        %run_scoped3A = tpu.sem_alloc : memref<!tpu.dma_semaphore, #tpu.memory_space<semaphore_mem>>
        %dma_start3A_44 = arith.constant 0 : i32
        %dma_start3A_45 = tpu.memref_slice %arg12[%add3A_43, %dma_start3A_44] : memref<10240x128xf32, #tpu.memory_space<vmem_shared>> -> memref<128x128xf32, #tpu.memory_space<vmem_shared>>
        %dma_start3A_46 = arith.constant 0 : i32
        %dma_start3A_47 = tpu.memref_slice %arg12[%add3A_43, %dma_start3A_46] : memref<10240x128xf32, #tpu.memory_space<vmem_shared>> -> memref<128x128xf32, #tpu.memory_space<vmem_shared>>
        tpu.enqueue_dma source(%arg10 : memref<128x128xf32, #tpu.memory_space<vmem>>) target(%dma_start3A_47 : memref<128x128xf32, #tpu.memory_space<vmem_shared>>) target_semaphore(%run_scoped3A : memref<!tpu.dma_semaphore, #tpu.memory_space<semaphore_mem>>)
        %dma_wait3A_48 = arith.constant 0 : i32
        %dma_wait3A_49 = tpu.memref_slice %arg12[%add3A_43, %dma_wait3A_48] : memref<10240x128xf32, #tpu.memory_space<vmem_shared>> -> memref<128x128xf32, #tpu.memory_space<vmem_shared>>
        %dma_wait3A_50 = arith.constant 0 : i32
        %dma_wait3A_51 = tpu.memref_slice %arg12[%add3A_43, %dma_wait3A_50] : memref<10240x128xf32, #tpu.memory_space<vmem_shared>> -> memref<128x128xf32, #tpu.memory_space<vmem_shared>>
        tpu.wait_dma2 semaphore(%run_scoped3A : memref<!tpu.dma_semaphore, #tpu.memory_space<semaphore_mem>>) src(%arg10 : memref<128x128xf32, #tpu.memory_space<vmem>>) dst(%dma_wait3A_51 : memref<128x128xf32, #tpu.memory_space<vmem_shared>>)
        tpu.yield
      }) : () -> ()
    }
    %scan3A_8 = arith.constant 5 : i32
    "tpu.region"() ({
      %run_scoped3A = tpu.sem_alloc : memref<!tpu.dma_semaphore, #tpu.memory_space<semaphore_mem>>
      %dma_start3A_36 = arith.constant 0 : i32
      %dma_start3A_37 = tpu.memref_slice %arg4[%mul3A_4, %dma_start3A_36] : memref<2560x128xi32, #tpu.memory_space<hbm>> -> memref<80x128xi32, #tpu.memory_space<hbm>>
      %dma_start3A_38 = arith.constant 0 : i32
      %dma_start3A_39 = tpu.memref_slice %arg4[%mul3A_4, %dma_start3A_38] : memref<2560x128xi32, #tpu.memory_space<hbm>> -> memref<80x128xi32, #tpu.memory_space<hbm>>
      tpu.enqueue_dma source(%dma_start3A_39 : memref<80x128xi32, #tpu.memory_space<hbm>>) target(%arg7 : memref<80x128xi32, #tpu.memory_space<vmem>>) target_semaphore(%run_scoped3A : memref<!tpu.dma_semaphore, #tpu.memory_space<semaphore_mem>>)
      %dma_wait3A_40 = arith.constant 0 : i32
      %dma_wait3A_41 = tpu.memref_slice %arg4[%mul3A_4, %dma_wait3A_40] : memref<2560x128xi32, #tpu.memory_space<hbm>> -> memref<80x128xi32, #tpu.memory_space<hbm>>
      %dma_wait3A_42 = arith.constant 0 : i32
      %dma_wait3A_43 = tpu.memref_slice %arg4[%mul3A_4, %dma_wait3A_42] : memref<2560x128xi32, #tpu.memory_space<hbm>> -> memref<80x128xi32, #tpu.memory_space<hbm>>
      tpu.wait_dma2 semaphore(%run_scoped3A : memref<!tpu.dma_semaphore, #tpu.memory_space<semaphore_mem>>) src(%dma_wait3A_43 : memref<80x128xi32, #tpu.memory_space<hbm>>) dst(%arg7 : memref<80x128xi32, #tpu.memory_space<vmem>>)
      tpu.yield
    }) : () -> ()
    %barrier3A = arith.constant 0 : index
    tpu.barrier barrier_id(%barrier3A)
    %mul3A_9 = arith.constant 128 : i32
    %mul3A_10 = arith.muli %mul3A_4, %mul3A_9 : i32
    "tpu.region"() ({
      %run_scoped3A = tpu.sem_alloc : memref<!tpu.dma_semaphore, #tpu.memory_space<semaphore_mem>>
      %dma_start3A_36 = tpu.memref_slice %arg3[%mul3A_10] : memref<327680xi32, #tpu.memory_space<hbm>> -> memref<128xi32, #tpu.memory_space<hbm>>
      %dma_start3A_37 = tpu.memref_slice %arg3[%mul3A_10] : memref<327680xi32, #tpu.memory_space<hbm>> -> memref<128xi32, #tpu.memory_space<hbm>>
      tpu.enqueue_dma source(%dma_start3A_37 : memref<128xi32, #tpu.memory_space<hbm>>) target(%arg8 : memref<128xi32, #tpu.memory_space<vmem>>) target_semaphore(%run_scoped3A : memref<!tpu.dma_semaphore, #tpu.memory_space<semaphore_mem>>)
      %dma_wait3A_38 = tpu.memref_slice %arg3[%mul3A_10] : memref<327680xi32, #tpu.memory_space<hbm>> -> memref<128xi32, #tpu.memory_space<hbm>>
      %dma_wait3A_39 = tpu.memref_slice %arg3[%mul3A_10] : memref<327680xi32, #tpu.memory_space<hbm>> -> memref<128xi32, #tpu.memory_space<hbm>>
      tpu.wait_dma2 semaphore(%run_scoped3A : memref<!tpu.dma_semaphore, #tpu.memory_space<semaphore_mem>>) src(%dma_wait3A_39 : memref<128xi32, #tpu.memory_space<hbm>>) dst(%arg8 : memref<128xi32, #tpu.memory_space<vmem>>)
      tpu.yield
    }) : () -> ()
    %dma_start3A = arith.constant 0 : i32
    %dma_start3A_11 = arith.constant 0 : i32
    %dma_start3A_12 = tpu.memref_slice %arg2[%dma_start3A, %dma_start3A_11] : memref<10000x128xf32, #tpu.memory_space<hbm>> -> memref<10000x128xf32, #tpu.memory_space<hbm>>
    tpu.enqueue_indirect_dma source(%dma_start3A_12 : memref<10000x128xf32, #tpu.memory_space<hbm>>) target(%arg10 : memref<128x128xf32, #tpu.memory_space<vmem>>) offsets(%arg8 : memref<128xi32, #tpu.memory_space<vmem>>) semaphore(%arg13 : memref<!tpu.dma_semaphore, #tpu.memory_space<semaphore_mem>>)
    %scan3A_13 = arith.constant 0 : i32
    %scan3A_14 = arith.constant 39 : i32
    %scan3A_15 = arith.addi %scan3A_13, %scan3A_14 : i32
    %scan3A_16 = arith.constant 1 : i32
    scf.for %scan3A_36 = %scan3A_13 to %scan3A_15 step %scan3A_16  : i32 {
      %mul3A_37 = arith.constant 1 : i32
      %mul3A_38 = arith.muli %scan3A_36, %mul3A_37 : i32
      %add3A_39 = arith.constant 0 : i32
      %add3A_40 = arith.addi %add3A_39, %mul3A_38 : i32
      %mul3A_41 = arith.constant 2 : i32
      %mul3A_42 = arith.muli %mul3A_41, %add3A_40 : i32
      %add3A_43 = arith.addi %mul3A_4, %mul3A_42 : i32
      %add3A_44 = arith.constant 1 : i32
      %add3A_45 = arith.addi %add3A_43, %add3A_44 : i32
      %mul3A_46 = arith.constant 128 : i32
      %mul3A_47 = arith.muli %add3A_45, %mul3A_46 : i32
      "tpu.region"() ({
        %run_scoped3A = tpu.sem_alloc : memref<!tpu.dma_semaphore, #tpu.memory_space<semaphore_mem>>
        %dma_start3A_68 = tpu.memref_slice %arg3[%mul3A_47] : memref<327680xi32, #tpu.memory_space<hbm>> -> memref<128xi32, #tpu.memory_space<hbm>>
        %dma_start3A_69 = tpu.memref_slice %arg3[%mul3A_47] : memref<327680xi32, #tpu.memory_space<hbm>> -> memref<128xi32, #tpu.memory_space<hbm>>
        tpu.enqueue_dma source(%dma_start3A_69 : memref<128xi32, #tpu.memory_space<hbm>>) target(%arg9 : memref<128xi32, #tpu.memory_space<vmem>>) target_semaphore(%run_scoped3A : memref<!tpu.dma_semaphore, #tpu.memory_space<semaphore_mem>>)
        %dma_wait3A_70 = tpu.memref_slice %arg3[%mul3A_47] : memref<327680xi32, #tpu.memory_space<hbm>> -> memref<128xi32, #tpu.memory_space<hbm>>
        %dma_wait3A_71 = tpu.memref_slice %arg3[%mul3A_47] : memref<327680xi32, #tpu.memory_space<hbm>> -> memref<128xi32, #tpu.memory_space<hbm>>
        tpu.wait_dma2 semaphore(%run_scoped3A : memref<!tpu.dma_semaphore, #tpu.memory_space<semaphore_mem>>) src(%dma_wait3A_71 : memref<128xi32, #tpu.memory_space<hbm>>) dst(%arg9 : memref<128xi32, #tpu.memory_space<vmem>>)
        tpu.yield
      }) : () -> ()
      %dma_start3A_48 = arith.constant 0 : i32
      %dma_start3A_49 = arith.constant 0 : i32
      %dma_start3A_50 = tpu.memref_slice %arg2[%dma_start3A_48, %dma_start3A_49] : memref<10000x128xf32, #tpu.memory_space<hbm>> -> memref<10000x128xf32, #tpu.memory_space<hbm>>
      tpu.enqueue_indirect_dma source(%dma_start3A_50 : memref<10000x128xf32, #tpu.memory_space<hbm>>) target(%arg11 : memref<128x128xf32, #tpu.memory_space<vmem>>) offsets(%arg9 : memref<128xi32, #tpu.memory_space<vmem>>) semaphore(%arg14 : memref<!tpu.dma_semaphore, #tpu.memory_space<semaphore_mem>>)
      %dma_wait3A_51 = arith.constant 0 : i32
      %dma_wait3A_52 = arith.constant 0 : i32
      %dma_wait3A_53 = tpu.memref_slice %arg2[%dma_wait3A_51, %dma_wait3A_52] : memref<10000x128xf32, #tpu.memory_space<hbm>> -> memref<10000x128xf32, #tpu.memory_space<hbm>>
      tpu.wait_indirect_dma semaphore(%arg13 : memref<!tpu.dma_semaphore, #tpu.memory_space<semaphore_mem>>) src(%dma_wait3A_53 : memref<10000x128xf32, #tpu.memory_space<hbm>>) dst(%arg10 : memref<128x128xf32, #tpu.memory_space<vmem>>)
      %sub3A_54 = arith.subi %add3A_43, %mul3A_4 : i32
      "tpu.region"() ({
        %run_scoped3A = tpu.sem_alloc : memref<!tpu.dma_semaphore, #tpu.memory_space<semaphore_mem>>
        %dma_start3A_68 = arith.constant 0 : i32
        %dma_start3A_69 = tpu.memref_slice %arg7[%sub3A_54, %dma_start3A_68] : memref<80x128xi32, #tpu.memory_space<vmem>> -> memref<1x128xi32, #tpu.memory_space<vmem>>
        %dma_start3A_70 = tpu.memref_squeeze %dma_start3A_69 : memref<1x128xi32, #tpu.memory_space<vmem>> -> memref<128xi32, #tpu.memory_space<vmem>>
        %dma_start3A_71 = arith.constant 0 : i32
        %dma_start3A_72 = arith.constant 0 : i32
        %dma_start3A_73 = tpu.memref_slice %arg12[%dma_start3A_71, %dma_start3A_72] : memref<10240x128xf32, #tpu.memory_space<vmem_shared>> -> memref<10240x128xf32, #tpu.memory_space<vmem_shared>>
        tpu.enqueue_indirect_dma source(%arg10 : memref<128x128xf32, #tpu.memory_space<vmem>>) target(%dma_start3A_73 : memref<10240x128xf32, #tpu.memory_space<vmem_shared>>) offsets(%dma_start3A_70 : memref<128xi32, #tpu.memory_space<vmem>>) semaphore(%run_scoped3A : memref<!tpu.dma_semaphore, #tpu.memory_space<semaphore_mem>>) {add = true}
        %dma_wait3A_74 = arith.constant 0 : i32
        %dma_wait3A_75 = tpu.memref_slice %arg7[%sub3A_54, %dma_wait3A_74] : memref<80x128xi32, #tpu.memory_space<vmem>> -> memref<1x128xi32, #tpu.memory_space<vmem>>
        %dma_wait3A_76 = tpu.memref_squeeze %dma_wait3A_75 : memref<1x128xi32, #tpu.memory_space<vmem>> -> memref<128xi32, #tpu.memory_space<vmem>>
        %dma_wait3A_77 = arith.constant 0 : i32
        %dma_wait3A_78 = arith.constant 0 : i32
        %dma_wait3A_79 = tpu.memref_slice %arg12[%dma_wait3A_77, %dma_wait3A_78] : memref<10240x128xf32, #tpu.memory_space<vmem_shared>> -> memref<10240x128xf32, #tpu.memory_space<vmem_shared>>
        tpu.wait_indirect_dma semaphore(%run_scoped3A : memref<!tpu.dma_semaphore, #tpu.memory_space<semaphore_mem>>) src(%arg10 : memref<128x128xf32, #tpu.memory_space<vmem>>) dst(%dma_wait3A_79 : memref<10240x128xf32, #tpu.memory_space<vmem_shared>>)
        tpu.yield
      }) : () -> ()
      %add3A_55 = arith.constant 2 : i32
      %add3A_56 = arith.addi %add3A_43, %add3A_55 : i32
      %mul3A_57 = arith.constant 128 : i32
      %mul3A_58 = arith.muli %add3A_56, %mul3A_57 : i32
      "tpu.region"() ({
        %run_scoped3A = tpu.sem_alloc : memref<!tpu.dma_semaphore, #tpu.memory_space<semaphore_mem>>
        %dma_start3A_68 = tpu.memref_slice %arg3[%mul3A_58] : memref<327680xi32, #tpu.memory_space<hbm>> -> memref<128xi32, #tpu.memory_space<hbm>>
        %dma_start3A_69 = tpu.memref_slice %arg3[%mul3A_58] : memref<327680xi32, #tpu.memory_space<hbm>> -> memref<128xi32, #tpu.memory_space<hbm>>
        tpu.enqueue_dma source(%dma_start3A_69 : memref<128xi32, #tpu.memory_space<hbm>>) target(%arg8 : memref<128xi32, #tpu.memory_space<vmem>>) target_semaphore(%run_scoped3A : memref<!tpu.dma_semaphore, #tpu.memory_space<semaphore_mem>>)
        %dma_wait3A_70 = tpu.memref_slice %arg3[%mul3A_58] : memref<327680xi32, #tpu.memory_space<hbm>> -> memref<128xi32, #tpu.memory_space<hbm>>
        %dma_wait3A_71 = tpu.memref_slice %arg3[%mul3A_58] : memref<327680xi32, #tpu.memory_space<hbm>> -> memref<128xi32, #tpu.memory_space<hbm>>
        tpu.wait_dma2 semaphore(%run_scoped3A : memref<!tpu.dma_semaphore, #tpu.memory_space<semaphore_mem>>) src(%dma_wait3A_71 : memref<128xi32, #tpu.memory_space<hbm>>) dst(%arg8 : memref<128xi32, #tpu.memory_space<vmem>>)
        tpu.yield
      }) : () -> ()
      %dma_start3A_59 = arith.constant 0 : i32
      %dma_start3A_60 = arith.constant 0 : i32
      %dma_start3A_61 = tpu.memref_slice %arg2[%dma_start3A_59, %dma_start3A_60] : memref<10000x128xf32, #tpu.memory_space<hbm>> -> memref<10000x128xf32, #tpu.memory_space<hbm>>
      tpu.enqueue_indirect_dma source(%dma_start3A_61 : memref<10000x128xf32, #tpu.memory_space<hbm>>) target(%arg10 : memref<128x128xf32, #tpu.memory_space<vmem>>) offsets(%arg8 : memref<128xi32, #tpu.memory_space<vmem>>) semaphore(%arg13 : memref<!tpu.dma_semaphore, #tpu.memory_space<semaphore_mem>>)
      %dma_wait3A_62 = arith.constant 0 : i32
      %dma_wait3A_63 = arith.constant 0 : i32
      %dma_wait3A_64 = tpu.memref_slice %arg2[%dma_wait3A_62, %dma_wait3A_63] : memref<10000x128xf32, #tpu.memory_space<hbm>> -> memref<10000x128xf32, #tpu.memory_space<hbm>>
      tpu.wait_indirect_dma semaphore(%arg14 : memref<!tpu.dma_semaphore, #tpu.memory_space<semaphore_mem>>) src(%dma_wait3A_64 : memref<10000x128xf32, #tpu.memory_space<hbm>>) dst(%arg11 : memref<128x128xf32, #tpu.memory_space<vmem>>)
      %add3A_65 = arith.constant 1 : i32
      %add3A_66 = arith.addi %add3A_43, %add3A_65 : i32
      %sub3A_67 = arith.subi %add3A_66, %mul3A_4 : i32
      "tpu.region"() ({
        %run_scoped3A = tpu.sem_alloc : memref<!tpu.dma_semaphore, #tpu.memory_space<semaphore_mem>>
        %dma_start3A_68 = arith.constant 0 : i32
        %dma_start3A_69 = tpu.memref_slice %arg7[%sub3A_67, %dma_start3A_68] : memref<80x128xi32, #tpu.memory_space<vmem>> -> memref<1x128xi32, #tpu.memory_space<vmem>>
        %dma_start3A_70 = tpu.memref_squeeze %dma_start3A_69 : memref<1x128xi32, #tpu.memory_space<vmem>> -> memref<128xi32, #tpu.memory_space<vmem>>
        %dma_start3A_71 = arith.constant 0 : i32
        %dma_start3A_72 = arith.constant 0 : i32
        %dma_start3A_73 = tpu.memref_slice %arg12[%dma_start3A_71, %dma_start3A_72] : memref<10240x128xf32, #tpu.memory_space<vmem_shared>> -> memref<10240x128xf32, #tpu.memory_space<vmem_shared>>
        tpu.enqueue_indirect_dma source(%arg11 : memref<128x128xf32, #tpu.memory_space<vmem>>) target(%dma_start3A_73 : memref<10240x128xf32, #tpu.memory_space<vmem_shared>>) offsets(%dma_start3A_70 : memref<128xi32, #tpu.memory_space<vmem>>) semaphore(%run_scoped3A : memref<!tpu.dma_semaphore, #tpu.memory_space<semaphore_mem>>) {add = true}
        %dma_wait3A_74 = arith.constant 0 : i32
        %dma_wait3A_75 = tpu.memref_slice %arg7[%sub3A_67, %dma_wait3A_74] : memref<80x128xi32, #tpu.memory_space<vmem>> -> memref<1x128xi32, #tpu.memory_space<vmem>>
        %dma_wait3A_76 = tpu.memref_squeeze %dma_wait3A_75 : memref<1x128xi32, #tpu.memory_space<vmem>> -> memref<128xi32, #tpu.memory_space<vmem>>
        %dma_wait3A_77 = arith.constant 0 : i32
        %dma_wait3A_78 = arith.constant 0 : i32
        %dma_wait3A_79 = tpu.memref_slice %arg12[%dma_wait3A_77, %dma_wait3A_78] : memref<10240x128xf32, #tpu.memory_space<vmem_shared>> -> memref<10240x128xf32, #tpu.memory_space<vmem_shared>>
        tpu.wait_indirect_dma semaphore(%run_scoped3A : memref<!tpu.dma_semaphore, #tpu.memory_space<semaphore_mem>>) src(%arg11 : memref<128x128xf32, #tpu.memory_space<vmem>>) dst(%dma_wait3A_79 : memref<10240x128xf32, #tpu.memory_space<vmem_shared>>)
        tpu.yield
      }) : () -> ()
    }
    %scan3A_17 = arith.constant 39 : i32
    %add3A_18 = arith.constant 80 : i32
    %add3A_19 = arith.addi %mul3A_4, %add3A_18 : i32
    %sub3A = arith.constant 1 : i32
    %sub3A_20 = arith.subi %add3A_19, %sub3A : i32
    %mul3A_21 = arith.constant 128 : i32
    %mul3A_22 = arith.muli %sub3A_20, %mul3A_21 : i32
    "tpu.region"() ({
      %run_scoped3A = tpu.sem_alloc : memref<!tpu.dma_semaphore, #tpu.memory_space<semaphore_mem>>
      %dma_start3A_36 = tpu.memref_slice %arg3[%mul3A_22] : memref<327680xi32, #tpu.memory_space<hbm>> -> memref<128xi32, #tpu.memory_space<hbm>>
      %dma_start3A_37 = tpu.memref_slice %arg3[%mul3A_22] : memref<327680xi32, #tpu.memory_space<hbm>> -> memref<128xi32, #tpu.memory_space<hbm>>
      tpu.enqueue_dma source(%dma_start3A_37 : memref<128xi32, #tpu.memory_space<hbm>>) target(%arg9 : memref<128xi32, #tpu.memory_space<vmem>>) target_semaphore(%run_scoped3A : memref<!tpu.dma_semaphore, #tpu.memory_space<semaphore_mem>>)
      %dma_wait3A_38 = tpu.memref_slice %arg3[%mul3A_22] : memref<327680xi32, #tpu.memory_space<hbm>> -> memref<128xi32, #tpu.memory_space<hbm>>
      %dma_wait3A_39 = tpu.memref_slice %arg3[%mul3A_22] : memref<327680xi32, #tpu.memory_space<hbm>> -> memref<128xi32, #tpu.memory_space<hbm>>
      tpu.wait_dma2 semaphore(%run_scoped3A : memref<!tpu.dma_semaphore, #tpu.memory_space<semaphore_mem>>) src(%dma_wait3A_39 : memref<128xi32, #tpu.memory_space<hbm>>) dst(%arg9 : memref<128xi32, #tpu.memory_space<vmem>>)
      tpu.yield
    }) : () -> ()
    %dma_start3A_23 = arith.constant 0 : i32
    %dma_start3A_24 = arith.constant 0 : i32
    %dma_start3A_25 = tpu.memref_slice %arg2[%dma_start3A_23, %dma_start3A_24] : memref<10000x128xf32, #tpu.memory_space<hbm>> -> memref<10000x128xf32, #tpu.memory_space<hbm>>
    tpu.enqueue_indirect_dma source(%dma_start3A_25 : memref<10000x128xf32, #tpu.memory_space<hbm>>) target(%arg11 : memref<128x128xf32, #tpu.memory_space<vmem>>) offsets(%arg9 : memref<128xi32, #tpu.memory_space<vmem>>) semaphore(%arg14 : memref<!tpu.dma_semaphore, #tpu.memory_space<semaphore_mem>>)
    %dma_wait3A = arith.constant 0 : i32
    %dma_wait3A_26 = arith.constant 0 : i32
    %dma_wait3A_27 = tpu.memref_slice %arg2[%dma_wait3A, %dma_wait3A_26] : memref<10000x128xf32, #tpu.memory_space<hbm>> -> memref<10000x128xf32, #tpu.memory_space<hbm>>
    tpu.wait_indirect_dma semaphore(%arg13 : memref<!tpu.dma_semaphore, #tpu.memory_space<semaphore_mem>>) src(%dma_wait3A_27 : memref<10000x128xf32, #tpu.memory_space<hbm>>) dst(%arg10 : memref<128x128xf32, #tpu.memory_space<vmem>>)
    %sub3A_28 = arith.constant 1 : i32
    %sub3A_29 = arith.subi %sub3A_20, %sub3A_28 : i32
    %sub3A_30 = arith.subi %sub3A_29, %mul3A_4 : i32
    "tpu.region"() ({
      %run_scoped3A = tpu.sem_alloc : memref<!tpu.dma_semaphore, #tpu.memory_space<semaphore_mem>>
      %dma_start3A_36 = arith.constant 0 : i32
      %dma_start3A_37 = tpu.memref_slice %arg7[%sub3A_30, %dma_start3A_36] : memref<80x128xi32, #tpu.memory_space<vmem>> -> memref<1x128xi32, #tpu.memory_space<vmem>>
      %dma_start3A_38 = tpu.memref_squeeze %dma_start3A_37 : memref<1x128xi32, #tpu.memory_space<vmem>> -> memref<128xi32, #tpu.memory_space<vmem>>
      %dma_start3A_39 = arith.constant 0 : i32
      %dma_start3A_40 = arith.constant 0 : i32
      %dma_start3A_41 = tpu.memref_slice %arg12[%dma_start3A_39, %dma_start3A_40] : memref<10240x128xf32, #tpu.memory_space<vmem_shared>> -> memref<10240x128xf32, #tpu.memory_space<vmem_shared>>
      tpu.enqueue_indirect_dma source(%arg10 : memref<128x128xf32, #tpu.memory_space<vmem>>) target(%dma_start3A_41 : memref<10240x128xf32, #tpu.memory_space<vmem_shared>>) offsets(%dma_start3A_38 : memref<128xi32, #tpu.memory_space<vmem>>) semaphore(%run_scoped3A : memref<!tpu.dma_semaphore, #tpu.memory_space<semaphore_mem>>) {add = true}
      %dma_wait3A_42 = arith.constant 0 : i32
      %dma_wait3A_43 = tpu.memref_slice %arg7[%sub3A_30, %dma_wait3A_42] : memref<80x128xi32, #tpu.memory_space<vmem>> -> memref<1x128xi32, #tpu.memory_space<vmem>>
      %dma_wait3A_44 = tpu.memref_squeeze %dma_wait3A_43 : memref<1x128xi32, #tpu.memory_space<vmem>> -> memref<128xi32, #tpu.memory_space<vmem>>
      %dma_wait3A_45 = arith.constant 0 : i32
      %dma_wait3A_46 = arith.constant 0 : i32
      %dma_wait3A_47 = tpu.memref_slice %arg12[%dma_wait3A_45, %dma_wait3A_46] : memref<10240x128xf32, #tpu.memory_space<vmem_shared>> -> memref<10240x128xf32, #tpu.memory_space<vmem_shared>>
      tpu.wait_indirect_dma semaphore(%run_scoped3A : memref<!tpu.dma_semaphore, #tpu.memory_space<semaphore_mem>>) src(%arg10 : memref<128x128xf32, #tpu.memory_space<vmem>>) dst(%dma_wait3A_47 : memref<10240x128xf32, #tpu.memory_space<vmem_shared>>)
      tpu.yield
    }) : () -> ()
    %dma_wait3A_31 = arith.constant 0 : i32
    %dma_wait3A_32 = arith.constant 0 : i32
    %dma_wait3A_33 = tpu.memref_slice %arg2[%dma_wait3A_31, %dma_wait3A_32] : memref<10000x128xf32, #tpu.memory_space<hbm>> -> memref<10000x128xf32, #tpu.memory_space<hbm>>
    tpu.wait_indirect_dma semaphore(%arg14 : memref<!tpu.dma_semaphore, #tpu.memory_space<semaphore_mem>>) src(%dma_wait3A_33 : memref<10000x128xf32, #tpu.memory_space<hbm>>) dst(%arg11 : memref<128x128xf32, #tpu.memory_space<vmem>>)
    %sub3A_34 = arith.subi %sub3A_20, %mul3A_4 : i32
    "tpu.region"() ({
      %run_scoped3A = tpu.sem_alloc : memref<!tpu.dma_semaphore, #tpu.memory_space<semaphore_mem>>
      %dma_start3A_36 = arith.constant 0 : i32
      %dma_start3A_37 = tpu.memref_slice %arg7[%sub3A_34, %dma_start3A_36] : memref<80x128xi32, #tpu.memory_space<vmem>> -> memref<1x128xi32, #tpu.memory_space<vmem>>
      %dma_start3A_38 = tpu.memref_squeeze %dma_start3A_37 : memref<1x128xi32, #tpu.memory_space<vmem>> -> memref<128xi32, #tpu.memory_space<vmem>>
      %dma_start3A_39 = arith.constant 0 : i32
      %dma_start3A_40 = arith.constant 0 : i32
      %dma_start3A_41 = tpu.memref_slice %arg12[%dma_start3A_39, %dma_start3A_40] : memref<10240x128xf32, #tpu.memory_space<vmem_shared>> -> memref<10240x128xf32, #tpu.memory_space<vmem_shared>>
      tpu.enqueue_indirect_dma source(%arg11 : memref<128x128xf32, #tpu.memory_space<vmem>>) target(%dma_start3A_41 : memref<10240x128xf32, #tpu.memory_space<vmem_shared>>) offsets(%dma_start3A_38 : memref<128xi32, #tpu.memory_space<vmem>>) semaphore(%run_scoped3A : memref<!tpu.dma_semaphore, #tpu.memory_space<semaphore_mem>>) {add = true}
      %dma_wait3A_42 = arith.constant 0 : i32
      %dma_wait3A_43 = tpu.memref_slice %arg7[%sub3A_34, %dma_wait3A_42] : memref<80x128xi32, #tpu.memory_space<vmem>> -> memref<1x128xi32, #tpu.memory_space<vmem>>
      %dma_wait3A_44 = tpu.memref_squeeze %dma_wait3A_43 : memref<1x128xi32, #tpu.memory_space<vmem>> -> memref<128xi32, #tpu.memory_space<vmem>>
      %dma_wait3A_45 = arith.constant 0 : i32
      %dma_wait3A_46 = arith.constant 0 : i32
      %dma_wait3A_47 = tpu.memref_slice %arg12[%dma_wait3A_45, %dma_wait3A_46] : memref<10240x128xf32, #tpu.memory_space<vmem_shared>> -> memref<10240x128xf32, #tpu.memory_space<vmem_shared>>
      tpu.wait_indirect_dma semaphore(%run_scoped3A : memref<!tpu.dma_semaphore, #tpu.memory_space<semaphore_mem>>) src(%arg11 : memref<128x128xf32, #tpu.memory_space<vmem>>) dst(%dma_wait3A_47 : memref<10240x128xf32, #tpu.memory_space<vmem_shared>>)
      tpu.yield
    }) : () -> ()
    %barrier3A_35 = arith.constant 0 : index
    tpu.barrier barrier_id(%barrier3A_35)
    "tpu.region"() ({
      %run_scoped3A = tpu.sem_alloc : memref<!tpu.dma_semaphore, #tpu.memory_space<semaphore_mem>>
      %dma_start3A_36 = arith.constant 0 : i32
      %dma_start3A_37 = tpu.memref_slice %arg6[%arg0, %mul3A_2, %dma_start3A_36] : memref<2x10240x128xf32, #tpu.memory_space<hbm>> -> memref<1x640x128xf32, #tpu.memory_space<hbm>>
      %dma_start3A_38 = tpu.memref_squeeze %dma_start3A_37 : memref<1x640x128xf32, #tpu.memory_space<hbm>> -> memref<640x128xf32, #tpu.memory_space<hbm>>
      %dma_start3A_39 = arith.constant 0 : i32
      %dma_start3A_40 = tpu.memref_slice %arg12[%mul3A_2, %dma_start3A_39] : memref<10240x128xf32, #tpu.memory_space<vmem_shared>> -> memref<640x128xf32, #tpu.memory_space<vmem_shared>>
      tpu.enqueue_dma source(%dma_start3A_40 : memref<640x128xf32, #tpu.memory_space<vmem_shared>>) target(%dma_start3A_38 : memref<640x128xf32, #tpu.memory_space<hbm>>) target_semaphore(%run_scoped3A : memref<!tpu.dma_semaphore, #tpu.memory_space<semaphore_mem>>)
      %dma_wait3A_41 = arith.constant 0 : i32
      %dma_wait3A_42 = tpu.memref_slice %arg6[%arg0, %mul3A_2, %dma_wait3A_41] : memref<2x10240x128xf32, #tpu.memory_space<hbm>> -> memref<1x640x128xf32, #tpu.memory_space<hbm>>
      %dma_wait3A_43 = tpu.memref_squeeze %dma_wait3A_42 : memref<1x640x128xf32, #tpu.memory_space<hbm>> -> memref<640x128xf32, #tpu.memory_space<hbm>>
      %dma_wait3A_44 = arith.constant 0 : i32
      %dma_wait3A_45 = tpu.memref_slice %arg12[%mul3A_2, %dma_wait3A_44] : memref<10240x128xf32, #tpu.memory_space<vmem_shared>> -> memref<640x128xf32, #tpu.memory_space<vmem_shared>>
      tpu.wait_dma2 semaphore(%run_scoped3A : memref<!tpu.dma_semaphore, #tpu.memory_space<semaphore_mem>>) src(%dma_wait3A_45 : memref<640x128xf32, #tpu.memory_space<vmem_shared>>) dst(%dma_wait3A_43 : memref<640x128xf32, #tpu.memory_space<hbm>>)
      tpu.yield
    }) : () -> ()
    return
  }
}

#map = affine_map<(d0, d1) -> (0, 0)>
#map1 = affine_map<(d0, d1) -> (0, 0, 0)>
module attributes {stable_mosaic.version = 14 : i64} {
  func.func @sc_cnt(%arg0: i32, %arg1: i32, %arg2: memref<2560x128xi32, #tpu.memory_space<hbm>>, %arg3: memref<128x128xf32, #tpu.memory_space<hbm>>, %arg4: memref<128x128xf32, #tpu.memory_space<hbm>>, %arg5: memref<2x10240x128xf32, #tpu.memory_space<hbm>>, %arg6: memref<80x128xi32, #tpu.memory_space<vmem>>, %arg7: memref<128x128xf32, #tpu.memory_space<vmem>>, %arg8: memref<128x128xf32, #tpu.memory_space<vmem>>, %arg9: memref<10240x128xf32, #tpu.memory_space<vmem_shared>>, %arg10: memref<!tpu.dma_semaphore, #tpu.memory_space<semaphore_mem>>) attributes {dimension_semantics = [#tpu.dimension_semantics<core_parallel>, #tpu.dimension_semantics<subcore_parallel>], iteration_bounds = array<i64: 2, 16>, scalar_prefetch = 0 : i64, scratch_operands = 5 : i64, tpu.core_type = #tpu.core_type<sc_vector_subcore>, window_params = [{transform_indices = #map}, {transform_indices = #map}, {transform_indices = #map}, {transform_indices = #map1}]} {
    %mul3A = arith.constant 2 : i32
    %mul3A_0 = arith.muli %arg1, %mul3A : i32
    %add3A = arith.addi %mul3A_0, %arg0 : i32
    %mul3A_1 = arith.constant 640 : i32
    %mul3A_2 = arith.muli %arg1, %mul3A_1 : i32
    %mul3A_3 = arith.constant 80 : i32
    %mul3A_4 = arith.muli %add3A, %mul3A_3 : i32
    "tpu.region"() ({
      %run_scoped3A = tpu.sem_alloc : memref<!tpu.dma_semaphore, #tpu.memory_space<semaphore_mem>>
      tpu.enqueue_dma source(%arg3 : memref<128x128xf32, #tpu.memory_space<hbm>>) target(%arg8 : memref<128x128xf32, #tpu.memory_space<vmem>>) target_semaphore(%run_scoped3A : memref<!tpu.dma_semaphore, #tpu.memory_space<semaphore_mem>>)
      tpu.wait_dma2 semaphore(%run_scoped3A : memref<!tpu.dma_semaphore, #tpu.memory_space<semaphore_mem>>) src(%arg3 : memref<128x128xf32, #tpu.memory_space<hbm>>) dst(%arg8 : memref<128x128xf32, #tpu.memory_space<vmem>>)
      tpu.yield
    }) : () -> ()
    "tpu.region"() ({
      %run_scoped3A = tpu.sem_alloc : memref<!tpu.dma_semaphore, #tpu.memory_space<semaphore_mem>>
      tpu.enqueue_dma source(%arg4 : memref<128x128xf32, #tpu.memory_space<hbm>>) target(%arg7 : memref<128x128xf32, #tpu.memory_space<vmem>>) target_semaphore(%run_scoped3A : memref<!tpu.dma_semaphore, #tpu.memory_space<semaphore_mem>>)
      tpu.wait_dma2 semaphore(%run_scoped3A : memref<!tpu.dma_semaphore, #tpu.memory_space<semaphore_mem>>) src(%arg4 : memref<128x128xf32, #tpu.memory_space<hbm>>) dst(%arg7 : memref<128x128xf32, #tpu.memory_space<vmem>>)
      tpu.yield
    }) : () -> ()
    "tpu.region"() ({
      %run_scoped3A = tpu.sem_alloc : memref<!tpu.dma_semaphore, #tpu.memory_space<semaphore_mem>>
      %dma_start3A = arith.constant 0 : i32
      %dma_start3A_15 = tpu.memref_slice %arg2[%mul3A_4, %dma_start3A] : memref<2560x128xi32, #tpu.memory_space<hbm>> -> memref<80x128xi32, #tpu.memory_space<hbm>>
      %dma_start3A_16 = arith.constant 0 : i32
      %dma_start3A_17 = tpu.memref_slice %arg2[%mul3A_4, %dma_start3A_16] : memref<2560x128xi32, #tpu.memory_space<hbm>> -> memref<80x128xi32, #tpu.memory_space<hbm>>
      tpu.enqueue_dma source(%dma_start3A_17 : memref<80x128xi32, #tpu.memory_space<hbm>>) target(%arg6 : memref<80x128xi32, #tpu.memory_space<vmem>>) target_semaphore(%run_scoped3A : memref<!tpu.dma_semaphore, #tpu.memory_space<semaphore_mem>>)
      %dma_wait3A = arith.constant 0 : i32
      %dma_wait3A_18 = tpu.memref_slice %arg2[%mul3A_4, %dma_wait3A] : memref<2560x128xi32, #tpu.memory_space<hbm>> -> memref<80x128xi32, #tpu.memory_space<hbm>>
      %dma_wait3A_19 = arith.constant 0 : i32
      %dma_wait3A_20 = tpu.memref_slice %arg2[%mul3A_4, %dma_wait3A_19] : memref<2560x128xi32, #tpu.memory_space<hbm>> -> memref<80x128xi32, #tpu.memory_space<hbm>>
      tpu.wait_dma2 semaphore(%run_scoped3A : memref<!tpu.dma_semaphore, #tpu.memory_space<semaphore_mem>>) src(%dma_wait3A_20 : memref<80x128xi32, #tpu.memory_space<hbm>>) dst(%arg6 : memref<80x128xi32, #tpu.memory_space<vmem>>)
      tpu.yield
    }) : () -> ()
    %scan3A = arith.constant 0 : i32
    %scan3A_5 = arith.constant 5 : i32
    %scan3A_6 = arith.addi %scan3A, %scan3A_5 : i32
    %scan3A_7 = arith.constant 1 : i32
    scf.for %scan3A_15 = %scan3A to %scan3A_6 step %scan3A_7  : i32 {
      %mul3A_16 = arith.constant 1 : i32
      %mul3A_17 = arith.muli %scan3A_15, %mul3A_16 : i32
      %add3A_18 = arith.constant 0 : i32
      %add3A_19 = arith.addi %add3A_18, %mul3A_17 : i32
      %mul3A_20 = arith.constant 128 : i32
      %mul3A_21 = arith.muli %add3A_19, %mul3A_20 : i32
      %add3A_22 = arith.addi %mul3A_2, %mul3A_21 : i32
      "tpu.region"() ({
        %run_scoped3A = tpu.sem_alloc : memref<!tpu.dma_semaphore, #tpu.memory_space<semaphore_mem>>
        %dma_start3A = arith.constant 0 : i32
        %dma_start3A_23 = tpu.memref_slice %arg9[%add3A_22, %dma_start3A] : memref<10240x128xf32, #tpu.memory_space<vmem_shared>> -> memref<128x128xf32, #tpu.memory_space<vmem_shared>>
        %dma_start3A_24 = arith.constant 0 : i32
        %dma_start3A_25 = tpu.memref_slice %arg9[%add3A_22, %dma_start3A_24] : memref<10240x128xf32, #tpu.memory_space<vmem_shared>> -> memref<128x128xf32, #tpu.memory_space<vmem_shared>>
        tpu.enqueue_dma source(%arg8 : memref<128x128xf32, #tpu.memory_space<vmem>>) target(%dma_start3A_25 : memref<128x128xf32, #tpu.memory_space<vmem_shared>>) target_semaphore(%run_scoped3A : memref<!tpu.dma_semaphore, #tpu.memory_space<semaphore_mem>>)
        %dma_wait3A = arith.constant 0 : i32
        %dma_wait3A_26 = tpu.memref_slice %arg9[%add3A_22, %dma_wait3A] : memref<10240x128xf32, #tpu.memory_space<vmem_shared>> -> memref<128x128xf32, #tpu.memory_space<vmem_shared>>
        %dma_wait3A_27 = arith.constant 0 : i32
        %dma_wait3A_28 = tpu.memref_slice %arg9[%add3A_22, %dma_wait3A_27] : memref<10240x128xf32, #tpu.memory_space<vmem_shared>> -> memref<128x128xf32, #tpu.memory_space<vmem_shared>>
        tpu.wait_dma2 semaphore(%run_scoped3A : memref<!tpu.dma_semaphore, #tpu.memory_space<semaphore_mem>>) src(%arg8 : memref<128x128xf32, #tpu.memory_space<vmem>>) dst(%dma_wait3A_28 : memref<128x128xf32, #tpu.memory_space<vmem_shared>>)
        tpu.yield
      }) : () -> ()
    }
    %scan3A_8 = arith.constant 5 : i32
    %barrier3A = arith.constant 0 : index
    tpu.barrier barrier_id(%barrier3A)
    %scan3A_9 = arith.constant 0 : i32
    %scan3A_10 = arith.constant 5 : i32
    %scan3A_11 = arith.addi %scan3A_9, %scan3A_10 : i32
    %scan3A_12 = arith.constant 1 : i32
    scf.for %scan3A_15 = %scan3A_9 to %scan3A_11 step %scan3A_12  : i32 {
      %mul3A_16 = arith.constant 1 : i32
      %mul3A_17 = arith.muli %scan3A_15, %mul3A_16 : i32
      %add3A_18 = arith.constant 0 : i32
      %add3A_19 = arith.addi %add3A_18, %mul3A_17 : i32
      %scan3A_20 = arith.constant 0 : i32
      %scan3A_21 = arith.constant 16 : i32
      %scan3A_22 = arith.addi %scan3A_20, %scan3A_21 : i32
      %scan3A_23 = arith.constant 1 : i32
      scf.for %scan3A_30 = %scan3A_20 to %scan3A_22 step %scan3A_23  : i32 {
        %mul3A_31 = arith.constant 1 : i32
        %mul3A_32 = arith.muli %scan3A_30, %mul3A_31 : i32
        %add3A_33 = arith.constant 0 : i32
        %add3A_34 = arith.addi %add3A_33, %mul3A_32 : i32
        %mul3A_35 = arith.constant 16 : i32
        %mul3A_36 = arith.muli %add3A_19, %mul3A_35 : i32
        %add3A_37 = arith.addi %mul3A_36, %add3A_34 : i32
        %dma_start3A = arith.constant 0 : i32
        %dma_start3A_38 = tpu.memref_slice %arg6[%add3A_37, %dma_start3A] : memref<80x128xi32, #tpu.memory_space<vmem>> -> memref<1x128xi32, #tpu.memory_space<vmem>>
        %dma_start3A_39 = tpu.memref_squeeze %dma_start3A_38 : memref<1x128xi32, #tpu.memory_space<vmem>> -> memref<128xi32, #tpu.memory_space<vmem>>
        %dma_start3A_40 = arith.constant 0 : i32
        %dma_start3A_41 = arith.constant 0 : i32
        %dma_start3A_42 = tpu.memref_slice %arg9[%dma_start3A_40, %dma_start3A_41] : memref<10240x128xf32, #tpu.memory_space<vmem_shared>> -> memref<10240x128xf32, #tpu.memory_space<vmem_shared>>
        tpu.enqueue_indirect_dma source(%arg7 : memref<128x128xf32, #tpu.memory_space<vmem>>) target(%dma_start3A_42 : memref<10240x128xf32, #tpu.memory_space<vmem_shared>>) offsets(%dma_start3A_39 : memref<128xi32, #tpu.memory_space<vmem>>) semaphore(%arg10 : memref<!tpu.dma_semaphore, #tpu.memory_space<semaphore_mem>>) {add = true}
      }
      %scan3A_24 = arith.constant 16 : i32
      %scan3A_25 = arith.constant 0 : i32
      %scan3A_26 = arith.constant 16 : i32
      %scan3A_27 = arith.addi %scan3A_25, %scan3A_26 : i32
      %scan3A_28 = arith.constant 1 : i32
      scf.for %scan3A_30 = %scan3A_25 to %scan3A_27 step %scan3A_28  : i32 {
        %mul3A_31 = arith.constant 1 : i32
        %mul3A_32 = arith.muli %scan3A_30, %mul3A_31 : i32
        %add3A_33 = arith.constant 0 : i32
        %add3A_34 = arith.addi %add3A_33, %mul3A_32 : i32
        %mul3A_35 = arith.constant 16 : i32
        %mul3A_36 = arith.muli %add3A_19, %mul3A_35 : i32
        %add3A_37 = arith.addi %mul3A_36, %add3A_34 : i32
        %dma_wait3A = arith.constant 0 : i32
        %dma_wait3A_38 = tpu.memref_slice %arg6[%add3A_37, %dma_wait3A] : memref<80x128xi32, #tpu.memory_space<vmem>> -> memref<1x128xi32, #tpu.memory_space<vmem>>
        %dma_wait3A_39 = tpu.memref_squeeze %dma_wait3A_38 : memref<1x128xi32, #tpu.memory_space<vmem>> -> memref<128xi32, #tpu.memory_space<vmem>>
        %dma_wait3A_40 = arith.constant 0 : i32
        %dma_wait3A_41 = arith.constant 0 : i32
        %dma_wait3A_42 = tpu.memref_slice %arg9[%dma_wait3A_40, %dma_wait3A_41] : memref<10240x128xf32, #tpu.memory_space<vmem_shared>> -> memref<10240x128xf32, #tpu.memory_space<vmem_shared>>
        tpu.wait_indirect_dma semaphore(%arg10 : memref<!tpu.dma_semaphore, #tpu.memory_space<semaphore_mem>>) src(%arg7 : memref<128x128xf32, #tpu.memory_space<vmem>>) dst(%dma_wait3A_42 : memref<10240x128xf32, #tpu.memory_space<vmem_shared>>)
      }
      %scan3A_29 = arith.constant 16 : i32
    }
    %scan3A_13 = arith.constant 5 : i32
    %barrier3A_14 = arith.constant 0 : index
    tpu.barrier barrier_id(%barrier3A_14)
    "tpu.region"() ({
      %run_scoped3A = tpu.sem_alloc : memref<!tpu.dma_semaphore, #tpu.memory_space<semaphore_mem>>
      %dma_start3A = arith.constant 0 : i32
      %dma_start3A_15 = tpu.memref_slice %arg5[%arg0, %mul3A_2, %dma_start3A] : memref<2x10240x128xf32, #tpu.memory_space<hbm>> -> memref<1x640x128xf32, #tpu.memory_space<hbm>>
      %dma_start3A_16 = tpu.memref_squeeze %dma_start3A_15 : memref<1x640x128xf32, #tpu.memory_space<hbm>> -> memref<640x128xf32, #tpu.memory_space<hbm>>
      %dma_start3A_17 = arith.constant 0 : i32
      %dma_start3A_18 = tpu.memref_slice %arg9[%mul3A_2, %dma_start3A_17] : memref<10240x128xf32, #tpu.memory_space<vmem_shared>> -> memref<640x128xf32, #tpu.memory_space<vmem_shared>>
      tpu.enqueue_dma source(%dma_start3A_18 : memref<640x128xf32, #tpu.memory_space<vmem_shared>>) target(%dma_start3A_16 : memref<640x128xf32, #tpu.memory_space<hbm>>) target_semaphore(%run_scoped3A : memref<!tpu.dma_semaphore, #tpu.memory_space<semaphore_mem>>)
      %dma_wait3A = arith.constant 0 : i32
      %dma_wait3A_19 = tpu.memref_slice %arg5[%arg0, %mul3A_2, %dma_wait3A] : memref<2x10240x128xf32, #tpu.memory_space<hbm>> -> memref<1x640x128xf32, #tpu.memory_space<hbm>>
      %dma_wait3A_20 = tpu.memref_squeeze %dma_wait3A_19 : memref<1x640x128xf32, #tpu.memory_space<hbm>> -> memref<640x128xf32, #tpu.memory_space<hbm>>
      %dma_wait3A_21 = arith.constant 0 : i32
      %dma_wait3A_22 = tpu.memref_slice %arg9[%mul3A_2, %dma_wait3A_21] : memref<10240x128xf32, #tpu.memory_space<vmem_shared>> -> memref<640x128xf32, #tpu.memory_space<vmem_shared>>
      tpu.wait_dma2 semaphore(%run_scoped3A : memref<!tpu.dma_semaphore, #tpu.memory_space<semaphore_mem>>) src(%dma_wait3A_22 : memref<640x128xf32, #tpu.memory_space<vmem_shared>>) dst(%dma_wait3A_20 : memref<640x128xf32, #tpu.memory_space<hbm>>)
      tpu.yield
    }) : () -> ()
    return
  }
}

#map = affine_map<(d0, d1) -> (0, 0)>
#map1 = affine_map<(d0, d1) -> (0)>
#map2 = affine_map<(d0, d1) -> (0, 0, 0)>
module attributes {stable_mosaic.version = 14 : i64} {
  func.func @sc_agg(%arg0: i32, %arg1: i32, %arg2: memref<10000x128xf32, #tpu.memory_space<hbm>>, %arg3: memref<327680xi32, #tpu.memory_space<hbm>>, %arg4: memref<2560x128xi32, #tpu.memory_space<hbm>>, %arg5: memref<128x128xf32, #tpu.memory_space<hbm>>, %arg6: memref<2x10240x128xf32, #tpu.memory_space<hbm>>, %arg7: memref<80x128xi32, #tpu.memory_space<vmem>>, %arg8: memref<128xi32, #tpu.memory_space<vmem>>, %arg9: memref<128xi32, #tpu.memory_space<vmem>>, %arg10: memref<128x128xf32, #tpu.memory_space<vmem>>, %arg11: memref<128x128xf32, #tpu.memory_space<vmem>>, %arg12: memref<10240x128xf32, #tpu.memory_space<vmem_shared>>, %arg13: memref<!tpu.dma_semaphore, #tpu.memory_space<semaphore_mem>>, %arg14: memref<!tpu.dma_semaphore, #tpu.memory_space<semaphore_mem>>) attributes {dimension_semantics = [#tpu.dimension_semantics<core_parallel>, #tpu.dimension_semantics<subcore_parallel>], iteration_bounds = array<i64: 2, 16>, scalar_prefetch = 0 : i64, scratch_operands = 8 : i64, tpu.core_type = #tpu.core_type<sc_vector_subcore>, window_params = [{transform_indices = #map}, {transform_indices = #map1}, {transform_indices = #map}, {transform_indices = #map}, {transform_indices = #map2}]} {
    %mul3A = arith.constant 2 : i32
    %mul3A_0 = arith.muli %arg1, %mul3A : i32
    %add3A = arith.addi %mul3A_0, %arg0 : i32
    %mul3A_1 = arith.constant 640 : i32
    %mul3A_2 = arith.muli %arg1, %mul3A_1 : i32
    %mul3A_3 = arith.constant 80 : i32
    %mul3A_4 = arith.muli %add3A, %mul3A_3 : i32
    "tpu.region"() ({
      %run_scoped3A = tpu.sem_alloc : memref<!tpu.dma_semaphore, #tpu.memory_space<semaphore_mem>>
      tpu.enqueue_dma source(%arg5 : memref<128x128xf32, #tpu.memory_space<hbm>>) target(%arg10 : memref<128x128xf32, #tpu.memory_space<vmem>>) target_semaphore(%run_scoped3A : memref<!tpu.dma_semaphore, #tpu.memory_space<semaphore_mem>>)
      tpu.wait_dma2 semaphore(%run_scoped3A : memref<!tpu.dma_semaphore, #tpu.memory_space<semaphore_mem>>) src(%arg5 : memref<128x128xf32, #tpu.memory_space<hbm>>) dst(%arg10 : memref<128x128xf32, #tpu.memory_space<vmem>>)
      tpu.yield
    }) : () -> ()
    %scan3A = arith.constant 0 : i32
    %scan3A_5 = arith.constant 5 : i32
    %scan3A_6 = arith.addi %scan3A, %scan3A_5 : i32
    %scan3A_7 = arith.constant 1 : i32
    scf.for %scan3A_36 = %scan3A to %scan3A_6 step %scan3A_7  : i32 {
      %mul3A_37 = arith.constant 1 : i32
      %mul3A_38 = arith.muli %scan3A_36, %mul3A_37 : i32
      %add3A_39 = arith.constant 0 : i32
      %add3A_40 = arith.addi %add3A_39, %mul3A_38 : i32
      %mul3A_41 = arith.constant 128 : i32
      %mul3A_42 = arith.muli %add3A_40, %mul3A_41 : i32
      %add3A_43 = arith.addi %mul3A_2, %mul3A_42 : i32
      "tpu.region"() ({
        %run_scoped3A = tpu.sem_alloc : memref<!tpu.dma_semaphore, #tpu.memory_space<semaphore_mem>>
        %dma_start3A_44 = arith.constant 0 : i32
        %dma_start3A_45 = tpu.memref_slice %arg12[%add3A_43, %dma_start3A_44] : memref<10240x128xf32, #tpu.memory_space<vmem_shared>> -> memref<128x128xf32, #tpu.memory_space<vmem_shared>>
        %dma_start3A_46 = arith.constant 0 : i32
        %dma_start3A_47 = tpu.memref_slice %arg12[%add3A_43, %dma_start3A_46] : memref<10240x128xf32, #tpu.memory_space<vmem_shared>> -> memref<128x128xf32, #tpu.memory_space<vmem_shared>>
        tpu.enqueue_dma source(%arg10 : memref<128x128xf32, #tpu.memory_space<vmem>>) target(%dma_start3A_47 : memref<128x128xf32, #tpu.memory_space<vmem_shared>>) target_semaphore(%run_scoped3A : memref<!tpu.dma_semaphore, #tpu.memory_space<semaphore_mem>>)
        %dma_wait3A_48 = arith.constant 0 : i32
        %dma_wait3A_49 = tpu.memref_slice %arg12[%add3A_43, %dma_wait3A_48] : memref<10240x128xf32, #tpu.memory_space<vmem_shared>> -> memref<128x128xf32, #tpu.memory_space<vmem_shared>>
        %dma_wait3A_50 = arith.constant 0 : i32
        %dma_wait3A_51 = tpu.memref_slice %arg12[%add3A_43, %dma_wait3A_50] : memref<10240x128xf32, #tpu.memory_space<vmem_shared>> -> memref<128x128xf32, #tpu.memory_space<vmem_shared>>
        tpu.wait_dma2 semaphore(%run_scoped3A : memref<!tpu.dma_semaphore, #tpu.memory_space<semaphore_mem>>) src(%arg10 : memref<128x128xf32, #tpu.memory_space<vmem>>) dst(%dma_wait3A_51 : memref<128x128xf32, #tpu.memory_space<vmem_shared>>)
        tpu.yield
      }) : () -> ()
    }
    %scan3A_8 = arith.constant 5 : i32
    "tpu.region"() ({
      %run_scoped3A = tpu.sem_alloc : memref<!tpu.dma_semaphore, #tpu.memory_space<semaphore_mem>>
      %dma_start3A_36 = arith.constant 0 : i32
      %dma_start3A_37 = tpu.memref_slice %arg4[%mul3A_4, %dma_start3A_36] : memref<2560x128xi32, #tpu.memory_space<hbm>> -> memref<80x128xi32, #tpu.memory_space<hbm>>
      %dma_start3A_38 = arith.constant 0 : i32
      %dma_start3A_39 = tpu.memref_slice %arg4[%mul3A_4, %dma_start3A_38] : memref<2560x128xi32, #tpu.memory_space<hbm>> -> memref<80x128xi32, #tpu.memory_space<hbm>>
      tpu.enqueue_dma source(%dma_start3A_39 : memref<80x128xi32, #tpu.memory_space<hbm>>) target(%arg7 : memref<80x128xi32, #tpu.memory_space<vmem>>) target_semaphore(%run_scoped3A : memref<!tpu.dma_semaphore, #tpu.memory_space<semaphore_mem>>)
      %dma_wait3A_40 = arith.constant 0 : i32
      %dma_wait3A_41 = tpu.memref_slice %arg4[%mul3A_4, %dma_wait3A_40] : memref<2560x128xi32, #tpu.memory_space<hbm>> -> memref<80x128xi32, #tpu.memory_space<hbm>>
      %dma_wait3A_42 = arith.constant 0 : i32
      %dma_wait3A_43 = tpu.memref_slice %arg4[%mul3A_4, %dma_wait3A_42] : memref<2560x128xi32, #tpu.memory_space<hbm>> -> memref<80x128xi32, #tpu.memory_space<hbm>>
      tpu.wait_dma2 semaphore(%run_scoped3A : memref<!tpu.dma_semaphore, #tpu.memory_space<semaphore_mem>>) src(%dma_wait3A_43 : memref<80x128xi32, #tpu.memory_space<hbm>>) dst(%arg7 : memref<80x128xi32, #tpu.memory_space<vmem>>)
      tpu.yield
    }) : () -> ()
    %barrier3A = arith.constant 0 : index
    tpu.barrier barrier_id(%barrier3A)
    %mul3A_9 = arith.constant 128 : i32
    %mul3A_10 = arith.muli %mul3A_4, %mul3A_9 : i32
    "tpu.region"() ({
      %run_scoped3A = tpu.sem_alloc : memref<!tpu.dma_semaphore, #tpu.memory_space<semaphore_mem>>
      %dma_start3A_36 = tpu.memref_slice %arg3[%mul3A_10] : memref<327680xi32, #tpu.memory_space<hbm>> -> memref<128xi32, #tpu.memory_space<hbm>>
      %dma_start3A_37 = tpu.memref_slice %arg3[%mul3A_10] : memref<327680xi32, #tpu.memory_space<hbm>> -> memref<128xi32, #tpu.memory_space<hbm>>
      tpu.enqueue_dma source(%dma_start3A_37 : memref<128xi32, #tpu.memory_space<hbm>>) target(%arg8 : memref<128xi32, #tpu.memory_space<vmem>>) target_semaphore(%run_scoped3A : memref<!tpu.dma_semaphore, #tpu.memory_space<semaphore_mem>>)
      %dma_wait3A_38 = tpu.memref_slice %arg3[%mul3A_10] : memref<327680xi32, #tpu.memory_space<hbm>> -> memref<128xi32, #tpu.memory_space<hbm>>
      %dma_wait3A_39 = tpu.memref_slice %arg3[%mul3A_10] : memref<327680xi32, #tpu.memory_space<hbm>> -> memref<128xi32, #tpu.memory_space<hbm>>
      tpu.wait_dma2 semaphore(%run_scoped3A : memref<!tpu.dma_semaphore, #tpu.memory_space<semaphore_mem>>) src(%dma_wait3A_39 : memref<128xi32, #tpu.memory_space<hbm>>) dst(%arg8 : memref<128xi32, #tpu.memory_space<vmem>>)
      tpu.yield
    }) : () -> ()
    %dma_start3A = arith.constant 0 : i32
    %dma_start3A_11 = arith.constant 0 : i32
    %dma_start3A_12 = tpu.memref_slice %arg2[%dma_start3A, %dma_start3A_11] : memref<10000x128xf32, #tpu.memory_space<hbm>> -> memref<10000x128xf32, #tpu.memory_space<hbm>>
    tpu.enqueue_indirect_dma source(%dma_start3A_12 : memref<10000x128xf32, #tpu.memory_space<hbm>>) target(%arg10 : memref<128x128xf32, #tpu.memory_space<vmem>>) offsets(%arg8 : memref<128xi32, #tpu.memory_space<vmem>>) semaphore(%arg13 : memref<!tpu.dma_semaphore, #tpu.memory_space<semaphore_mem>>)
    %scan3A_13 = arith.constant 0 : i32
    %scan3A_14 = arith.constant 39 : i32
    %scan3A_15 = arith.addi %scan3A_13, %scan3A_14 : i32
    %scan3A_16 = arith.constant 1 : i32
    scf.for %scan3A_36 = %scan3A_13 to %scan3A_15 step %scan3A_16  : i32 {
      %mul3A_37 = arith.constant 1 : i32
      %mul3A_38 = arith.muli %scan3A_36, %mul3A_37 : i32
      %add3A_39 = arith.constant 0 : i32
      %add3A_40 = arith.addi %add3A_39, %mul3A_38 : i32
      %mul3A_41 = arith.constant 2 : i32
      %mul3A_42 = arith.muli %mul3A_41, %add3A_40 : i32
      %add3A_43 = arith.addi %mul3A_4, %mul3A_42 : i32
      %add3A_44 = arith.constant 1 : i32
      %add3A_45 = arith.addi %add3A_43, %add3A_44 : i32
      %mul3A_46 = arith.constant 128 : i32
      %mul3A_47 = arith.muli %add3A_45, %mul3A_46 : i32
      "tpu.region"() ({
        %run_scoped3A = tpu.sem_alloc : memref<!tpu.dma_semaphore, #tpu.memory_space<semaphore_mem>>
        %dma_start3A_68 = tpu.memref_slice %arg3[%mul3A_47] : memref<327680xi32, #tpu.memory_space<hbm>> -> memref<128xi32, #tpu.memory_space<hbm>>
        %dma_start3A_69 = tpu.memref_slice %arg3[%mul3A_47] : memref<327680xi32, #tpu.memory_space<hbm>> -> memref<128xi32, #tpu.memory_space<hbm>>
        tpu.enqueue_dma source(%dma_start3A_69 : memref<128xi32, #tpu.memory_space<hbm>>) target(%arg9 : memref<128xi32, #tpu.memory_space<vmem>>) target_semaphore(%run_scoped3A : memref<!tpu.dma_semaphore, #tpu.memory_space<semaphore_mem>>)
        %dma_wait3A_70 = tpu.memref_slice %arg3[%mul3A_47] : memref<327680xi32, #tpu.memory_space<hbm>> -> memref<128xi32, #tpu.memory_space<hbm>>
        %dma_wait3A_71 = tpu.memref_slice %arg3[%mul3A_47] : memref<327680xi32, #tpu.memory_space<hbm>> -> memref<128xi32, #tpu.memory_space<hbm>>
        tpu.wait_dma2 semaphore(%run_scoped3A : memref<!tpu.dma_semaphore, #tpu.memory_space<semaphore_mem>>) src(%dma_wait3A_71 : memref<128xi32, #tpu.memory_space<hbm>>) dst(%arg9 : memref<128xi32, #tpu.memory_space<vmem>>)
        tpu.yield
      }) : () -> ()
      %dma_start3A_48 = arith.constant 0 : i32
      %dma_start3A_49 = arith.constant 0 : i32
      %dma_start3A_50 = tpu.memref_slice %arg2[%dma_start3A_48, %dma_start3A_49] : memref<10000x128xf32, #tpu.memory_space<hbm>> -> memref<10000x128xf32, #tpu.memory_space<hbm>>
      tpu.enqueue_indirect_dma source(%dma_start3A_50 : memref<10000x128xf32, #tpu.memory_space<hbm>>) target(%arg11 : memref<128x128xf32, #tpu.memory_space<vmem>>) offsets(%arg9 : memref<128xi32, #tpu.memory_space<vmem>>) semaphore(%arg14 : memref<!tpu.dma_semaphore, #tpu.memory_space<semaphore_mem>>)
      %dma_wait3A_51 = arith.constant 0 : i32
      %dma_wait3A_52 = arith.constant 0 : i32
      %dma_wait3A_53 = tpu.memref_slice %arg2[%dma_wait3A_51, %dma_wait3A_52] : memref<10000x128xf32, #tpu.memory_space<hbm>> -> memref<10000x128xf32, #tpu.memory_space<hbm>>
      tpu.wait_indirect_dma semaphore(%arg13 : memref<!tpu.dma_semaphore, #tpu.memory_space<semaphore_mem>>) src(%dma_wait3A_53 : memref<10000x128xf32, #tpu.memory_space<hbm>>) dst(%arg10 : memref<128x128xf32, #tpu.memory_space<vmem>>)
      %sub3A_54 = arith.subi %add3A_43, %mul3A_4 : i32
      "tpu.region"() ({
        %run_scoped3A = tpu.sem_alloc : memref<!tpu.dma_semaphore, #tpu.memory_space<semaphore_mem>>
        %dma_start3A_68 = arith.constant 0 : i32
        %dma_start3A_69 = tpu.memref_slice %arg7[%sub3A_54, %dma_start3A_68] : memref<80x128xi32, #tpu.memory_space<vmem>> -> memref<1x128xi32, #tpu.memory_space<vmem>>
        %dma_start3A_70 = tpu.memref_squeeze %dma_start3A_69 : memref<1x128xi32, #tpu.memory_space<vmem>> -> memref<128xi32, #tpu.memory_space<vmem>>
        %dma_start3A_71 = arith.constant 0 : i32
        %dma_start3A_72 = arith.constant 0 : i32
        %dma_start3A_73 = tpu.memref_slice %arg12[%dma_start3A_71, %dma_start3A_72] : memref<10240x128xf32, #tpu.memory_space<vmem_shared>> -> memref<10240x128xf32, #tpu.memory_space<vmem_shared>>
        tpu.enqueue_indirect_dma source(%arg10 : memref<128x128xf32, #tpu.memory_space<vmem>>) target(%dma_start3A_73 : memref<10240x128xf32, #tpu.memory_space<vmem_shared>>) offsets(%dma_start3A_70 : memref<128xi32, #tpu.memory_space<vmem>>) semaphore(%run_scoped3A : memref<!tpu.dma_semaphore, #tpu.memory_space<semaphore_mem>>) {add = true}
        %dma_wait3A_74 = arith.constant 0 : i32
        %dma_wait3A_75 = tpu.memref_slice %arg7[%sub3A_54, %dma_wait3A_74] : memref<80x128xi32, #tpu.memory_space<vmem>> -> memref<1x128xi32, #tpu.memory_space<vmem>>
        %dma_wait3A_76 = tpu.memref_squeeze %dma_wait3A_75 : memref<1x128xi32, #tpu.memory_space<vmem>> -> memref<128xi32, #tpu.memory_space<vmem>>
        %dma_wait3A_77 = arith.constant 0 : i32
        %dma_wait3A_78 = arith.constant 0 : i32
        %dma_wait3A_79 = tpu.memref_slice %arg12[%dma_wait3A_77, %dma_wait3A_78] : memref<10240x128xf32, #tpu.memory_space<vmem_shared>> -> memref<10240x128xf32, #tpu.memory_space<vmem_shared>>
        tpu.wait_indirect_dma semaphore(%run_scoped3A : memref<!tpu.dma_semaphore, #tpu.memory_space<semaphore_mem>>) src(%arg10 : memref<128x128xf32, #tpu.memory_space<vmem>>) dst(%dma_wait3A_79 : memref<10240x128xf32, #tpu.memory_space<vmem_shared>>)
        tpu.yield
      }) : () -> ()
      %add3A_55 = arith.constant 2 : i32
      %add3A_56 = arith.addi %add3A_43, %add3A_55 : i32
      %mul3A_57 = arith.constant 128 : i32
      %mul3A_58 = arith.muli %add3A_56, %mul3A_57 : i32
      "tpu.region"() ({
        %run_scoped3A = tpu.sem_alloc : memref<!tpu.dma_semaphore, #tpu.memory_space<semaphore_mem>>
        %dma_start3A_68 = tpu.memref_slice %arg3[%mul3A_58] : memref<327680xi32, #tpu.memory_space<hbm>> -> memref<128xi32, #tpu.memory_space<hbm>>
        %dma_start3A_69 = tpu.memref_slice %arg3[%mul3A_58] : memref<327680xi32, #tpu.memory_space<hbm>> -> memref<128xi32, #tpu.memory_space<hbm>>
        tpu.enqueue_dma source(%dma_start3A_69 : memref<128xi32, #tpu.memory_space<hbm>>) target(%arg8 : memref<128xi32, #tpu.memory_space<vmem>>) target_semaphore(%run_scoped3A : memref<!tpu.dma_semaphore, #tpu.memory_space<semaphore_mem>>)
        %dma_wait3A_70 = tpu.memref_slice %arg3[%mul3A_58] : memref<327680xi32, #tpu.memory_space<hbm>> -> memref<128xi32, #tpu.memory_space<hbm>>
        %dma_wait3A_71 = tpu.memref_slice %arg3[%mul3A_58] : memref<327680xi32, #tpu.memory_space<hbm>> -> memref<128xi32, #tpu.memory_space<hbm>>
        tpu.wait_dma2 semaphore(%run_scoped3A : memref<!tpu.dma_semaphore, #tpu.memory_space<semaphore_mem>>) src(%dma_wait3A_71 : memref<128xi32, #tpu.memory_space<hbm>>) dst(%arg8 : memref<128xi32, #tpu.memory_space<vmem>>)
        tpu.yield
      }) : () -> ()
      %dma_start3A_59 = arith.constant 0 : i32
      %dma_start3A_60 = arith.constant 0 : i32
      %dma_start3A_61 = tpu.memref_slice %arg2[%dma_start3A_59, %dma_start3A_60] : memref<10000x128xf32, #tpu.memory_space<hbm>> -> memref<10000x128xf32, #tpu.memory_space<hbm>>
      tpu.enqueue_indirect_dma source(%dma_start3A_61 : memref<10000x128xf32, #tpu.memory_space<hbm>>) target(%arg10 : memref<128x128xf32, #tpu.memory_space<vmem>>) offsets(%arg8 : memref<128xi32, #tpu.memory_space<vmem>>) semaphore(%arg13 : memref<!tpu.dma_semaphore, #tpu.memory_space<semaphore_mem>>)
      %dma_wait3A_62 = arith.constant 0 : i32
      %dma_wait3A_63 = arith.constant 0 : i32
      %dma_wait3A_64 = tpu.memref_slice %arg2[%dma_wait3A_62, %dma_wait3A_63] : memref<10000x128xf32, #tpu.memory_space<hbm>> -> memref<10000x128xf32, #tpu.memory_space<hbm>>
      tpu.wait_indirect_dma semaphore(%arg14 : memref<!tpu.dma_semaphore, #tpu.memory_space<semaphore_mem>>) src(%dma_wait3A_64 : memref<10000x128xf32, #tpu.memory_space<hbm>>) dst(%arg11 : memref<128x128xf32, #tpu.memory_space<vmem>>)
      %add3A_65 = arith.constant 1 : i32
      %add3A_66 = arith.addi %add3A_43, %add3A_65 : i32
      %sub3A_67 = arith.subi %add3A_66, %mul3A_4 : i32
      "tpu.region"() ({
        %run_scoped3A = tpu.sem_alloc : memref<!tpu.dma_semaphore, #tpu.memory_space<semaphore_mem>>
        %dma_start3A_68 = arith.constant 0 : i32
        %dma_start3A_69 = tpu.memref_slice %arg7[%sub3A_67, %dma_start3A_68] : memref<80x128xi32, #tpu.memory_space<vmem>> -> memref<1x128xi32, #tpu.memory_space<vmem>>
        %dma_start3A_70 = tpu.memref_squeeze %dma_start3A_69 : memref<1x128xi32, #tpu.memory_space<vmem>> -> memref<128xi32, #tpu.memory_space<vmem>>
        %dma_start3A_71 = arith.constant 0 : i32
        %dma_start3A_72 = arith.constant 0 : i32
        %dma_start3A_73 = tpu.memref_slice %arg12[%dma_start3A_71, %dma_start3A_72] : memref<10240x128xf32, #tpu.memory_space<vmem_shared>> -> memref<10240x128xf32, #tpu.memory_space<vmem_shared>>
        tpu.enqueue_indirect_dma source(%arg11 : memref<128x128xf32, #tpu.memory_space<vmem>>) target(%dma_start3A_73 : memref<10240x128xf32, #tpu.memory_space<vmem_shared>>) offsets(%dma_start3A_70 : memref<128xi32, #tpu.memory_space<vmem>>) semaphore(%run_scoped3A : memref<!tpu.dma_semaphore, #tpu.memory_space<semaphore_mem>>) {add = true}
        %dma_wait3A_74 = arith.constant 0 : i32
        %dma_wait3A_75 = tpu.memref_slice %arg7[%sub3A_67, %dma_wait3A_74] : memref<80x128xi32, #tpu.memory_space<vmem>> -> memref<1x128xi32, #tpu.memory_space<vmem>>
        %dma_wait3A_76 = tpu.memref_squeeze %dma_wait3A_75 : memref<1x128xi32, #tpu.memory_space<vmem>> -> memref<128xi32, #tpu.memory_space<vmem>>
        %dma_wait3A_77 = arith.constant 0 : i32
        %dma_wait3A_78 = arith.constant 0 : i32
        %dma_wait3A_79 = tpu.memref_slice %arg12[%dma_wait3A_77, %dma_wait3A_78] : memref<10240x128xf32, #tpu.memory_space<vmem_shared>> -> memref<10240x128xf32, #tpu.memory_space<vmem_shared>>
        tpu.wait_indirect_dma semaphore(%run_scoped3A : memref<!tpu.dma_semaphore, #tpu.memory_space<semaphore_mem>>) src(%arg11 : memref<128x128xf32, #tpu.memory_space<vmem>>) dst(%dma_wait3A_79 : memref<10240x128xf32, #tpu.memory_space<vmem_shared>>)
        tpu.yield
      }) : () -> ()
    }
    %scan3A_17 = arith.constant 39 : i32
    %add3A_18 = arith.constant 80 : i32
    %add3A_19 = arith.addi %mul3A_4, %add3A_18 : i32
    %sub3A = arith.constant 1 : i32
    %sub3A_20 = arith.subi %add3A_19, %sub3A : i32
    %mul3A_21 = arith.constant 128 : i32
    %mul3A_22 = arith.muli %sub3A_20, %mul3A_21 : i32
    "tpu.region"() ({
      %run_scoped3A = tpu.sem_alloc : memref<!tpu.dma_semaphore, #tpu.memory_space<semaphore_mem>>
      %dma_start3A_36 = tpu.memref_slice %arg3[%mul3A_22] : memref<327680xi32, #tpu.memory_space<hbm>> -> memref<128xi32, #tpu.memory_space<hbm>>
      %dma_start3A_37 = tpu.memref_slice %arg3[%mul3A_22] : memref<327680xi32, #tpu.memory_space<hbm>> -> memref<128xi32, #tpu.memory_space<hbm>>
      tpu.enqueue_dma source(%dma_start3A_37 : memref<128xi32, #tpu.memory_space<hbm>>) target(%arg9 : memref<128xi32, #tpu.memory_space<vmem>>) target_semaphore(%run_scoped3A : memref<!tpu.dma_semaphore, #tpu.memory_space<semaphore_mem>>)
      %dma_wait3A_38 = tpu.memref_slice %arg3[%mul3A_22] : memref<327680xi32, #tpu.memory_space<hbm>> -> memref<128xi32, #tpu.memory_space<hbm>>
      %dma_wait3A_39 = tpu.memref_slice %arg3[%mul3A_22] : memref<327680xi32, #tpu.memory_space<hbm>> -> memref<128xi32, #tpu.memory_space<hbm>>
      tpu.wait_dma2 semaphore(%run_scoped3A : memref<!tpu.dma_semaphore, #tpu.memory_space<semaphore_mem>>) src(%dma_wait3A_39 : memref<128xi32, #tpu.memory_space<hbm>>) dst(%arg9 : memref<128xi32, #tpu.memory_space<vmem>>)
      tpu.yield
    }) : () -> ()
    %dma_start3A_23 = arith.constant 0 : i32
    %dma_start3A_24 = arith.constant 0 : i32
    %dma_start3A_25 = tpu.memref_slice %arg2[%dma_start3A_23, %dma_start3A_24] : memref<10000x128xf32, #tpu.memory_space<hbm>> -> memref<10000x128xf32, #tpu.memory_space<hbm>>
    tpu.enqueue_indirect_dma source(%dma_start3A_25 : memref<10000x128xf32, #tpu.memory_space<hbm>>) target(%arg11 : memref<128x128xf32, #tpu.memory_space<vmem>>) offsets(%arg9 : memref<128xi32, #tpu.memory_space<vmem>>) semaphore(%arg14 : memref<!tpu.dma_semaphore, #tpu.memory_space<semaphore_mem>>)
    %dma_wait3A = arith.constant 0 : i32
    %dma_wait3A_26 = arith.constant 0 : i32
    %dma_wait3A_27 = tpu.memref_slice %arg2[%dma_wait3A, %dma_wait3A_26] : memref<10000x128xf32, #tpu.memory_space<hbm>> -> memref<10000x128xf32, #tpu.memory_space<hbm>>
    tpu.wait_indirect_dma semaphore(%arg13 : memref<!tpu.dma_semaphore, #tpu.memory_space<semaphore_mem>>) src(%dma_wait3A_27 : memref<10000x128xf32, #tpu.memory_space<hbm>>) dst(%arg10 : memref<128x128xf32, #tpu.memory_space<vmem>>)
    %sub3A_28 = arith.constant 1 : i32
    %sub3A_29 = arith.subi %sub3A_20, %sub3A_28 : i32
    %sub3A_30 = arith.subi %sub3A_29, %mul3A_4 : i32
    "tpu.region"() ({
      %run_scoped3A = tpu.sem_alloc : memref<!tpu.dma_semaphore, #tpu.memory_space<semaphore_mem>>
      %dma_start3A_36 = arith.constant 0 : i32
      %dma_start3A_37 = tpu.memref_slice %arg7[%sub3A_30, %dma_start3A_36] : memref<80x128xi32, #tpu.memory_space<vmem>> -> memref<1x128xi32, #tpu.memory_space<vmem>>
      %dma_start3A_38 = tpu.memref_squeeze %dma_start3A_37 : memref<1x128xi32, #tpu.memory_space<vmem>> -> memref<128xi32, #tpu.memory_space<vmem>>
      %dma_start3A_39 = arith.constant 0 : i32
      %dma_start3A_40 = arith.constant 0 : i32
      %dma_start3A_41 = tpu.memref_slice %arg12[%dma_start3A_39, %dma_start3A_40] : memref<10240x128xf32, #tpu.memory_space<vmem_shared>> -> memref<10240x128xf32, #tpu.memory_space<vmem_shared>>
      tpu.enqueue_indirect_dma source(%arg10 : memref<128x128xf32, #tpu.memory_space<vmem>>) target(%dma_start3A_41 : memref<10240x128xf32, #tpu.memory_space<vmem_shared>>) offsets(%dma_start3A_38 : memref<128xi32, #tpu.memory_space<vmem>>) semaphore(%run_scoped3A : memref<!tpu.dma_semaphore, #tpu.memory_space<semaphore_mem>>) {add = true}
      %dma_wait3A_42 = arith.constant 0 : i32
      %dma_wait3A_43 = tpu.memref_slice %arg7[%sub3A_30, %dma_wait3A_42] : memref<80x128xi32, #tpu.memory_space<vmem>> -> memref<1x128xi32, #tpu.memory_space<vmem>>
      %dma_wait3A_44 = tpu.memref_squeeze %dma_wait3A_43 : memref<1x128xi32, #tpu.memory_space<vmem>> -> memref<128xi32, #tpu.memory_space<vmem>>
      %dma_wait3A_45 = arith.constant 0 : i32
      %dma_wait3A_46 = arith.constant 0 : i32
      %dma_wait3A_47 = tpu.memref_slice %arg12[%dma_wait3A_45, %dma_wait3A_46] : memref<10240x128xf32, #tpu.memory_space<vmem_shared>> -> memref<10240x128xf32, #tpu.memory_space<vmem_shared>>
      tpu.wait_indirect_dma semaphore(%run_scoped3A : memref<!tpu.dma_semaphore, #tpu.memory_space<semaphore_mem>>) src(%arg10 : memref<128x128xf32, #tpu.memory_space<vmem>>) dst(%dma_wait3A_47 : memref<10240x128xf32, #tpu.memory_space<vmem_shared>>)
      tpu.yield
    }) : () -> ()
    %dma_wait3A_31 = arith.constant 0 : i32
    %dma_wait3A_32 = arith.constant 0 : i32
    %dma_wait3A_33 = tpu.memref_slice %arg2[%dma_wait3A_31, %dma_wait3A_32] : memref<10000x128xf32, #tpu.memory_space<hbm>> -> memref<10000x128xf32, #tpu.memory_space<hbm>>
    tpu.wait_indirect_dma semaphore(%arg14 : memref<!tpu.dma_semaphore, #tpu.memory_space<semaphore_mem>>) src(%dma_wait3A_33 : memref<10000x128xf32, #tpu.memory_space<hbm>>) dst(%arg11 : memref<128x128xf32, #tpu.memory_space<vmem>>)
    %sub3A_34 = arith.subi %sub3A_20, %mul3A_4 : i32
    "tpu.region"() ({
      %run_scoped3A = tpu.sem_alloc : memref<!tpu.dma_semaphore, #tpu.memory_space<semaphore_mem>>
      %dma_start3A_36 = arith.constant 0 : i32
      %dma_start3A_37 = tpu.memref_slice %arg7[%sub3A_34, %dma_start3A_36] : memref<80x128xi32, #tpu.memory_space<vmem>> -> memref<1x128xi32, #tpu.memory_space<vmem>>
      %dma_start3A_38 = tpu.memref_squeeze %dma_start3A_37 : memref<1x128xi32, #tpu.memory_space<vmem>> -> memref<128xi32, #tpu.memory_space<vmem>>
      %dma_start3A_39 = arith.constant 0 : i32
      %dma_start3A_40 = arith.constant 0 : i32
      %dma_start3A_41 = tpu.memref_slice %arg12[%dma_start3A_39, %dma_start3A_40] : memref<10240x128xf32, #tpu.memory_space<vmem_shared>> -> memref<10240x128xf32, #tpu.memory_space<vmem_shared>>
      tpu.enqueue_indirect_dma source(%arg11 : memref<128x128xf32, #tpu.memory_space<vmem>>) target(%dma_start3A_41 : memref<10240x128xf32, #tpu.memory_space<vmem_shared>>) offsets(%dma_start3A_38 : memref<128xi32, #tpu.memory_space<vmem>>) semaphore(%run_scoped3A : memref<!tpu.dma_semaphore, #tpu.memory_space<semaphore_mem>>) {add = true}
      %dma_wait3A_42 = arith.constant 0 : i32
      %dma_wait3A_43 = tpu.memref_slice %arg7[%sub3A_34, %dma_wait3A_42] : memref<80x128xi32, #tpu.memory_space<vmem>> -> memref<1x128xi32, #tpu.memory_space<vmem>>
      %dma_wait3A_44 = tpu.memref_squeeze %dma_wait3A_43 : memref<1x128xi32, #tpu.memory_space<vmem>> -> memref<128xi32, #tpu.memory_space<vmem>>
      %dma_wait3A_45 = arith.constant 0 : i32
      %dma_wait3A_46 = arith.constant 0 : i32
      %dma_wait3A_47 = tpu.memref_slice %arg12[%dma_wait3A_45, %dma_wait3A_46] : memref<10240x128xf32, #tpu.memory_space<vmem_shared>> -> memref<10240x128xf32, #tpu.memory_space<vmem_shared>>
      tpu.wait_indirect_dma semaphore(%run_scoped3A : memref<!tpu.dma_semaphore, #tpu.memory_space<semaphore_mem>>) src(%arg11 : memref<128x128xf32, #tpu.memory_space<vmem>>) dst(%dma_wait3A_47 : memref<10240x128xf32, #tpu.memory_space<vmem_shared>>)
      tpu.yield
    }) : () -> ()
    %barrier3A_35 = arith.constant 0 : index
    tpu.barrier barrier_id(%barrier3A_35)
    "tpu.region"() ({
      %run_scoped3A = tpu.sem_alloc : memref<!tpu.dma_semaphore, #tpu.memory_space<semaphore_mem>>
      %dma_start3A_36 = arith.constant 0 : i32
      %dma_start3A_37 = tpu.memref_slice %arg6[%arg0, %mul3A_2, %dma_start3A_36] : memref<2x10240x128xf32, #tpu.memory_space<hbm>> -> memref<1x640x128xf32, #tpu.memory_space<hbm>>
      %dma_start3A_38 = tpu.memref_squeeze %dma_start3A_37 : memref<1x640x128xf32, #tpu.memory_space<hbm>> -> memref<640x128xf32, #tpu.memory_space<hbm>>
      %dma_start3A_39 = arith.constant 0 : i32
      %dma_start3A_40 = tpu.memref_slice %arg12[%mul3A_2, %dma_start3A_39] : memref<10240x128xf32, #tpu.memory_space<vmem_shared>> -> memref<640x128xf32, #tpu.memory_space<vmem_shared>>
      tpu.enqueue_dma source(%dma_start3A_40 : memref<640x128xf32, #tpu.memory_space<vmem_shared>>) target(%dma_start3A_38 : memref<640x128xf32, #tpu.memory_space<hbm>>) target_semaphore(%run_scoped3A : memref<!tpu.dma_semaphore, #tpu.memory_space<semaphore_mem>>)
      %dma_wait3A_41 = arith.constant 0 : i32
      %dma_wait3A_42 = tpu.memref_slice %arg6[%arg0, %mul3A_2, %dma_wait3A_41] : memref<2x10240x128xf32, #tpu.memory_space<hbm>> -> memref<1x640x128xf32, #tpu.memory_space<hbm>>
      %dma_wait3A_43 = tpu.memref_squeeze %dma_wait3A_42 : memref<1x640x128xf32, #tpu.memory_space<hbm>> -> memref<640x128xf32, #tpu.memory_space<hbm>>
      %dma_wait3A_44 = arith.constant 0 : i32
      %dma_wait3A_45 = tpu.memref_slice %arg12[%mul3A_2, %dma_wait3A_44] : memref<10240x128xf32, #tpu.memory_space<vmem_shared>> -> memref<640x128xf32, #tpu.memory_space<vmem_shared>>
      tpu.wait_dma2 semaphore(%run_scoped3A : memref<!tpu.dma_semaphore, #tpu.memory_space<semaphore_mem>>) src(%dma_wait3A_45 : memref<640x128xf32, #tpu.memory_space<vmem_shared>>) dst(%dma_wait3A_43 : memref<640x128xf32, #tpu.memory_space<hbm>>)
      tpu.yield
    }) : () -> ()
    return
  }
}

module attributes {stable_mosaic.version = 14 : i64} {
  func.func @_norm_res_body(%arg0: i32, %arg1: memref<1000x128xf32, #tpu.memory_space<vmem>>, %arg2: memref<128x128xf32, #tpu.memory_space<vmem>>, %arg3: memref<1x128xf32, #tpu.memory_space<vmem>>, %arg4: memref<1000x128xf32, #tpu.memory_space<vmem>>, %arg5: memref<1000x128xf32, #tpu.memory_space<vmem>>) attributes {dimension_semantics = [#tpu.dimension_semantics<arbitrary>], iteration_bounds = array<i64: 10>, scalar_prefetch = 0 : i64, scratch_operands = 0 : i64, tpu.core_type = #tpu.core_type<tc>, window_params = [{transform_indices = @transform_0, window_bounds = array<i64: 1000, 128>}, {pipeline_mode = #tpu.pipeline_mode<synchronous>, transform_indices = @transform_1, window_bounds = array<i64: 128, 128>}, {pipeline_mode = #tpu.pipeline_mode<synchronous>, transform_indices = @transform_2, window_bounds = array<i64: 1, 128>}, {transform_indices = @transform_3, window_bounds = array<i64: 1000, 128>}, {transform_indices = @transform_4, window_bounds = array<i64: 1000, 128>}]} {
    %get3A = arith.constant 0 : index
    %get3A_0 = arith.constant 0 : index
    %get3A_1 = vector.load %arg1[%get3A, %get3A_0] : memref<1000x128xf32, #tpu.memory_space<vmem>>, vector<1000x128xf32>
    %mul3A = arith.mulf %get3A_1, %get3A_1 : vector<1000x128xf32>
    %reduce_sum3A = arith.constant dense<0.000000e+00> : vector<1000xf32>
    %reduce_sum3A_2 = vector.multi_reduction <add>, %mul3A, %reduce_sum3A [1] : vector<1000x128xf32> to vector<1000xf32>
    %broadcast_in_dim3A = vector.shape_cast %reduce_sum3A_2 : vector<1000xf32> to vector<1000x1xf32>
    %sqrt3A = math.sqrt %broadcast_in_dim3A : vector<1000x1xf32>
    %max3A = arith.constant 9.99999996E-13 : f32
    %max3A_3 = vector.broadcast %max3A : f32 to vector<1000x1xf32>
    %max3A_4 = arith.maximumf %sqrt3A, %max3A_3 : vector<1000x1xf32>
    %div3A = vector.broadcast %max3A_4 : vector<1000x1xf32> to vector<1000x128xf32>
    %div3A_5 = arith.divf %get3A_1, %div3A : vector<1000x128xf32>
    %swap3A = arith.constant 0 : index
    %swap3A_6 = arith.constant 0 : index
    %swap3A_7 = vector.load %arg4[%swap3A, %swap3A_6] : memref<1000x128xf32, #tpu.memory_space<vmem>>, vector<1000x128xf32>
    tpu.vector_store %arg4[%swap3A, %swap3A_6], %div3A_5 {strides = array<i32>} : memref<1000x128xf32, #tpu.memory_space<vmem>>, vector<1000x128xf32>,
    %get3A_8 = arith.constant 0 : index
    %get3A_9 = arith.constant 0 : index
    %get3A_10 = vector.load %arg2[%get3A_8, %get3A_9] : memref<128x128xf32, #tpu.memory_space<vmem>>, vector<128x128xf32>
    %dot_general3A = arith.constant dense<0.000000e+00> : vector<1000x128xf32>
    %dot_general3A_11 = tpu.matmul %div3A_5, %get3A_10, %dot_general3A {dimension_numbers = #tpu.dot_dimension_numbers<[1], [0], [0], [1], [0, 0, 1, 1], [], []>, precision = #tpu.contract_precision<fp32>, transpose_lhs_hint = false} : vector<1000x128xf32>, vector<128x128xf32>, vector<1000x128xf32> -> vector<1000x128xf32>
    %get3A_12 = arith.constant 0 : index
    %get3A_13 = arith.constant 0 : index
    %get3A_14 = vector.load %arg3[%get3A_12, %get3A_13] : memref<1x128xf32, #tpu.memory_space<vmem>>, vector<1x128xf32>
    %add3A = vector.broadcast %get3A_14 : vector<1x128xf32> to vector<1000x128xf32>
    %add3A_15 = arith.addf %dot_general3A_11, %add3A : vector<1000x128xf32>
    %swap3A_16 = arith.constant 0 : index
    %swap3A_17 = arith.constant 0 : index
    %swap3A_18 = vector.load %arg5[%swap3A_16, %swap3A_17] : memref<1000x128xf32, #tpu.memory_space<vmem>>, vector<1000x128xf32>
    tpu.vector_store %arg5[%swap3A_16, %swap3A_17], %add3A_15 {strides = array<i32>} : memref<1000x128xf32, #tpu.memory_space<vmem>>, vector<1000x128xf32>,
    return
  }
  func.func @transform_0(%arg0: i32) -> (i32, i32) {
    %c0_i32 = arith.constant 0 : i32
    %c0_i32_0 = arith.constant 0 : i32
    return %arg0, %c0_i32 : i32, i32
  }
  func.func @transform_1(%arg0: i32) -> (i32, i32) {
    %c0_i32 = arith.constant 0 : i32
    %c0_i32_0 = arith.constant 0 : i32
    %c0_i32_1 = arith.constant 0 : i32
    return %c0_i32, %c0_i32_0 : i32, i32
  }
  func.func @transform_2(%arg0: i32) -> (i32, i32) {
    %c0_i32 = arith.constant 0 : i32
    %c0_i32_0 = arith.constant 0 : i32
    %c0_i32_1 = arith.constant 0 : i32
    return %c0_i32, %c0_i32_0 : i32, i32
  }
  func.func @transform_3(%arg0: i32) -> (i32, i32) {
    %c0_i32 = arith.constant 0 : i32
    %c0_i32_0 = arith.constant 0 : i32
    return %arg0, %c0_i32 : i32, i32
  }
  func.func @transform_4(%arg0: i32) -> (i32, i32) {
    %c0_i32 = arith.constant 0 : i32
    %c0_i32_0 = arith.constant 0 : i32
    return %arg0, %c0_i32 : i32, i32
  }
}

module attributes {stable_mosaic.version = 14 : i64} {
  func.func @_layer_body(%arg0: i32, %arg1: memref<2x1000x128xf32, #tpu.memory_space<vmem>>, %arg2: memref<2x1000x128xf32, #tpu.memory_space<vmem>>, %arg3: memref<1000x128xf32, #tpu.memory_space<vmem>>, %arg4: memref<1000x128xf32, #tpu.memory_space<vmem>>, %arg5: memref<128x128xf32, #tpu.memory_space<vmem>>, %arg6: memref<1x128xf32, #tpu.memory_space<vmem>>, %arg7: memref<128x128xf32, #tpu.memory_space<vmem>>, %arg8: memref<1000x128xf32, #tpu.memory_space<vmem>>) attributes {dimension_semantics = [#tpu.dimension_semantics<arbitrary>], iteration_bounds = array<i64: 10>, scalar_prefetch = 0 : i64, scratch_operands = 0 : i64, tpu.core_type = #tpu.core_type<tc>, window_params = [{transform_indices = @transform_0, window_bounds = array<i64: 2, 1000, 128>}, {transform_indices = @transform_1, window_bounds = array<i64: 2, 1000, 128>}, {transform_indices = @transform_2, window_bounds = array<i64: 1000, 128>}, {transform_indices = @transform_3, window_bounds = array<i64: 1000, 128>}, {pipeline_mode = #tpu.pipeline_mode<synchronous>, transform_indices = @transform_4, window_bounds = array<i64: 128, 128>}, {pipeline_mode = #tpu.pipeline_mode<synchronous>, transform_indices = @transform_5, window_bounds = array<i64: 1, 128>}, {pipeline_mode = #tpu.pipeline_mode<synchronous>, transform_indices = @transform_6, window_bounds = array<i64: 128, 128>}, {transform_indices = @transform_7, window_bounds = array<i64: 1000, 128>}]} {
    %get3A = arith.constant 0 : index
    %get3A_0 = arith.constant 0 : index
    %get3A_1 = arith.constant 0 : index
    %get3A_2 = vector.load %arg1[%get3A, %get3A_0, %get3A_1] : memref<2x1000x128xf32, #tpu.memory_space<vmem>>, vector<1x1000x128xf32>
    %get3A_3 = vector.shape_cast %get3A_2 : vector<1x1000x128xf32> to vector<1000x128xf32>
    %get3A_4 = arith.constant 1 : index
    %get3A_5 = arith.constant 0 : index
    %get3A_6 = arith.constant 0 : index
    %get3A_7 = vector.load %arg1[%get3A_4, %get3A_5, %get3A_6] : memref<2x1000x128xf32, #tpu.memory_space<vmem>>, vector<1x1000x128xf32>
    %get3A_8 = vector.shape_cast %get3A_7 : vector<1x1000x128xf32> to vector<1000x128xf32>
    %add3A = arith.addf %get3A_3, %get3A_8 : vector<1000x128xf32>
    %get3A_9 = arith.constant 0 : index
    %get3A_10 = arith.constant 0 : index
    %get3A_11 = arith.constant 0 : index
    %get3A_12 = vector.load %arg2[%get3A_9, %get3A_10, %get3A_11] : memref<2x1000x128xf32, #tpu.memory_space<vmem>>, vector<1x1000x1xf32>
    %get3A_13 = vector.shape_cast %get3A_12 : vector<1x1000x1xf32> to vector<1000x1xf32>
    %get3A_14 = arith.constant 1 : index
    %get3A_15 = arith.constant 0 : index
    %get3A_16 = arith.constant 0 : index
    %get3A_17 = vector.load %arg2[%get3A_14, %get3A_15, %get3A_16] : memref<2x1000x128xf32, #tpu.memory_space<vmem>>, vector<1x1000x1xf32>
    %get3A_18 = vector.shape_cast %get3A_17 : vector<1x1000x1xf32> to vector<1000x1xf32>
    %add3A_19 = arith.addf %get3A_13, %get3A_18 : vector<1000x1xf32>
    %max3A = arith.constant 1.000000e+00 : f32
    %max3A_20 = vector.broadcast %max3A : f32 to vector<1000x1xf32>
    %max3A_21 = arith.maximumf %add3A_19, %max3A_20 : vector<1000x1xf32>
    %div3A = vector.broadcast %max3A_21 : vector<1000x1xf32> to vector<1000x128xf32>
    %div3A_22 = arith.divf %add3A, %div3A : vector<1000x128xf32>
    %get3A_23 = arith.constant 0 : index
    %get3A_24 = arith.constant 0 : index
    %get3A_25 = vector.load %arg3[%get3A_23, %get3A_24] : memref<1000x128xf32, #tpu.memory_space<vmem>>, vector<1000x128xf32>
    %get3A_26 = arith.constant 0 : index
    %get3A_27 = arith.constant 0 : index
    %get3A_28 = vector.load %arg5[%get3A_26, %get3A_27] : memref<128x128xf32, #tpu.memory_space<vmem>>, vector<128x128xf32>
    %dot_general3A = arith.constant dense<0.000000e+00> : vector<1000x128xf32>
    %dot_general3A_29 = tpu.matmul %div3A_22, %get3A_28, %dot_general3A {dimension_numbers = #tpu.dot_dimension_numbers<[1], [0], [0], [1], [0, 0, 1, 1], [], []>, precision = #tpu.contract_precision<fp32>, transpose_lhs_hint = false} : vector<1000x128xf32>, vector<128x128xf32>, vector<1000x128xf32> -> vector<1000x128xf32>
    %get3A_30 = arith.constant 0 : index
    %get3A_31 = arith.constant 0 : index
    %get3A_32 = vector.load %arg6[%get3A_30, %get3A_31] : memref<1x128xf32, #tpu.memory_space<vmem>>, vector<1x128xf32>
    %add3A_33 = vector.broadcast %get3A_32 : vector<1x128xf32> to vector<1000x128xf32>
    %add3A_34 = arith.addf %dot_general3A_29, %add3A_33 : vector<1000x128xf32>
    %get3A_35 = arith.constant 0 : index
    %get3A_36 = arith.constant 0 : index
    %get3A_37 = vector.load %arg7[%get3A_35, %get3A_36] : memref<128x128xf32, #tpu.memory_space<vmem>>, vector<128x128xf32>
    %dot_general3A_38 = arith.constant dense<0.000000e+00> : vector<1000x128xf32>
    %dot_general3A_39 = tpu.matmul %get3A_25, %get3A_37, %dot_general3A_38 {dimension_numbers = #tpu.dot_dimension_numbers<[1], [0], [0], [1], [0, 0, 1, 1], [], []>, precision = #tpu.contract_precision<fp32>, transpose_lhs_hint = false} : vector<1000x128xf32>, vector<128x128xf32>, vector<1000x128xf32> -> vector<1000x128xf32>
    %add3A_40 = arith.addf %add3A_34, %dot_general3A_39 : vector<1000x128xf32>
    %max3A_41 = arith.constant 0.000000e+00 : f32
    %max3A_42 = vector.broadcast %max3A_41 : f32 to vector<1000x128xf32>
    %max3A_43 = arith.maximumf %add3A_40, %max3A_42 : vector<1000x128xf32>
    %get3A_44 = arith.constant 0 : index
    %get3A_45 = arith.constant 0 : index
    %get3A_46 = vector.load %arg4[%get3A_44, %get3A_45] : memref<1000x128xf32, #tpu.memory_space<vmem>>, vector<1000x128xf32>
    %add3A_47 = arith.addf %max3A_43, %get3A_46 : vector<1000x128xf32>
    %swap3A = arith.constant 0 : index
    %swap3A_48 = arith.constant 0 : index
    %swap3A_49 = vector.load %arg8[%swap3A, %swap3A_48] : memref<1000x128xf32, #tpu.memory_space<vmem>>, vector<1000x128xf32>
    tpu.vector_store %arg8[%swap3A, %swap3A_48], %add3A_47 {strides = array<i32>} : memref<1000x128xf32, #tpu.memory_space<vmem>>, vector<1000x128xf32>,
    return
  }
  func.func @transform_0(%arg0: i32) -> (i32, i32, i32) {
    %c0_i32 = arith.constant 0 : i32
    %c0_i32_0 = arith.constant 0 : i32
    %c0_i32_1 = arith.constant 0 : i32
    return %c0_i32, %arg0, %c0_i32_0 : i32, i32, i32
  }
  func.func @transform_1(%arg0: i32) -> (i32, i32, i32) {
    %c0_i32 = arith.constant 0 : i32
    %c0_i32_0 = arith.constant 0 : i32
    %c0_i32_1 = arith.constant 0 : i32
    return %c0_i32, %arg0, %c0_i32_0 : i32, i32, i32
  }
  func.func @transform_2(%arg0: i32) -> (i32, i32) {
    %c0_i32 = arith.constant 0 : i32
    %c0_i32_0 = arith.constant 0 : i32
    return %arg0, %c0_i32 : i32, i32
  }
  func.func @transform_3(%arg0: i32) -> (i32, i32) {
    %c0_i32 = arith.constant 0 : i32
    %c0_i32_0 = arith.constant 0 : i32
    return %arg0, %c0_i32 : i32, i32
  }
  func.func @transform_4(%arg0: i32) -> (i32, i32) {
    %c0_i32 = arith.constant 0 : i32
    %c0_i32_0 = arith.constant 0 : i32
    %c0_i32_1 = arith.constant 0 : i32
    return %c0_i32, %c0_i32_0 : i32, i32
  }
  func.func @transform_5(%arg0: i32) -> (i32, i32) {
    %c0_i32 = arith.constant 0 : i32
    %c0_i32_0 = arith.constant 0 : i32
    %c0_i32_1 = arith.constant 0 : i32
    return %c0_i32, %c0_i32_0 : i32, i32
  }
  func.func @transform_6(%arg0: i32) -> (i32, i32) {
    %c0_i32 = arith.constant 0 : i32
    %c0_i32_0 = arith.constant 0 : i32
    %c0_i32_1 = arith.constant 0 : i32
    return %c0_i32, %c0_i32_0 : i32, i32
  }
  func.func @transform_7(%arg0: i32) -> (i32, i32) {
    %c0_i32 = arith.constant 0 : i32
    %c0_i32_0 = arith.constant 0 : i32
    return %arg0, %c0_i32 : i32, i32
  }
}

module attributes {stable_mosaic.version = 14 : i64} {
  func.func @_layer_body(%arg0: i32, %arg1: memref<2x1000x128xf32, #tpu.memory_space<vmem>>, %arg2: memref<2x1000x128xf32, #tpu.memory_space<vmem>>, %arg3: memref<1000x128xf32, #tpu.memory_space<vmem>>, %arg4: memref<1000x128xf32, #tpu.memory_space<vmem>>, %arg5: memref<128x128xf32, #tpu.memory_space<vmem>>, %arg6: memref<1x128xf32, #tpu.memory_space<vmem>>, %arg7: memref<128x128xf32, #tpu.memory_space<vmem>>, %arg8: memref<1000x128xf32, #tpu.memory_space<vmem>>) attributes {dimension_semantics = [#tpu.dimension_semantics<arbitrary>], iteration_bounds = array<i64: 10>, scalar_prefetch = 0 : i64, scratch_operands = 0 : i64, tpu.core_type = #tpu.core_type<tc>, window_params = [{transform_indices = @transform_0, window_bounds = array<i64: 2, 1000, 128>}, {transform_indices = @transform_1, window_bounds = array<i64: 2, 1000, 128>}, {transform_indices = @transform_2, window_bounds = array<i64: 1000, 128>}, {transform_indices = @transform_3, window_bounds = array<i64: 1000, 128>}, {pipeline_mode = #tpu.pipeline_mode<synchronous>, transform_indices = @transform_4, window_bounds = array<i64: 128, 128>}, {pipeline_mode = #tpu.pipeline_mode<synchronous>, transform_indices = @transform_5, window_bounds = array<i64: 1, 128>}, {pipeline_mode = #tpu.pipeline_mode<synchronous>, transform_indices = @transform_6, window_bounds = array<i64: 128, 128>}, {transform_indices = @transform_7, window_bounds = array<i64: 1000, 128>}]} {
    %get3A = arith.constant 0 : index
    %get3A_0 = arith.constant 0 : index
    %get3A_1 = arith.constant 0 : index
    %get3A_2 = vector.load %arg1[%get3A, %get3A_0, %get3A_1] : memref<2x1000x128xf32, #tpu.memory_space<vmem>>, vector<1x1000x128xf32>
    %get3A_3 = vector.shape_cast %get3A_2 : vector<1x1000x128xf32> to vector<1000x128xf32>
    %get3A_4 = arith.constant 1 : index
    %get3A_5 = arith.constant 0 : index
    %get3A_6 = arith.constant 0 : index
    %get3A_7 = vector.load %arg1[%get3A_4, %get3A_5, %get3A_6] : memref<2x1000x128xf32, #tpu.memory_space<vmem>>, vector<1x1000x128xf32>
    %get3A_8 = vector.shape_cast %get3A_7 : vector<1x1000x128xf32> to vector<1000x128xf32>
    %add3A = arith.addf %get3A_3, %get3A_8 : vector<1000x128xf32>
    %get3A_9 = arith.constant 0 : index
    %get3A_10 = arith.constant 0 : index
    %get3A_11 = arith.constant 0 : index
    %get3A_12 = vector.load %arg2[%get3A_9, %get3A_10, %get3A_11] : memref<2x1000x128xf32, #tpu.memory_space<vmem>>, vector<1x1000x1xf32>
    %get3A_13 = vector.shape_cast %get3A_12 : vector<1x1000x1xf32> to vector<1000x1xf32>
    %get3A_14 = arith.constant 1 : index
    %get3A_15 = arith.constant 0 : index
    %get3A_16 = arith.constant 0 : index
    %get3A_17 = vector.load %arg2[%get3A_14, %get3A_15, %get3A_16] : memref<2x1000x128xf32, #tpu.memory_space<vmem>>, vector<1x1000x1xf32>
    %get3A_18 = vector.shape_cast %get3A_17 : vector<1x1000x1xf32> to vector<1000x1xf32>
    %add3A_19 = arith.addf %get3A_13, %get3A_18 : vector<1000x1xf32>
    %max3A = arith.constant 1.000000e+00 : f32
    %max3A_20 = vector.broadcast %max3A : f32 to vector<1000x1xf32>
    %max3A_21 = arith.maximumf %add3A_19, %max3A_20 : vector<1000x1xf32>
    %div3A = vector.broadcast %max3A_21 : vector<1000x1xf32> to vector<1000x128xf32>
    %div3A_22 = arith.divf %add3A, %div3A : vector<1000x128xf32>
    %get3A_23 = arith.constant 0 : index
    %get3A_24 = arith.constant 0 : index
    %get3A_25 = vector.load %arg3[%get3A_23, %get3A_24] : memref<1000x128xf32, #tpu.memory_space<vmem>>, vector<1000x128xf32>
    %get3A_26 = arith.constant 0 : index
    %get3A_27 = arith.constant 0 : index
    %get3A_28 = vector.load %arg5[%get3A_26, %get3A_27] : memref<128x128xf32, #tpu.memory_space<vmem>>, vector<128x128xf32>
    %dot_general3A = arith.constant dense<0.000000e+00> : vector<1000x128xf32>
    %dot_general3A_29 = tpu.matmul %div3A_22, %get3A_28, %dot_general3A {dimension_numbers = #tpu.dot_dimension_numbers<[1], [0], [0], [1], [0, 0, 1, 1], [], []>, precision = #tpu.contract_precision<fp32>, transpose_lhs_hint = false} : vector<1000x128xf32>, vector<128x128xf32>, vector<1000x128xf32> -> vector<1000x128xf32>
    %get3A_30 = arith.constant 0 : index
    %get3A_31 = arith.constant 0 : index
    %get3A_32 = vector.load %arg6[%get3A_30, %get3A_31] : memref<1x128xf32, #tpu.memory_space<vmem>>, vector<1x128xf32>
    %add3A_33 = vector.broadcast %get3A_32 : vector<1x128xf32> to vector<1000x128xf32>
    %add3A_34 = arith.addf %dot_general3A_29, %add3A_33 : vector<1000x128xf32>
    %get3A_35 = arith.constant 0 : index
    %get3A_36 = arith.constant 0 : index
    %get3A_37 = vector.load %arg7[%get3A_35, %get3A_36] : memref<128x128xf32, #tpu.memory_space<vmem>>, vector<128x128xf32>
    %dot_general3A_38 = arith.constant dense<0.000000e+00> : vector<1000x128xf32>
    %dot_general3A_39 = tpu.matmul %get3A_25, %get3A_37, %dot_general3A_38 {dimension_numbers = #tpu.dot_dimension_numbers<[1], [0], [0], [1], [0, 0, 1, 1], [], []>, precision = #tpu.contract_precision<fp32>, transpose_lhs_hint = false} : vector<1000x128xf32>, vector<128x128xf32>, vector<1000x128xf32> -> vector<1000x128xf32>
    %add3A_40 = arith.addf %add3A_34, %dot_general3A_39 : vector<1000x128xf32>
    %max3A_41 = arith.constant 0.000000e+00 : f32
    %max3A_42 = vector.broadcast %max3A_41 : f32 to vector<1000x128xf32>
    %max3A_43 = arith.maximumf %add3A_40, %max3A_42 : vector<1000x128xf32>
    %get3A_44 = arith.constant 0 : index
    %get3A_45 = arith.constant 0 : index
    %get3A_46 = vector.load %arg4[%get3A_44, %get3A_45] : memref<1000x128xf32, #tpu.memory_space<vmem>>, vector<1000x128xf32>
    %add3A_47 = arith.addf %max3A_43, %get3A_46 : vector<1000x128xf32>
    %swap3A = arith.constant 0 : index
    %swap3A_48 = arith.constant 0 : index
    %swap3A_49 = vector.load %arg8[%swap3A, %swap3A_48] : memref<1000x128xf32, #tpu.memory_space<vmem>>, vector<1000x128xf32>
    tpu.vector_store %arg8[%swap3A, %swap3A_48], %add3A_47 {strides = array<i32>} : memref<1000x128xf32, #tpu.memory_space<vmem>>, vector<1000x128xf32>,
    return
  }
  func.func @transform_0(%arg0: i32) -> (i32, i32, i32) {
    %c0_i32 = arith.constant 0 : i32
    %c0_i32_0 = arith.constant 0 : i32
    %c0_i32_1 = arith.constant 0 : i32
    return %c0_i32, %arg0, %c0_i32_0 : i32, i32, i32
  }
  func.func @transform_1(%arg0: i32) -> (i32, i32, i32) {
    %c0_i32 = arith.constant 0 : i32
    %c0_i32_0 = arith.constant 0 : i32
    %c0_i32_1 = arith.constant 0 : i32
    return %c0_i32, %arg0, %c0_i32_0 : i32, i32, i32
  }
  func.func @transform_2(%arg0: i32) -> (i32, i32) {
    %c0_i32 = arith.constant 0 : i32
    %c0_i32_0 = arith.constant 0 : i32
    return %arg0, %c0_i32 : i32, i32
  }
  func.func @transform_3(%arg0: i32) -> (i32, i32) {
    %c0_i32 = arith.constant 0 : i32
    %c0_i32_0 = arith.constant 0 : i32
    return %arg0, %c0_i32 : i32, i32
  }
  func.func @transform_4(%arg0: i32) -> (i32, i32) {
    %c0_i32 = arith.constant 0 : i32
    %c0_i32_0 = arith.constant 0 : i32
    %c0_i32_1 = arith.constant 0 : i32
    return %c0_i32, %c0_i32_0 : i32, i32
  }
  func.func @transform_5(%arg0: i32) -> (i32, i32) {
    %c0_i32 = arith.constant 0 : i32
    %c0_i32_0 = arith.constant 0 : i32
    %c0_i32_1 = arith.constant 0 : i32
    return %c0_i32, %c0_i32_0 : i32, i32
  }
  func.func @transform_6(%arg0: i32) -> (i32, i32) {
    %c0_i32 = arith.constant 0 : i32
    %c0_i32_0 = arith.constant 0 : i32
    %c0_i32_1 = arith.constant 0 : i32
    return %c0_i32, %c0_i32_0 : i32, i32
  }
  func.func @transform_7(%arg0: i32) -> (i32, i32) {
    %c0_i32 = arith.constant 0 : i32
    %c0_i32_0 = arith.constant 0 : i32
    return %arg0, %c0_i32 : i32, i32
  }
}

module attributes {stable_mosaic.version = 14 : i64} {
  func.func @_head_body(%arg0: i32, %arg1: memref<1000x128xf32, #tpu.memory_space<vmem>>, %arg2: memref<1000x1xf32, #tpu.memory_space<vmem>>, %arg3: memref<128x64xf32, #tpu.memory_space<vmem>>, %arg4: memref<1x64xf32, #tpu.memory_space<vmem>>, %arg5: memref<1x64xf32, #tpu.memory_space<vmem>>, %arg6: memref<1x1xf32, #tpu.memory_space<vmem>>, %arg7: memref<1x1xf32, #tpu.memory_space<vmem>>, %arg8: memref<1000x1xf32, #tpu.memory_space<vmem>>) attributes {dimension_semantics = [#tpu.dimension_semantics<arbitrary>], iteration_bounds = array<i64: 10>, scalar_prefetch = 0 : i64, scratch_operands = 0 : i64, tpu.core_type = #tpu.core_type<tc>, window_params = [{transform_indices = @transform_0, window_bounds = array<i64: 1000, 128>}, {transform_indices = @transform_1, window_bounds = array<i64: 1000, 1>}, {pipeline_mode = #tpu.pipeline_mode<synchronous>, transform_indices = @transform_2, window_bounds = array<i64: 128, 64>}, {pipeline_mode = #tpu.pipeline_mode<synchronous>, transform_indices = @transform_3, window_bounds = array<i64: 1, 64>}, {pipeline_mode = #tpu.pipeline_mode<synchronous>, transform_indices = @transform_4, window_bounds = array<i64: 1, 64>}, {pipeline_mode = #tpu.pipeline_mode<synchronous>, transform_indices = @transform_5, window_bounds = array<i64: 1, 1>}, {pipeline_mode = #tpu.pipeline_mode<synchronous>, transform_indices = @transform_6, window_bounds = array<i64: 1, 1>}, {transform_indices = @transform_7, window_bounds = array<i64: 1000, 1>}]} {
    %get3A = arith.constant 0 : index
    %get3A_0 = arith.constant 0 : index
    %get3A_1 = vector.load %arg1[%get3A, %get3A_0] : memref<1000x128xf32, #tpu.memory_space<vmem>>, vector<1000x128xf32>
    %get3A_2 = arith.constant 0 : index
    %get3A_3 = arith.constant 0 : index
    %get3A_4 = vector.load %arg3[%get3A_2, %get3A_3] : memref<128x64xf32, #tpu.memory_space<vmem>>, vector<128x64xf32>
    %dot_general3A = arith.constant dense<0.000000e+00> : vector<1000x64xf32>
    %dot_general3A_5 = tpu.matmul %get3A_1, %get3A_4, %dot_general3A {dimension_numbers = #tpu.dot_dimension_numbers<[1], [0], [0], [1], [0, 0, 1, 1], [], []>, precision = #tpu.contract_precision<fp32>, transpose_lhs_hint = false} : vector<1000x128xf32>, vector<128x64xf32>, vector<1000x64xf32> -> vector<1000x64xf32>
    %get3A_6 = arith.constant 0 : index
    %get3A_7 = arith.constant 0 : index
    %get3A_8 = vector.load %arg4[%get3A_6, %get3A_7] : memref<1x64xf32, #tpu.memory_space<vmem>>, vector<1x64xf32>
    %add3A = vector.broadcast %get3A_8 : vector<1x64xf32> to vector<1000x64xf32>
    %add3A_9 = arith.addf %dot_general3A_5, %add3A : vector<1000x64xf32>
    %max3A = arith.constant 0.000000e+00 : f32
    %max3A_10 = vector.broadcast %max3A : f32 to vector<1000x64xf32>
    %max3A_11 = arith.maximumf %add3A_9, %max3A_10 : vector<1000x64xf32>
    %get3A_12 = arith.constant 0 : index
    %get3A_13 = arith.constant 0 : index
    %get3A_14 = vector.load %arg5[%get3A_12, %get3A_13] : memref<1x64xf32, #tpu.memory_space<vmem>>, vector<1x64xf32>
    %mul3A = vector.broadcast %get3A_14 : vector<1x64xf32> to vector<1000x64xf32>
    %mul3A_15 = arith.mulf %max3A_11, %mul3A : vector<1000x64xf32>
    %reduce_sum3A = arith.constant dense<0.000000e+00> : vector<1000xf32>
    %reduce_sum3A_16 = vector.multi_reduction <add>, %mul3A_15, %reduce_sum3A [1] : vector<1000x64xf32> to vector<1000xf32>
    %broadcast_in_dim3A = vector.shape_cast %reduce_sum3A_16 : vector<1000xf32> to vector<1000x1xf32>
    %get3A_17 = arith.constant 0 : index
    %get3A_18 = arith.constant 0 : index
    %get3A_19 = vector.load %arg6[%get3A_17, %get3A_18] : memref<1x1xf32, #tpu.memory_space<vmem>>, vector<1x1xf32>
    %add3A_20 = vector.broadcast %get3A_19 : vector<1x1xf32> to vector<1000x1xf32>
    %add3A_21 = arith.addf %broadcast_in_dim3A, %add3A_20 : vector<1000x1xf32>
    %get3A_22 = arith.constant 0 : index
    %get3A_23 = arith.constant 0 : index
    %get3A_24 = vector.load %arg7[%get3A_22, %get3A_23] : memref<1x1xf32, #tpu.memory_space<vmem>>, vector<1x1xf32>
    %get3A_25 = arith.constant 0 : index
    %get3A_26 = arith.constant 0 : index
    %get3A_27 = vector.load %arg2[%get3A_25, %get3A_26] : memref<1000x1xf32, #tpu.memory_space<vmem>>, vector<1000x1xf32>
    %mul3A_28 = vector.broadcast %get3A_24 : vector<1x1xf32> to vector<1000x1xf32>
    %mul3A_29 = arith.mulf %mul3A_28, %get3A_27 : vector<1000x1xf32>
    %sub3A = arith.constant 1.000000e+00 : f32
    %sub3A_30 = vector.broadcast %sub3A : f32 to vector<1x1xf32>
    %sub3A_31 = arith.subf %sub3A_30, %get3A_24 : vector<1x1xf32>
    %mul3A_32 = vector.broadcast %sub3A_31 : vector<1x1xf32> to vector<1000x1xf32>
    %mul3A_33 = arith.mulf %mul3A_32, %add3A_21 : vector<1000x1xf32>
    %add3A_34 = arith.addf %mul3A_29, %mul3A_33 : vector<1000x1xf32>
    %swap3A = arith.constant 0 : index
    %swap3A_35 = arith.constant 0 : index
    %swap3A_36 = vector.load %arg8[%swap3A, %swap3A_35] : memref<1000x1xf32, #tpu.memory_space<vmem>>, vector<1000x1xf32>
    tpu.vector_store %arg8[%swap3A, %swap3A_35], %add3A_34 {strides = array<i32>} : memref<1000x1xf32, #tpu.memory_space<vmem>>, vector<1000x1xf32>,
    return
  }
  func.func @transform_0(%arg0: i32) -> (i32, i32) {
    %c0_i32 = arith.constant 0 : i32
    %c0_i32_0 = arith.constant 0 : i32
    return %arg0, %c0_i32 : i32, i32
  }
  func.func @transform_1(%arg0: i32) -> (i32, i32) {
    %c0_i32 = arith.constant 0 : i32
    %c0_i32_0 = arith.constant 0 : i32
    return %arg0, %c0_i32 : i32, i32
  }
  func.func @transform_2(%arg0: i32) -> (i32, i32) {
    %c0_i32 = arith.constant 0 : i32
    %c0_i32_0 = arith.constant 0 : i32
    %c0_i32_1 = arith.constant 0 : i32
    return %c0_i32, %c0_i32_0 : i32, i32
  }
  func.func @transform_3(%arg0: i32) -> (i32, i32) {
    %c0_i32 = arith.constant 0 : i32
    %c0_i32_0 = arith.constant 0 : i32
    %c0_i32_1 = arith.constant 0 : i32
    return %c0_i32, %c0_i32_0 : i32, i32
  }
  func.func @transform_4(%arg0: i32) -> (i32, i32) {
    %c0_i32 = arith.constant 0 : i32
    %c0_i32_0 = arith.constant 0 : i32
    %c0_i32_1 = arith.constant 0 : i32
    return %c0_i32, %c0_i32_0 : i32, i32
  }
  func.func @transform_5(%arg0: i32) -> (i32, i32) {
    %c0_i32 = arith.constant 0 : i32
    %c0_i32_0 = arith.constant 0 : i32
    %c0_i32_1 = arith.constant 0 : i32
    return %c0_i32, %c0_i32_0 : i32, i32
  }
  func.func @transform_6(%arg0: i32) -> (i32, i32) {
    %c0_i32 = arith.constant 0 : i32
    %c0_i32_0 = arith.constant 0 : i32
    %c0_i32_1 = arith.constant 0 : i32
    return %c0_i32, %c0_i32_0 : i32, i32
  }
  func.func @transform_7(%arg0: i32) -> (i32, i32) {
    %c0_i32 = arith.constant 0 : i32
    %c0_i32_0 = arith.constant 0 : i32
    return %arg0, %c0_i32 : i32, i32
  }
}

</mosaic_0001>

<sc_bundles>
// kernel: gather_offload_async_start.1
scs
__scs_entry_jumppad:
0x0: {  	(pc) =	sbr.rel $0x88, $3  }
0x1: {  	(tag) =	ssettag $0x0;
	lr =	simm.s32 $0x1  }
0x2: {  	[smem:$0x3F91] =	sst lr;
	_ =	strace $0xD0000000  }
0x3: {  	_ = 	snop  }
0x4: {  	_ = 	snop  }
0x5: {  	_ = 	snop  }
0x6: {  	_ = 	snop  }
0x7: {  	_ = 	snop  }
__scs_overlays_trampoline_lowered:
0x8: {  	[smem:$0x3FA0] =	sst s0  }
0x9: {  	[smem:$0x3FA1] =	sst s1  }
0xa: {  	[smem:$0x3FA2] =	sst s2  }
0xb: {  	[smem:$0x3FA3] =	sst s3  }
0xc: {  	[smem:$0x3FA4] =	sst s4  }
0xd: {  	[smem:$0x3FA5] =	sst s5  }
0xe: {  	[smem:$0x3FA6] =	sst s6  }
0xf: {  	[smem:$0x3FA7] =	sst s7  }
0x10: {  	[smem:$0x3FA8] =	sst s8  }
0x11: {  	[smem:$0x3FA9] =	sst s9;
	s0 =	simm.s32 @!p0 $0x0  }
0x12: {  	s1 =	sld [smem:$0x3F8F];
	s0 =	simm.s32 @p0 $0x1  }
0x13: {  	[smem:$0x3FAA] =	sst s0;
	s0 =	simm.s32 @!p1 $0x0  }
0x14: {  	s2 =	sld [smem:$0x3F8E];
	s0 =	simm.s32 @p1 $0x1  }
0x15: {  	[smem:$0x3FAB] =	sst s0;
	s0 =	simm.s32 @!p2 $0x0  }
0x16: {  	s3 =	sld [smem:$0x3FDB];
	s0 =	simm.s32 @p2 $0x1  }
0x17: {  	s4 =	simm.s32 $0x1BF5;
	[smem:$0x3FAD] =	sst s0  }
0x18: {  	s0 =	sld [smem:$0x3F90];
	_ =	swait.ge [sflag:s4], $0x0  }
0x19: {  	s7 =	sld [smem:$0x3F91]  }
0x1a: {  	s8 =	sadd.s32 $0xFFFFE003, lr  }
0x1b: {  	s9 =	sadd.s32 $0xFFFFFEF7, lr;
	s5 =	simm.s32 $0xFFFFFFFF;
	p2 =	slt.u32 s8, $0xFFFFF086  }
0x1c: {  	p1 =	slt.u32 s9, $0xF7A;
	s5 =	simm.s32 @!p2 $0x0  }
0x1d: {  	s5 =	simm.s32 @p1 $0x1;
	p0 =	seq.s32 s7, s2  }
0x1e: {  	s7 =	smul.u32 @!p0 $0xF7A, s2;
	p2 =	seq.s32 @!p0 s5, $0x0  }
0x1f: {  	s9 =	smul.u32 $0xF7A, s1;
	s8 =	simm.s32 @!p0 $0x1BF5;
	p2 =	por !p2, p0  }
0x20: {  	[sflag:s8] =	ssyncset.s32 @!p0 $0xFFFFF086;
	s6 =	sadd.s32 @!p0 s3, s7;
	s7 =	simm.s32 @!p0 $0x108  }
0x21: {  	s3 =	sadd.s32 s3, s9;
	s6 =	sadd.s32 @!p0 $0x88, s6;
	s7 =	simm.s32 @p2 $0x1082  }
0x22: {  	[simem:s7], [sflag:s8] =	dma.local @!p0 [hbm:s6], $0xF7A  }
0x23: {  	s9 =	sor.u32 $0xD0000000, s2;
	s6 =	simm.s32 $0x108;
	_ =	swait.ge @!p0 [sflag:s8], $0x0  }
0x24: {  	s3 =	sadd.s32 $0x88, s3;
	s6 =	simm.s32 @!p1 $0x1082;
	[sflag:s4] =	ssyncset.s32 $0xFFFFF086  }
0x25: {  	[simem:s6], [sflag:s4] =	dma.local [hbm:s3], $0xF7A  }
0x26: {  	[smem:$0x3F91] =	sst s1;
	(tag) =	ssettag s2;
	_ =	strace s9  }
0x27: {  	s1 =	sld [smem:$0x3FA1]  }
0x28: {  	s2 =	sld [smem:$0x3FA2]  }
0x29: {  	s4 =	sld [smem:$0x3FA4]  }
0x2a: {  	p0 =	seq.s32 s5, $0x0;
	s5 =	sld [smem:$0x3FA5]  }
0x2b: {  	s6 =	sld [smem:$0x3FA6]  }
0x2c: {  	s7 =	sld [smem:$0x3FA7]  }
0x2d: {  	s3 =	simm.s32 $0x108;
	s8 =	sld [smem:$0x3FA8]  }
0x2e: {  	s3 =	simm.s32 @!p0 $0x1082;
	s9 =	sld [smem:$0x3FA9]  }
0x2f: {  	lr =	sadd.s32 s0, s3;
	s0 =	sld [smem:$0x3FA0]  }
0x30: {  	s3 =	sld [smem:$0x3FA3]  }
0x31: {  	[smem:$0x3FAC] =	sst s10  }
0x32: {  	s10 =	sld [smem:$0x3FAA];
	_ =	sdelay $0x3  }
0x33: {  	p0 =	seq.s32 s10, $0x1;
	s10 =	sld [smem:$0x3FAC];
	_ =	sdelay $0x3  }
0x34: {  	[smem:$0x3FAC] =	sst s10  }
0x35: {  	s10 =	sld [smem:$0x3FAB];
	_ =	sdelay $0x3  }
0x36: {  	p1 =	seq.s32 s10, $0x1;
	s10 =	sld [smem:$0x3FAC];
	_ =	sdelay $0x3  }
0x37: {  	[smem:$0x3FAC] =	sst s10  }
0x38: {  	s10 =	sld [smem:$0x3FAD]  }
0x39: {  	_ = 	snop;
	(pc) =	sbr.ind lr, $3  }
0x3a: {  	_ = 	snop  }
0x3b: {  	_ = 	snop  }
0x3c: {  	p2 =	seq.s32 s10, $0x1;
	s10 =	sld [smem:$0x3FAC]  }
0x3d: {  	_ =	shalt  }
0x3e: {  	_ =	shalt  }
0x3f: {  	_ =	shalt  }
0x40: {  	_ =	shalt  }
0x41: {  	_ =	shalt  }
0x42: {  	_ =	shalt  }
0x43: {  	_ =	shalt  }
0x44: {  	_ =	shalt  }
0x45: {  	_ =	shalt  }
0x46: {  	_ =	shalt  }
0x47: {  	_ =	shalt  }
0x48: {  	_ =	shalt  }
0x49: {  	_ =	shalt  }
0x4a: {  	_ =	shalt  }
0x4b: {  	_ =	shalt  }
0x4c: {  	_ =	shalt  }
0x4d: {  	_ =	shalt  }
0x4e: {  	_ =	shalt  }
0x4f: {  	_ =	shalt  }
0x50: {  	_ =	shalt  }
0x51: {  	_ =	shalt  }
0x52: {  	_ =	shalt  }
0x53: {  	_ =	shalt  }
0x54: {  	_ =	shalt  }
0x55: {  	_ =	shalt  }
0x56: {  	_ =	shalt  }
0x57: {  	_ =	shalt  }
0x58: {  	_ =	shalt  }
0x59: {  	_ =	shalt  }
0x5a: {  	_ =	shalt  }
0x5b: {  	_ =	shalt  }
0x5c: {  	_ =	shalt  }
0x5d: {  	_ =	shalt  }
0x5e: {  	_ =	shalt  }
0x5f: {  	_ =	shalt  }
0x60: {  	_ =	shalt  }
0x61: {  	_ =	shalt  }
0x62: {  	_ =	shalt  }
0x63: {  	_ =	shalt  }
0x64: {  	_ =	shalt  }
0x65: {  	_ =	shalt  }
0x66: {  	_ =	shalt  }
0x67: {  	_ =	shalt  }
0x68: {  	_ =	shalt  }
0x69: {  	_ =	shalt  }
0x6a: {  	_ =	shalt  }
0x6b: {  	_ =	shalt  }
0x6c: {  	_ =	shalt  }
0x6d: {  	_ =	shalt  }
0x6e: {  	_ =	shalt  }
0x6f: {  	_ =	shalt  }
0x70: {  	_ =	shalt  }
0x71: {  	_ =	shalt  }
0x72: {  	_ =	shalt  }
0x73: {  	_ =	shalt  }
0x74: {  	_ =	shalt  }
0x75: {  	_ =	shalt  }
0x76: {  	_ =	shalt  }
0x77: {  	_ =	shalt  }
0x78: {  	_ =	shalt  }
0x79: {  	_ =	shalt  }
0x7a: {  	_ =	shalt  }
0x7b: {  	_ =	shalt  }
0x7c: {  	_ =	shalt  }
0x7d: {  	_ =	shalt  }
0x7e: {  	_ =	shalt  }
0x7f: {  	_ =	shalt  }
0x80: {  	_ =	shalt  }
0x81: {  	_ =	shalt  }
0x82: {  	_ =	shalt  }
0x83: {  	_ =	shalt  }
0x84: {  	_ =	shalt  }
0x85: {  	_ =	shalt  }
0x86: {  	_ =	shalt  }
0x87: {  	_ =	shalt  }
.Lfunc_end0:
.L_simem_size_0:
called_computation.1_lowered:
.L_overlay_start_0:
0x88: {  	s2 =	sld [smem:$0x3FD9]  }
0x89: {  	s3 =	sld [smem:$0x3FFE];
	_ =	sdelay $0x1  }
0x8a: {  	s1 =	srdreg.scid  }
0x8b: {  	s0 =	sand.u32 $0x1, s1  }
0x8c: {  	s17 =	sshll.u32 s0, $0xA;
	s2 =	sadd.s32 s3, s2  }
0x8d: {  	s2 =	sadd.s32 s2, s17  }
0x8e: {  	[smem:$0x3FB8] =	sst s2  }
0x8f: {  	_ = 	snop  }
0x90: {  	s2 =	sld [smem:$0x3FD0];
	(tm) =	ssettm $0x1  }
0x91: {  	s18 =	sld [smem:$0x3FFB];
	_ =	sdelay $0x3  }
0x92: {  	_ =	strace s18  }
0x93: {  	s3 =	sld [smem:$0x3FFC];
	_ =	sdelay $0x3  }
0x94: {  	_ =	strace s3  }
0x95: {  	s3 =	sld [smem:$0x3FFD];
	_ =	sdelay $0x3  }
0x96: {  	_ =	strace s3  }
0x97: {  	_ =	strace $0x8FFFFFFF  }
0x98: {  	s19 =	sld [smem:$0x3FDB];
	_ =	sdelay $0x1  }
0x99: {  	s4 =	simm.s32 $_scs_section_size  }
0x9a: {  	s5 =	simm.s32 $_size__tile_overlayer_lowered;
	s6 =	simm.s32 $_tile_overlayer_lowered  }
0x9b: {  	s22 =	simm.s32 $0x1BFF;
	s21 =	sshll.u32 s6, $0x1;
	s3 =	sadd.s32 s4, s19  }
0x9c: {  	s7 =	simm.s32 $0x0;
	s20 =	sshll.u32 s5, $0x1;
	s5 =	sadd.s32 s21, s3  }
0x9d: {  	[timem:s7], [sflag:s22] =	dma.local [hbm:s5], s20  }
0x9e: {  	_ =	swait.ge [sflag:s22], s20  }
0x9f: {  	s4 =	ssub.s32 $0x0, s20;
	[sflag:s22] =	ssyncset.done $0x0  }
0xa0: {  	[sflag:s22] =	ssyncadd.s32 s4;
	_ =	sdelay $0x1  }
0xa1: {  	s23 =	simm.s32 $0x1B8B  }
0xa2: {  	_ =	swait.ge [sflag:s23], $0x1  }
0xa3: {  	[sflag:s23] =	ssyncset.done $0x0  }
0xa4: {  	s25 =	simm.s32 $0x1B8E;
	s24 =	sld [smem:$0x3FFE];
	[sflag:s23] =	ssyncadd.s32 $0xFFFFFFFF  }
0xa5: {  	s26 =	simm.s32 $execute0_lowered;
	[smem:$0x3FD2] =	sst s25  }
0xa6: {  	s5 =	sshll.u32 s26, $0x1;
	_ =	strace $0x80000046;
	[dreg:$0x1] =	wrdreg $0xFFFFFFFF  }
0xa7: {  	s28 =	simm.s32 $_size_execute0_lowered;
	s3 =	sadd.s32 s3, s5;
	[dreg:$0x0] =	wrdreg $0x0  }
0xa8: {  	s5 =	sshll.u32 s28, $0x1;
	[dreg:$0x2] =	wrdreg s3  }
0xa9: {  	[dreg:$0x3] =	wrdreg s5  }
0xaa: {  	[dreg:$0x4] =	wrdreg $0xC0  }
0xab: {  	_ =	task [dreg:s7], $0x5FFFF  }
0xac: {  	[dreg:$0x1] =	wrdreg $0xFFFFFFFF  }
0xad: {  	[dreg:$0x0] =	wrdreg $0x60  }
0xae: {  	[dreg:$0x2] =	wrdreg s24  }
0xaf: {  	[dreg:$0x3] =	wrdreg s2  }
0xb0: {  	[dreg:$0x4] =	wrdreg $0xA  }
0xb1: {  	_ =	task.clear_ibuf [dreg:s7], $0x5FFFF;
	_ =	strace $0x90000046  }
0xb2: {  	s29 =	simm.s32 $0xA;
	_ =	strace $0x80000048  }
0xb3: {  	_ =	swait.ge [sflag:s29], $0x1  }
0xb4: {  	[sflag:s29] =	ssyncadd.s32 $0xFFFFFFFF  }
0xb5: {  	_ =	strace $0x90000048  }
0xb6: {  	_ =	sfence  }
0xb7: {  	s30 =	sld [smem:$0x0];
	_ =	sdelay $0x2  }
0xb8: {  	s31 =	sshll.u32 s1, $0xD;
	s1 =	sshrl.u32 s1, $0x2  }
0xb9: {  	s3 =	sand.u32 $0x4000, s31;
	s1 =	sadd.s32 s1, s30  }
0xba: {  	s0 =	sor.u32 s3, s0;
	s1 =	sshll.u32 s1, $0x11  }
0xbb: {  	s0 =	sor.u32 s1, s0  }
0xbc: {  	s0 =	sadd.s32 $0x8F2B, s0  }
0xbd: {  	[sflag:s0] =	ssyncadd.remote.s32 $0x1  }
0xbe: {  	_ =	sfence.sel $0xFFFF  }
0xbf: {  	[dreg:$0x0] =	wrdreg $0xFFFFFFFF;
	(pc) =	sbr.abs _section_cstart, $3  }
0xc0: {  	[dreg:$0x1] =	wrdreg $0xFFFFFFFF  }
0xc1: {  	_ =	task.clear_ibuf [dreg:s7], $0x2FFFF;
	_ =	strace $0x9FFFFFFF  }
0xc2: {  	(tm) =	ssettm $0x7FFFFFFF  }
0xc3: {  	_ =	shalt  }
tec
execute0_lowered:
.L_overlay_start_1:
0x0: {  	(tag) =	ssettag $0x1  }
0x1: {  	s0 =	srdreg.scid  }
0x2: {  	s1 =	sshll.u32 s0, $0x4  }
0x3: {  	s0 =	stileid.u32;
	s1 =	sand.u32 $0x10, s1  }
0x4: {  	s9 =	rddreg [dreg:$0x0];
	s1 =	sor.u32 s0, s1  }
0x5: {  	s3 =	rddreg [dreg:$0x1];
	s2 =	smin.u32 s1, $0x8  }
0x6: {  	p0 =	slt.u32 s1, $0x8;
	s2 =	sadd.s32 s1, s2;
	s1 =	simm.s32 $0x80  }
0x7: {  	s6 =	simm.s32 $0x1;
	s2 =	sshll.u32 s2, $0x6;
	s1 =	simm.s32 @!p0 $0x40  }
0x8: {  	s7 =	simm.s32 $0x2;
	s10 =	simm.s32 $0x3;
	s4 =	sadd.s32 s1, s2  }
0x9: {  	s13 =	simm.s32 $0x0;
	s12 =	simm.s32 $0x0;
	s4 =	smin.u32 s4, $0xA00  }
.Ltmp0:
0xa: {  	s5 =	sadd.s32 $0x3C00, s9;
	s8 =	ssub.s32 s4, s2;
	(pc) =	sbr.rel .LBB2_1-.Ltmp0, $4  }
0xb: {  	s1 =	rddreg [dreg:$0x2];
	_ =	strace $0x80000047;
	p0 =	sgt.s32 s8, $0x0  }
0xc: {  	s9 =	sadd.s32 $0x17C00, s9;
	[sflag:s6] =	ssyncpa.u1 $0x0;
	s8 =	simm.s32 @!p0 $0x0  }
0xd: {  	s11 =	smov.u32 s2;
	[sflag:s7] =	ssyncpa.u1 $0x0;
	s8 =	sshrl.u32 s8, $0x6  }
0xe: {  	vm0 =	vmmov $0xff;
	vm1 =	vcmask $0x3F20;
	[sflag:s10] =	ssyncpa.u1 $0x0;
	p0 =	por $0x0, $0x0;
	s10 =	sadd.s32 $0x1, s8  }
.LBB2_6:
0xf: {  	[hbm:s17] =	stream.linear.scatter [tilespmem:s14], [sflag:$0x3], $0x400, $0x38;
	[tilespmem:$0x4080] =	vst v63  }
.LBB2_7:
0x10: {  	s13 =	sadd.s32 $0x40, s11  }
0x11: {  	s15 =	smov.u32 s2;
	p2 =	slt.s32 s13, s4  }
0x12: {  	s15 =	smov.u32 @p2 s13;
	p2 =	sne.s32 s12, s10  }
.Ltmp1:
0x13: {  	p1 =	slt.u32 s12, $0x2;
	(pc) =	sbr.rel @!p2 .LBB2_8-.Ltmp1, $4  }
0x14: {  	s14 =	simm.s32 @!p1 $0x3  }
0x15: {  	s16 =	sadd.s32 $0x1, s12;
	_ =	swait.ge @!p1 [sflag:s14], $0x2000  }
0x16: {  	p0 =	por !p0, !p0;
	s13 =	smov.u32 s11;
	[sflag:s14] =	ssyncset.done @!p1 $0x0  }
0x17: {  	s12 =	smov.u32 s16;
	s11 =	smov.u32 s15;
	[sflag:s14] =	ssyncadd.s32 @!p1 $0xFFFFE000  }
.LBB2_1:
0x18: {  	p1 =	sge.u32 s12, s8  }
0x19: {  	s14 =	sxor.u32 @!p1 $0xFFFFFFFF, s12  }
0x1a: {  	s31 =	sadd.s32 $0xFFFFFFFF, s12;
	s15 =	sshrl.u32 @!p1 s11, $0x3;
	s14 =	sshll.u32 @!p1 s14, $0x6  }
0x1b: {  	s16 =	sand.u32 @!p1 $0x7, s11;
	s15 =	sadd.s32 @!p1 s3, s15;
	s14 =	sand.u32 @!p1 $0x40, s14  }
0x1c: {  	[tilespmem:s14], [sflag:$0x2] =	stream.linear.gather @!p1 [hbm4b:s15+s16], $0x40, $0x38;
	[tilespmem:$0x4080] =	vst v63  }
0x1d: {  	p1 =	sge.u32 s31, s8  }
.Ltmp2:
0x1e: {  	_ = 	snop;
	(pc) =	sbr.rel @p1 .LBB2_7-.Ltmp2, $1  }
0x1f: {  	_ =	sdelay $0x3  }
0x20: {  	s14 =	simm.s32 $0x1  }
0x21: {  	_ =	swait.ge [sflag:s7], $0x40;
	s14 =	simm.s32 @!p0 $0x0  }
0x22: {  	[sflag:s7] =	ssyncset.done $0x0;
	s16 =	sshll.u32 s14, $0x6  }
0x23: {  	[sflag:s7] =	ssyncadd.s32 $0xFFFFFFC0;
	s15 =	sadd.s32 $0x0, s16  }
0x24: {  	v0 =	vld.msk [tilespmem:s15+$0x0 ss:$0x1], $0xffff;
	_ =	sdelay $0x4  }
0x25: {  	vm2 =	vgt.s32 v0, $0x0  }
0x26: {  	v0 =	vnsel vm2, $0x0, v0  }
0x27: {  	v0 =	vmin.u32 v0, $0x9FF  }
0x28: {  	v0 =	vshll.u32 v0, $0x4;
	_ =	sdelay $0x2  }
0x29: {  	s14 =	sshll.u32 s14, $0xD  }
0x2a: {  	s14 =	sor.u32 $0x80, s14  }
0x2b: {  	[tilespmem:s14], [sflag:$0x1] =	stream.indirect_vreg.gather [hbm:s5], $0x80, v0, vm0, $0x38;
	[tilespmem:$0x4080] =	vst v63  }
0x2c: {  	s17 =	sadd.s32 $0x10, s16;
	s15 =	sadd.s32 $0x400, s14  }
0x2d: {  	[tilespmem:s15], [sflag:$0x1] =	stream.indirect_vreg.gather [hbm:s5], $0x80, v0, vm1, $0x38;
	[tilespmem:$0x4080] =	vst v63  }
0x2e: {  	s18 =	simm.s32 $0x80;
	v0 =	vld.msk [tilespmem:s17+$0x0 ss:$0x1], $0xffff;
	s17 =	smov.u32 s14  }
.LBB2_3:
0x2f: {  	p1 =	sne.s32 s18, $0xC0;
	_ =	sdelay $0x4  }
0x30: {  	vm2 =	vgt.s32 v0, $0x0  }
0x31: {  	v0 =	vnsel vm2, $0x0, v0  }
0x32: {  	v0 =	vmin.u32 v0, $0x9FF  }
0x33: {  	v0 =	vshll.u32 v0, $0x4;
	_ =	sdelay $0x3  }
.Ltmp3:
0x34: {  	s19 =	sshra.s32 s18, $0x2;
	s17 =	sadd.s32 $0x800, s17;
	(pc) =	sbr.rel @p1 .LBB2_3-.Ltmp3, $4  }
0x35: {  	[tilespmem:s17], [sflag:$0x1] =	stream.indirect_vreg.gather [hbm:s5], $0x80, v0, vm0, $0x38;
	[tilespmem:$0x4080] =	vst v63  }
0x36: {  	s19 =	sadd.s32 s19, s16;
	s20 =	sadd.s32 $0x400, s17  }
0x37: {  	[tilespmem:s20], [sflag:$0x1] =	stream.indirect_vreg.gather [hbm:s5], $0x80, v0, vm1, $0x38;
	[tilespmem:$0x4080] =	vst v63  }
0x38: {  	s18 =	sadd.s32 $0x40, s18;
	v0 =	vld.msk [tilespmem:s19+$0x0 ss:$0x1], $0xffff  }
0x39: {  	_ =	sdelay $0x3  }
0x3a: {  	vm2 =	vgt.s32 v0, $0x0  }
0x3b: {  	v0 =	vnsel vm2, $0x0, v0  }
0x3c: {  	v0 =	vmin.u32 v0, $0x9FF  }
0x3d: {  	v0 =	vshll.u32 v0, $0x4;
	_ =	sdelay $0x3  }
0x3e: {  	s16 =	sadd.s32 $0x800, s17  }
0x3f: {  	[tilespmem:s16], [sflag:$0x1] =	stream.indirect_vreg.gather [hbm:s5], $0x80, v0, vm0, $0x38;
	[tilespmem:$0x4080] =	vst v63  }
0x40: {  	s16 =	sadd.s32 $0x400, s16  }
0x41: {  	[tilespmem:s16], [sflag:$0x1] =	stream.indirect_vreg.gather [hbm:s5], $0x80, v0, vm1, $0x38;
	[tilespmem:$0x4080] =	vst v63  }
0x42: {  	s13 =	sshll.u32 s13, $0x4;
	_ =	swait.ge [sflag:s6], $0x2000  }
0x43: {  	s13 =	sadd.s32 s13, s9;
	[sflag:s6] =	ssyncset.done $0x0  }
0x44: {  	s17 =	sadd.s32 $0x0, s13;
	s16 =	simm.s32 $0x80;
	[sflag:s6] =	ssyncadd.s32 $0xFFFFE000  }
.LBB2_5:
0x45: {  	[hbm:s17] =	stream.linear.scatter [tilespmem:s14], [sflag:$0x3], $0x400, $0x38;
	[tilespmem:$0x4080] =	vst v63  }
0x46: {  	s17 =	smov.u32 s16;
	s14 =	smov.u32 s15;
	p1 =	sne.s32 s16, $0x380  }
.Ltmp4:
0x47: {  	s16 =	sadd.s32 $0x80, s16;
	(pc) =	sbr.rel @p1 .LBB2_5-.Ltmp4, $2  }
0x48: {  	_ =	sdelay $0x2  }
0x49: {  	s15 =	sadd.s32 $0x400, s15;
	s17 =	sadd.s32 s17, s13  }
.Ltmp5:
0x4a: {  	_ = 	snop;
	(pc) =	sbr.rel .LBB2_6-.Ltmp5, $1  }
0x4b: {  	_ =	sdelay $0x3  }
.LBB2_8:
0x4c: {  	_ =	sfence.sel $0x180000  }
0x4d: {  	s2 =	simm.s32 $0x2;
	[bflag:$0x0] =	sbarrier.arrive $0xFFFF  }
0x4e: {  	s30 =	simm.s32 $0x3;
	[sflag:s2] =	ssyncpa.u1 $0x1  }
0x4f: {  	s31 =	simm.s32 $0x1;
	[sflag:s30] =	ssyncpa.u1 $0x1  }
0x50: {  	[sflag:s31] =	ssyncpa.u1 $0x1  }
0x51: {  	p0 =	sne.s32 s0, $0x0;
	_ =	strace $0x90000047  }
0x52: {  	s0 =	sadd.s32 @!p0 $0x100000, s1;
	[bflag:$0x2] =	sbarrier.arrive $0xFFFF  }
0x53: {  	[sflag:s0] =	ssyncadd.tile.s32 @!p0 $0x1;
	_ =	shalt  }
.Lfunc_end2:
_tile_overlayer_lowered:
.L_overlay_start_2:
0x54: {  	(tag) =	ssettag $0x2  }
0x55: {  	s0 =	rddreg [dreg:$0x0];
	s2 =	stileid.u32  }
0x56: {  	s1 =	rddreg [dreg:$0x1];
	p0 =	sne.s32 s2, $0x0  }
0x57: {  	s3 =	rddreg [dreg:$0x2];
	[bflag:$0x3] =	sbarrier.arrive $0xFFFF;
	s2 =	simm.s32 @!p0 $0x1C01  }
0x58: {  	[timem:s3], [sflag:s2] =	dma.local @!p0 [hbm:s0], s1  }
0x59: {  	s0 =	simm.s32 @!p0 $0x1  }
0x5a: {  	_ =	swait.ge @!p0 [sflag:s0], s1  }
0x5b: {  	s1 =	ssub.s32 @!p0 $0x0, s1;
	[sflag:s0] =	ssyncset.done @!p0 $0x0  }
0x5c: {  	[sflag:s0] =	ssyncadd.s32 @!p0 s1  }
0x5d: {  	[bflag:$0x3] =	sbarrier.arrive $0xFFFF  }
0x5e: {  	_ =	shalt  }

// kernel: gather_offload_async_start
scs
__scs_entry_jumppad:
0x0: {  	(pc) =	sbr.rel $0x88, $3  }
0x1: {  	(tag) =	ssettag $0x0;
	lr =	simm.s32 $0x1  }
0x2: {  	[smem:$0x3F91] =	sst lr;
	_ =	strace $0xD0000000  }
0x3: {  	_ = 	snop  }
0x4: {  	_ = 	snop  }
0x5: {  	_ = 	snop  }
0x6: {  	_ = 	snop  }
0x7: {  	_ = 	snop  }
__scs_overlays_trampoline_lowered:
0x8: {  	[smem:$0x3FA0] =	sst s0  }
0x9: {  	[smem:$0x3FA1] =	sst s1  }
0xa: {  	[smem:$0x3FA2] =	sst s2  }
0xb: {  	[smem:$0x3FA3] =	sst s3  }
0xc: {  	[smem:$0x3FA4] =	sst s4  }
0xd: {  	[smem:$0x3FA5] =	sst s5  }
0xe: {  	[smem:$0x3FA6] =	sst s6  }
0xf: {  	[smem:$0x3FA7] =	sst s7  }
0x10: {  	[smem:$0x3FA8] =	sst s8  }
0x11: {  	[smem:$0x3FA9] =	sst s9;
	s0 =	simm.s32 @!p0 $0x0  }
0x12: {  	s1 =	sld [smem:$0x3F8F];
	s0 =	simm.s32 @p0 $0x1  }
0x13: {  	[smem:$0x3FAA] =	sst s0;
	s0 =	simm.s32 @!p1 $0x0  }
0x14: {  	s2 =	sld [smem:$0x3F8E];
	s0 =	simm.s32 @p1 $0x1  }
0x15: {  	[smem:$0x3FAB] =	sst s0;
	s0 =	simm.s32 @!p2 $0x0  }
0x16: {  	s3 =	sld [smem:$0x3FDB];
	s0 =	simm.s32 @p2 $0x1  }
0x17: {  	s4 =	simm.s32 $0x1BF5;
	[smem:$0x3FAD] =	sst s0  }
0x18: {  	s0 =	sld [smem:$0x3F90];
	_ =	swait.ge [sflag:s4], $0x0  }
0x19: {  	s7 =	sld [smem:$0x3F91]  }
0x1a: {  	s8 =	sadd.s32 $0xFFFFE003, lr  }
0x1b: {  	s9 =	sadd.s32 $0xFFFFFEF7, lr;
	s5 =	simm.s32 $0xFFFFFFFF;
	p2 =	slt.u32 s8, $0xFFFFF086  }
0x1c: {  	p1 =	slt.u32 s9, $0xF7A;
	s5 =	simm.s32 @!p2 $0x0  }
0x1d: {  	s5 =	simm.s32 @p1 $0x1;
	p0 =	seq.s32 s7, s2  }
0x1e: {  	s7 =	smul.u32 @!p0 $0xF7A, s2;
	p2 =	seq.s32 @!p0 s5, $0x0  }
0x1f: {  	s9 =	smul.u32 $0xF7A, s1;
	s8 =	simm.s32 @!p0 $0x1BF5;
	p2 =	por !p2, p0  }
0x20: {  	[sflag:s8] =	ssyncset.s32 @!p0 $0xFFFFF086;
	s6 =	sadd.s32 @!p0 s3, s7;
	s7 =	simm.s32 @!p0 $0x108  }
0x21: {  	s3 =	sadd.s32 s3, s9;
	s6 =	sadd.s32 @!p0 $0x88, s6;
	s7 =	simm.s32 @p2 $0x1082  }
0x22: {  	[simem:s7], [sflag:s8] =	dma.local @!p0 [hbm:s6], $0xF7A  }
0x23: {  	s9 =	sor.u32 $0xD0000000, s2;
	s6 =	simm.s32 $0x108;
	_ =	swait.ge @!p0 [sflag:s8], $0x0  }
0x24: {  	s3 =	sadd.s32 $0x88, s3;
	s6 =	simm.s32 @!p1 $0x1082;
	[sflag:s4] =	ssyncset.s32 $0xFFFFF086  }
0x25: {  	[simem:s6], [sflag:s4] =	dma.local [hbm:s3], $0xF7A  }
0x26: {  	[smem:$0x3F91] =	sst s1;
	(tag) =	ssettag s2;
	_ =	strace s9  }
0x27: {  	s1 =	sld [smem:$0x3FA1]  }
0x28: {  	s2 =	sld [smem:$0x3FA2]  }
0x29: {  	s4 =	sld [smem:$0x3FA4]  }
0x2a: {  	p0 =	seq.s32 s5, $0x0;
	s5 =	sld [smem:$0x3FA5]  }
0x2b: {  	s6 =	sld [smem:$0x3FA6]  }
0x2c: {  	s7 =	sld [smem:$0x3FA7]  }
0x2d: {  	s3 =	simm.s32 $0x108;
	s8 =	sld [smem:$0x3FA8]  }
0x2e: {  	s3 =	simm.s32 @!p0 $0x1082;
	s9 =	sld [smem:$0x3FA9]  }
0x2f: {  	lr =	sadd.s32 s0, s3;
	s0 =	sld [smem:$0x3FA0]  }
0x30: {  	s3 =	sld [smem:$0x3FA3]  }
0x31: {  	[smem:$0x3FAC] =	sst s10  }
0x32: {  	s10 =	sld [smem:$0x3FAA];
	_ =	sdelay $0x3  }
0x33: {  	p0 =	seq.s32 s10, $0x1;
	s10 =	sld [smem:$0x3FAC];
	_ =	sdelay $0x3  }
0x34: {  	[smem:$0x3FAC] =	sst s10  }
0x35: {  	s10 =	sld [smem:$0x3FAB];
	_ =	sdelay $0x3  }
0x36: {  	p1 =	seq.s32 s10, $0x1;
	s10 =	sld [smem:$0x3FAC];
	_ =	sdelay $0x3  }
0x37: {  	[smem:$0x3FAC] =	sst s10  }
0x38: {  	s10 =	sld [smem:$0x3FAD]  }
0x39: {  	_ = 	snop;
	(pc) =	sbr.ind lr, $3  }
0x3a: {  	_ = 	snop  }
0x3b: {  	_ = 	snop  }
0x3c: {  	p2 =	seq.s32 s10, $0x1;
	s10 =	sld [smem:$0x3FAC]  }
0x3d: {  	_ =	shalt  }
0x3e: {  	_ =	shalt  }
0x3f: {  	_ =	shalt  }
0x40: {  	_ =	shalt  }
0x41: {  	_ =	shalt  }
0x42: {  	_ =	shalt  }
0x43: {  	_ =	shalt  }
0x44: {  	_ =	shalt  }
0x45: {  	_ =	shalt  }
0x46: {  	_ =	shalt  }
0x47: {  	_ =	shalt  }
0x48: {  	_ =	shalt  }
0x49: {  	_ =	shalt  }
0x4a: {  	_ =	shalt  }
0x4b: {  	_ =	shalt  }
0x4c: {  	_ =	shalt  }
0x4d: {  	_ =	shalt  }
0x4e: {  	_ =	shalt  }
0x4f: {  	_ =	shalt  }
0x50: {  	_ =	shalt  }
0x51: {  	_ =	shalt  }
0x52: {  	_ =	shalt  }
0x53: {  	_ =	shalt  }
0x54: {  	_ =	shalt  }
0x55: {  	_ =	shalt  }
0x56: {  	_ =	shalt  }
0x57: {  	_ =	shalt  }
0x58: {  	_ =	shalt  }
0x59: {  	_ =	shalt  }
0x5a: {  	_ =	shalt  }
0x5b: {  	_ =	shalt  }
0x5c: {  	_ =	shalt  }
0x5d: {  	_ =	shalt  }
0x5e: {  	_ =	shalt  }
0x5f: {  	_ =	shalt  }
0x60: {  	_ =	shalt  }
0x61: {  	_ =	shalt  }
0x62: {  	_ =	shalt  }
0x63: {  	_ =	shalt  }
0x64: {  	_ =	shalt  }
0x65: {  	_ =	shalt  }
0x66: {  	_ =	shalt  }
0x67: {  	_ =	shalt  }
0x68: {  	_ =	shalt  }
0x69: {  	_ =	shalt  }
0x6a: {  	_ =	shalt  }
0x6b: {  	_ =	shalt  }
0x6c: {  	_ =	shalt  }
0x6d: {  	_ =	shalt  }
0x6e: {  	_ =	shalt  }
0x6f: {  	_ =	shalt  }
0x70: {  	_ =	shalt  }
0x71: {  	_ =	shalt  }
0x72: {  	_ =	shalt  }
0x73: {  	_ =	shalt  }
0x74: {  	_ =	shalt  }
0x75: {  	_ =	shalt  }
0x76: {  	_ =	shalt  }
0x77: {  	_ =	shalt  }
0x78: {  	_ =	shalt  }
0x79: {  	_ =	shalt  }
0x7a: {  	_ =	shalt  }
0x7b: {  	_ =	shalt  }
0x7c: {  	_ =	shalt  }
0x7d: {  	_ =	shalt  }
0x7e: {  	_ =	shalt  }
0x7f: {  	_ =	shalt  }
0x80: {  	_ =	shalt  }
0x81: {  	_ =	shalt  }
0x82: {  	_ =	shalt  }
0x83: {  	_ =	shalt  }
0x84: {  	_ =	shalt  }
0x85: {  	_ =	shalt  }
0x86: {  	_ =	shalt  }
0x87: {  	_ =	shalt  }
.Lfunc_end0:
.L_simem_size_0:
called_computation_lowered:
.L_overlay_start_0:
0x88: {  	s2 =	sld [smem:$0x3FD9]  }
0x89: {  	s3 =	sld [smem:$0x3FFE];
	_ =	sdelay $0x1  }
0x8a: {  	s1 =	srdreg.scid  }
0x8b: {  	s0 =	sand.u32 $0x1, s1  }
0x8c: {  	s17 =	sshll.u32 s0, $0xA;
	s2 =	sadd.s32 s3, s2  }
0x8d: {  	s2 =	sadd.s32 s2, s17  }
0x8e: {  	[smem:$0x3FB8] =	sst s2  }
0x8f: {  	_ = 	snop  }
0x90: {  	s18 =	sld [smem:$0x3FD0];
	(tm) =	ssettm $0x1  }
0x91: {  	s19 =	sld [smem:$0x3FFB];
	_ =	sdelay $0x3  }
0x92: {  	_ =	strace s19  }
0x93: {  	s2 =	sld [smem:$0x3FFC];
	_ =	sdelay $0x3  }
0x94: {  	_ =	strace s2  }
0x95: {  	s2 =	sld [smem:$0x3FFD];
	_ =	sdelay $0x3  }
0x96: {  	_ =	strace s2  }
0x97: {  	_ =	strace $0x8FFFFFFF  }
0x98: {  	s20 =	sld [smem:$0x3FDB];
	_ =	sdelay $0x1  }
0x99: {  	s4 =	simm.s32 $_scs_section_size  }
0x9a: {  	s5 =	simm.s32 $_size__tile_overlayer_lowered;
	s6 =	simm.s32 $_tile_overlayer_lowered  }
0x9b: {  	s7 =	simm.s32 $0x1BFF;
	s21 =	sshll.u32 s6, $0x1;
	s4 =	sadd.s32 s4, s20  }
0x9c: {  	s22 =	simm.s32 $0x0;
	s5 =	sshll.u32 s5, $0x1;
	s6 =	sadd.s32 s21, s4  }
0x9d: {  	[timem:s22], [sflag:s7] =	dma.local [hbm:s6], s5  }
0x9e: {  	_ =	swait.ge [sflag:s7], s5  }
0x9f: {  	s5 =	ssub.s32 $0x0, s5;
	[sflag:s7] =	ssyncset.done $0x0  }
0xa0: {  	[sflag:s7] =	ssyncadd.s32 s5;
	_ =	sdelay $0x1  }
0xa1: {  	s23 =	simm.s32 $0x1B8B  }
0xa2: {  	_ =	swait.ge [sflag:s23], $0x1  }
0xa3: {  	[sflag:s23] =	ssyncset.done $0x0  }
0xa4: {  	[sflag:s23] =	ssyncadd.s32 $0xFFFFFFFF  }
0xa5: {  	s5 =	sld [smem:$0x0]  }
0xa6: {  	s6 =	sand.u32 $0xFFFFFFFE, s1  }
0xa7: {  	p0 =	sne.s32 s1, s6  }
0xa8: {  	s6 =	sshll.u32 @p0 s6, $0xE  }
0xa9: {  	s6 =	sadd.s32 @p0 $0x11B8D, s6;
	s7 =	sshll.u32 @p0 s5, $0x11  }
0xaa: {  	s6 =	sor.u32 @p0 s7, s6  }
0xab: {  	[sflag:s6] =	ssyncadd.remote.s32 @p0 $0x1;
	_ =	sdelay $0x1  }
0xac: {  	s6 =	simm.s32 @p0 $0x1B8D  }
0xad: {  	_ =	swait.eq @p0 [sflag:s6], $0x1  }
0xae: {  	[sflag:s6] =	ssyncadd.s32 @p0 $0xFFFFFFFF  }
0xaf: {  	s7 =	sshll.u32 @!p0 s1, $0xE  }
0xb0: {  	s7 =	sor.u32 @!p0 $0x4000, s7;
	s6 =	simm.s32 @!p0 $0x1B8D  }
0xb1: {  	s5 =	sshll.u32 @!p0 s5, $0x11;
	s7 =	sadd.s32 @!p0 $0x11B8D, s7;
	_ =	swait.eq @!p0 [sflag:s6], $0x1  }
0xb2: {  	s5 =	sor.u32 @!p0 s5, s7;
	[sflag:s6] =	ssyncadd.s32 @!p0 $0xFFFFFFFF  }
0xb3: {  	s25 =	simm.s32 $0x1B8E;
	s24 =	sld [smem:$0x3FFE];
	[sflag:s5] =	ssyncadd.remote.s32 @!p0 $0x1  }
0xb4: {  	s26 =	simm.s32 $execute0_lowered;
	[smem:$0x3FD2] =	sst s25  }
0xb5: {  	s6 =	sshll.u32 s26, $0x1;
	_ =	strace $0x80000049;
	[dreg:$0x1] =	wrdreg $0xFFFFFFFF  }
0xb6: {  	s28 =	simm.s32 $_size_execute0_lowered;
	s4 =	sadd.s32 s4, s6;
	[dreg:$0x0] =	wrdreg $0x0  }
0xb7: {  	s6 =	sshll.u32 s28, $0x1;
	[dreg:$0x2] =	wrdreg s4  }
0xb8: {  	[dreg:$0x3] =	wrdreg s6  }
0xb9: {  	[dreg:$0x4] =	wrdreg $0xC0  }
0xba: {  	_ =	task [dreg:s22], $0x5FFFF  }
0xbb: {  	[dreg:$0x1] =	wrdreg $0xFFFFFFFF  }
0xbc: {  	[dreg:$0x0] =	wrdreg $0x60  }
0xbd: {  	[dreg:$0x2] =	wrdreg s24  }
0xbe: {  	[dreg:$0x3] =	wrdreg s18  }
0xbf: {  	[dreg:$0x4] =	wrdreg $0x9  }
0xc0: {  	_ =	task.clear_ibuf [dreg:s22], $0x5FFFF;
	_ =	strace $0x90000049  }
0xc1: {  	s29 =	simm.s32 $0x9;
	_ =	strace $0x8000004B  }
0xc2: {  	_ =	swait.ge [sflag:s29], $0x1  }
0xc3: {  	[sflag:s29] =	ssyncadd.s32 $0xFFFFFFFF  }
0xc4: {  	_ =	strace $0x9000004B  }
0xc5: {  	_ =	sfence  }
0xc6: {  	s30 =	sld [smem:$0x0];
	_ =	sdelay $0x2  }
0xc7: {  	s31 =	sshll.u32 s1, $0xD;
	s1 =	sshrl.u32 s1, $0x2  }
0xc8: {  	s4 =	sand.u32 $0x4000, s31;
	s1 =	sadd.s32 s1, s30  }
0xc9: {  	s0 =	sor.u32 s4, s0;
	s1 =	sshll.u32 s1, $0x11  }
0xca: {  	s0 =	sor.u32 s1, s0  }
0xcb: {  	s0 =	sadd.s32 $0x8F2B, s0  }
0xcc: {  	[sflag:s0] =	ssyncadd.remote.s32 $0x1  }
0xcd: {  	_ =	sfence.sel $0xFFFF  }
0xce: {  	[dreg:$0x0] =	wrdreg $0xFFFFFFFF;
	(pc) =	sbr.abs _section_cstart, $3  }
0xcf: {  	[dreg:$0x1] =	wrdreg $0xFFFFFFFF  }
0xd0: {  	_ =	task.clear_ibuf [dreg:s22], $0x2FFFF;
	_ =	strace $0x9FFFFFFF  }
0xd1: {  	(tm) =	ssettm $0x7FFFFFFF  }
tec
execute0_lowered:
.L_overlay_start_1:
0x0: {  	(tag) =	ssettag $0x1  }
0x1: {  	s0 =	srdreg.scid  }
0x2: {  	s1 =	sshll.u32 s0, $0x4  }
0x3: {  	s0 =	stileid.u32;
	s1 =	sand.u32 $0x10, s1  }
0x4: {  	s9 =	rddreg [dreg:$0x0];
	s1 =	sor.u32 s0, s1  }
0x5: {  	s3 =	rddreg [dreg:$0x1];
	s2 =	smin.u32 s1, $0x8  }
0x6: {  	p0 =	slt.u32 s1, $0x8;
	s2 =	sadd.s32 s1, s2;
	s1 =	simm.s32 $0x80  }
0x7: {  	s6 =	simm.s32 $0x1;
	s2 =	sshll.u32 s2, $0x6;
	s1 =	simm.s32 @!p0 $0x40  }
0x8: {  	s7 =	simm.s32 $0x2;
	s10 =	simm.s32 $0x3;
	s4 =	sadd.s32 s1, s2  }
0x9: {  	s13 =	simm.s32 $0x0;
	s12 =	simm.s32 $0x0;
	s4 =	smin.u32 s4, $0xA00  }
.Ltmp0:
0xa: {  	s5 =	sadd.s32 $0xDC00, s9;
	s8 =	ssub.s32 s4, s2;
	(pc) =	sbr.rel .LBB2_1-.Ltmp0, $4  }
0xb: {  	s1 =	rddreg [dreg:$0x2];
	_ =	strace $0x8000004A;
	p0 =	sgt.s32 s8, $0x0  }
0xc: {  	s9 =	sadd.s32 $0x21C00, s9;
	[sflag:s6] =	ssyncpa.u1 $0x0;
	s8 =	simm.s32 @!p0 $0x0  }
0xd: {  	s11 =	smov.u32 s2;
	[sflag:s7] =	ssyncpa.u1 $0x0;
	s8 =	sshrl.u32 s8, $0x6  }
0xe: {  	vm0 =	vmmov $0xff;
	vm1 =	vcmask $0x3F20;
	[sflag:s10] =	ssyncpa.u1 $0x0;
	p0 =	por $0x0, $0x0;
	s10 =	sadd.s32 $0x1, s8  }
.LBB2_6:
0xf: {  	[hbm:s17] =	stream.linear.scatter [tilespmem:s14], [sflag:$0x3], $0x400, $0x38;
	[tilespmem:$0x4080] =	vst v63  }
.LBB2_7:
0x10: {  	s13 =	sadd.s32 $0x40, s11  }
0x11: {  	s15 =	smov.u32 s2;
	p2 =	slt.s32 s13, s4  }
0x12: {  	s15 =	smov.u32 @p2 s13;
	p2 =	sne.s32 s12, s10  }
.Ltmp1:
0x13: {  	p1 =	slt.u32 s12, $0x2;
	(pc) =	sbr.rel @!p2 .LBB2_8-.Ltmp1, $4  }
0x14: {  	s14 =	simm.s32 @!p1 $0x3  }
0x15: {  	s16 =	sadd.s32 $0x1, s12;
	_ =	swait.ge @!p1 [sflag:s14], $0x2000  }
0x16: {  	p0 =	por !p0, !p0;
	s13 =	smov.u32 s11;
	[sflag:s14] =	ssyncset.done @!p1 $0x0  }
0x17: {  	s12 =	smov.u32 s16;
	s11 =	smov.u32 s15;
	[sflag:s14] =	ssyncadd.s32 @!p1 $0xFFFFE000  }
.LBB2_1:
0x18: {  	p1 =	sge.u32 s12, s8  }
0x19: {  	s14 =	sxor.u32 @!p1 $0xFFFFFFFF, s12  }
0x1a: {  	s31 =	sadd.s32 $0xFFFFFFFF, s12;
	s15 =	sshrl.u32 @!p1 s11, $0x3;
	s14 =	sshll.u32 @!p1 s14, $0x6  }
0x1b: {  	s16 =	sand.u32 @!p1 $0x7, s11;
	s15 =	sadd.s32 @!p1 s3, s15;
	s14 =	sand.u32 @!p1 $0x40, s14  }
0x1c: {  	[tilespmem:s14], [sflag:$0x2] =	stream.linear.gather @!p1 [hbm4b:s15+s16], $0x40, $0x38;
	[tilespmem:$0x4080] =	vst v63  }
0x1d: {  	p1 =	sge.u32 s31, s8  }
.Ltmp2:
0x1e: {  	_ = 	snop;
	(pc) =	sbr.rel @p1 .LBB2_7-.Ltmp2, $1  }
0x1f: {  	_ =	sdelay $0x3  }
0x20: {  	s14 =	simm.s32 $0x1  }
0x21: {  	_ =	swait.ge [sflag:s7], $0x40;
	s14 =	simm.s32 @!p0 $0x0  }
0x22: {  	[sflag:s7] =	ssyncset.done $0x0;
	s16 =	sshll.u32 s14, $0x6  }
0x23: {  	[sflag:s7] =	ssyncadd.s32 $0xFFFFFFC0;
	s15 =	sadd.s32 $0x0, s16  }
0x24: {  	v0 =	vld.msk [tilespmem:s15+$0x0 ss:$0x1], $0xffff;
	_ =	sdelay $0x4  }
0x25: {  	vm2 =	vgt.s32 v0, $0x0  }
0x26: {  	v0 =	vnsel vm2, $0x0, v0  }
0x27: {  	v0 =	vmin.u32 v0, $0x9FF  }
0x28: {  	v0 =	vshll.u32 v0, $0x4;
	_ =	sdelay $0x2  }
0x29: {  	s14 =	sshll.u32 s14, $0xD  }
0x2a: {  	s14 =	sor.u32 $0x80, s14  }
0x2b: {  	[tilespmem:s14], [sflag:$0x1] =	stream.indirect_vreg.gather [hbm:s5], $0x80, v0, vm0, $0x38;
	[tilespmem:$0x4080] =	vst v63  }
0x2c: {  	s17 =	sadd.s32 $0x10, s16;
	s15 =	sadd.s32 $0x400, s14  }
0x2d: {  	[tilespmem:s15], [sflag:$0x1] =	stream.indirect_vreg.gather [hbm:s5], $0x80, v0, vm1, $0x38;
	[tilespmem:$0x4080] =	vst v63  }
0x2e: {  	s18 =	simm.s32 $0x80;
	v0 =	vld.msk [tilespmem:s17+$0x0 ss:$0x1], $0xffff;
	s17 =	smov.u32 s14  }
.LBB2_3:
0x2f: {  	p1 =	sne.s32 s18, $0xC0;
	_ =	sdelay $0x4  }
0x30: {  	vm2 =	vgt.s32 v0, $0x0  }
0x31: {  	v0 =	vnsel vm2, $0x0, v0  }
0x32: {  	v0 =	vmin.u32 v0, $0x9FF  }
0x33: {  	v0 =	vshll.u32 v0, $0x4;
	_ =	sdelay $0x3  }
.Ltmp3:
0x34: {  	s19 =	sshra.s32 s18, $0x2;
	s17 =	sadd.s32 $0x800, s17;
	(pc) =	sbr.rel @p1 .LBB2_3-.Ltmp3, $4  }
0x35: {  	[tilespmem:s17], [sflag:$0x1] =	stream.indirect_vreg.gather [hbm:s5], $0x80, v0, vm0, $0x38;
	[tilespmem:$0x4080] =	vst v63  }
0x36: {  	s19 =	sadd.s32 s19, s16;
	s20 =	sadd.s32 $0x400, s17  }
0x37: {  	[tilespmem:s20], [sflag:$0x1] =	stream.indirect_vreg.gather [hbm:s5], $0x80, v0, vm1, $0x38;
	[tilespmem:$0x4080] =	vst v63  }
0x38: {  	s18 =	sadd.s32 $0x40, s18;
	v0 =	vld.msk [tilespmem:s19+$0x0 ss:$0x1], $0xffff  }
0x39: {  	_ =	sdelay $0x3  }
0x3a: {  	vm2 =	vgt.s32 v0, $0x0  }
0x3b: {  	v0 =	vnsel vm2, $0x0, v0  }
0x3c: {  	v0 =	vmin.u32 v0, $0x9FF  }
0x3d: {  	v0 =	vshll.u32 v0, $0x4;
	_ =	sdelay $0x3  }
0x3e: {  	s16 =	sadd.s32 $0x800, s17  }
0x3f: {  	[tilespmem:s16], [sflag:$0x1] =	stream.indirect_vreg.gather [hbm:s5], $0x80, v0, vm0, $0x38;
	[tilespmem:$0x4080] =	vst v63  }
0x40: {  	s16 =	sadd.s32 $0x400, s16  }
0x41: {  	[tilespmem:s16], [sflag:$0x1] =	stream.indirect_vreg.gather [hbm:s5], $0x80, v0, vm1, $0x38;
	[tilespmem:$0x4080] =	vst v63  }
0x42: {  	s13 =	sshll.u32 s13, $0x4;
	_ =	swait.ge [sflag:s6], $0x2000  }
0x43: {  	s13 =	sadd.s32 s13, s9;
	[sflag:s6] =	ssyncset.done $0x0  }
0x44: {  	s17 =	sadd.s32 $0x0, s13;
	s16 =	simm.s32 $0x80;
	[sflag:s6] =	ssyncadd.s32 $0xFFFFE000  }
.LBB2_5:
0x45: {  	[hbm:s17] =	stream.linear.scatter [tilespmem:s14], [sflag:$0x3], $0x400, $0x38;
	[tilespmem:$0x4080] =	vst v63  }
0x46: {  	s17 =	smov.u32 s16;
	s14 =	smov.u32 s15;
	p1 =	sne.s32 s16, $0x380  }
.Ltmp4:
0x47: {  	s16 =	sadd.s32 $0x80, s16;
	(pc) =	sbr.rel @p1 .LBB2_5-.Ltmp4, $2  }
0x48: {  	_ =	sdelay $0x2  }
0x49: {  	s15 =	sadd.s32 $0x400, s15;
	s17 =	sadd.s32 s17, s13  }
.Ltmp5:
0x4a: {  	_ = 	snop;
	(pc) =	sbr.rel .LBB2_6-.Ltmp5, $1  }
0x4b: {  	_ =	sdelay $0x3  }
.LBB2_8:
0x4c: {  	_ =	sfence.sel $0x180000  }
0x4d: {  	s2 =	simm.s32 $0x2;
	[bflag:$0x0] =	sbarrier.arrive $0xFFFF  }
0x4e: {  	s30 =	simm.s32 $0x3;
	[sflag:s2] =	ssyncpa.u1 $0x1  }
0x4f: {  	s31 =	simm.s32 $0x1;
	[sflag:s30] =	ssyncpa.u1 $0x1  }
0x50: {  	[sflag:s31] =	ssyncpa.u1 $0x1  }
0x51: {  	p0 =	sne.s32 s0, $0x0;
	_ =	strace $0x9000004A  }
0x52: {  	s0 =	sadd.s32 @!p0 $0x100000, s1;
	[bflag:$0x2] =	sbarrier.arrive $0xFFFF  }
0x53: {  	[sflag:s0] =	ssyncadd.tile.s32 @!p0 $0x1;
	_ =	shalt  }
.Lfunc_end2:
_tile_overlayer_lowered:
.L_overlay_start_2:
0x54: {  	(tag) =	ssettag $0x2  }
0x55: {  	s0 =	rddreg [dreg:$0x0];
	s2 =	stileid.u32  }
0x56: {  	s1 =	rddreg [dreg:$0x1];
	p0 =	sne.s32 s2, $0x0  }
0x57: {  	s3 =	rddreg [dreg:$0x2];
	[bflag:$0x3] =	sbarrier.arrive $0xFFFF;
	s2 =	simm.s32 @!p0 $0x1C01  }
0x58: {  	[timem:s3], [sflag:s2] =	dma.local @!p0 [hbm:s0], s1  }
0x59: {  	s0 =	simm.s32 @!p0 $0x1  }
0x5a: {  	_ =	swait.ge @!p0 [sflag:s0], s1  }
0x5b: {  	s1 =	ssub.s32 @!p0 $0x0, s1;
	[sflag:s0] =	ssyncset.done @!p0 $0x0  }
0x5c: {  	[sflag:s0] =	ssyncadd.s32 @!p0 s1  }
0x5d: {  	[bflag:$0x3] =	sbarrier.arrive $0xFFFF  }
0x5e: {  	_ =	shalt  }

// kernel: kernel.12.cloned.1.call-start
scs
__scs_entry_jumppad:
0x0: {  	(pc) =	sbr.rel $0x88, $3  }
0x1: {  	(tag) =	ssettag $0x0;
	lr =	simm.s32 $0x1  }
0x2: {  	[smem:$0x3F91] =	sst lr;
	_ =	strace $0xD0000000  }
0x3: {  	_ = 	snop  }
0x4: {  	_ = 	snop  }
0x5: {  	_ = 	snop  }
0x6: {  	_ = 	snop  }
0x7: {  	_ = 	snop  }
__scs_overlays_trampoline_lowered:
0x8: {  	[smem:$0x3FA0] =	sst s0  }
0x9: {  	[smem:$0x3FA1] =	sst s1  }
0xa: {  	[smem:$0x3FA2] =	sst s2  }
0xb: {  	[smem:$0x3FA3] =	sst s3  }
0xc: {  	[smem:$0x3FA4] =	sst s4  }
0xd: {  	[smem:$0x3FA5] =	sst s5  }
0xe: {  	[smem:$0x3FA6] =	sst s6  }
0xf: {  	[smem:$0x3FA7] =	sst s7  }
0x10: {  	[smem:$0x3FA8] =	sst s8  }
0x11: {  	[smem:$0x3FA9] =	sst s9;
	s0 =	simm.s32 @!p0 $0x0  }
0x12: {  	s1 =	sld [smem:$0x3F8F];
	s0 =	simm.s32 @p0 $0x1  }
0x13: {  	[smem:$0x3FAA] =	sst s0;
	s0 =	simm.s32 @!p1 $0x0  }
0x14: {  	s2 =	sld [smem:$0x3F8E];
	s0 =	simm.s32 @p1 $0x1  }
0x15: {  	[smem:$0x3FAB] =	sst s0;
	s0 =	simm.s32 @!p2 $0x0  }
0x16: {  	s3 =	sld [smem:$0x3FDB];
	s0 =	simm.s32 @p2 $0x1  }
0x17: {  	s4 =	simm.s32 $0x1BF5;
	[smem:$0x3FAD] =	sst s0  }
0x18: {  	s0 =	sld [smem:$0x3F90];
	_ =	swait.ge [sflag:s4], $0x0  }
0x19: {  	s7 =	sld [smem:$0x3F91]  }
0x1a: {  	s8 =	sadd.s32 $0xFFFFE003, lr  }
0x1b: {  	s9 =	sadd.s32 $0xFFFFFEF7, lr;
	s5 =	simm.s32 $0xFFFFFFFF;
	p2 =	slt.u32 s8, $0xFFFFF086  }
0x1c: {  	p1 =	slt.u32 s9, $0xF7A;
	s5 =	simm.s32 @!p2 $0x0  }
0x1d: {  	s5 =	simm.s32 @p1 $0x1;
	p0 =	seq.s32 s7, s2  }
0x1e: {  	s7 =	smul.u32 @!p0 $0xF7A, s2;
	p2 =	seq.s32 @!p0 s5, $0x0  }
0x1f: {  	s9 =	smul.u32 $0xF7A, s1;
	s8 =	simm.s32 @!p0 $0x1BF5;
	p2 =	por !p2, p0  }
0x20: {  	[sflag:s8] =	ssyncset.s32 @!p0 $0xFFFFF086;
	s6 =	sadd.s32 @!p0 s3, s7;
	s7 =	simm.s32 @!p0 $0x108  }
0x21: {  	s3 =	sadd.s32 s3, s9;
	s6 =	sadd.s32 @!p0 $0x88, s6;
	s7 =	simm.s32 @p2 $0x1082  }
0x22: {  	[simem:s7], [sflag:s8] =	dma.local @!p0 [hbm:s6], $0xF7A  }
0x23: {  	s9 =	sor.u32 $0xD0000000, s2;
	s6 =	simm.s32 $0x108;
	_ =	swait.ge @!p0 [sflag:s8], $0x0  }
0x24: {  	s3 =	sadd.s32 $0x88, s3;
	s6 =	simm.s32 @!p1 $0x1082;
	[sflag:s4] =	ssyncset.s32 $0xFFFFF086  }
0x25: {  	[simem:s6], [sflag:s4] =	dma.local [hbm:s3], $0xF7A  }
0x26: {  	[smem:$0x3F91] =	sst s1;
	(tag) =	ssettag s2;
	_ =	strace s9  }
0x27: {  	s1 =	sld [smem:$0x3FA1]  }
0x28: {  	s2 =	sld [smem:$0x3FA2]  }
0x29: {  	s4 =	sld [smem:$0x3FA4]  }
0x2a: {  	p0 =	seq.s32 s5, $0x0;
	s5 =	sld [smem:$0x3FA5]  }
0x2b: {  	s6 =	sld [smem:$0x3FA6]  }
0x2c: {  	s7 =	sld [smem:$0x3FA7]  }
0x2d: {  	s3 =	simm.s32 $0x108;
	s8 =	sld [smem:$0x3FA8]  }
0x2e: {  	s3 =	simm.s32 @!p0 $0x1082;
	s9 =	sld [smem:$0x3FA9]  }
0x2f: {  	lr =	sadd.s32 s0, s3;
	s0 =	sld [smem:$0x3FA0]  }
0x30: {  	s3 =	sld [smem:$0x3FA3]  }
0x31: {  	[smem:$0x3FAC] =	sst s10  }
0x32: {  	s10 =	sld [smem:$0x3FAA];
	_ =	sdelay $0x3  }
0x33: {  	p0 =	seq.s32 s10, $0x1;
	s10 =	sld [smem:$0x3FAC];
	_ =	sdelay $0x3  }
0x34: {  	[smem:$0x3FAC] =	sst s10  }
0x35: {  	s10 =	sld [smem:$0x3FAB];
	_ =	sdelay $0x3  }
0x36: {  	p1 =	seq.s32 s10, $0x1;
	s10 =	sld [smem:$0x3FAC];
	_ =	sdelay $0x3  }
0x37: {  	[smem:$0x3FAC] =	sst s10  }
0x38: {  	s10 =	sld [smem:$0x3FAD]  }
0x39: {  	_ = 	snop;
	(pc) =	sbr.ind lr, $3  }
0x3a: {  	_ = 	snop  }
0x3b: {  	_ = 	snop  }
0x3c: {  	p2 =	seq.s32 s10, $0x1;
	s10 =	sld [smem:$0x3FAC]  }
0x3d: {  	_ =	shalt  }
0x3e: {  	_ =	shalt  }
0x3f: {  	_ =	shalt  }
0x40: {  	_ =	shalt  }
0x41: {  	_ =	shalt  }
0x42: {  	_ =	shalt  }
0x43: {  	_ =	shalt  }
0x44: {  	_ =	shalt  }
0x45: {  	_ =	shalt  }
0x46: {  	_ =	shalt  }
0x47: {  	_ =	shalt  }
0x48: {  	_ =	shalt  }
0x49: {  	_ =	shalt  }
0x4a: {  	_ =	shalt  }
0x4b: {  	_ =	shalt  }
0x4c: {  	_ =	shalt  }
0x4d: {  	_ =	shalt  }
0x4e: {  	_ =	shalt  }
0x4f: {  	_ =	shalt  }
0x50: {  	_ =	shalt  }
0x51: {  	_ =	shalt  }
0x52: {  	_ =	shalt  }
0x53: {  	_ =	shalt  }
0x54: {  	_ =	shalt  }
0x55: {  	_ =	shalt  }
0x56: {  	_ =	shalt  }
0x57: {  	_ =	shalt  }
0x58: {  	_ =	shalt  }
0x59: {  	_ =	shalt  }
0x5a: {  	_ =	shalt  }
0x5b: {  	_ =	shalt  }
0x5c: {  	_ =	shalt  }
0x5d: {  	_ =	shalt  }
0x5e: {  	_ =	shalt  }
0x5f: {  	_ =	shalt  }
0x60: {  	_ =	shalt  }
0x61: {  	_ =	shalt  }
0x62: {  	_ =	shalt  }
0x63: {  	_ =	shalt  }
0x64: {  	_ =	shalt  }
0x65: {  	_ =	shalt  }
0x66: {  	_ =	shalt  }
0x67: {  	_ =	shalt  }
0x68: {  	_ =	shalt  }
0x69: {  	_ =	shalt  }
0x6a: {  	_ =	shalt  }
0x6b: {  	_ =	shalt  }
0x6c: {  	_ =	shalt  }
0x6d: {  	_ =	shalt  }
0x6e: {  	_ =	shalt  }
0x6f: {  	_ =	shalt  }
0x70: {  	_ =	shalt  }
0x71: {  	_ =	shalt  }
0x72: {  	_ =	shalt  }
0x73: {  	_ =	shalt  }
0x74: {  	_ =	shalt  }
0x75: {  	_ =	shalt  }
0x76: {  	_ =	shalt  }
0x77: {  	_ =	shalt  }
0x78: {  	_ =	shalt  }
0x79: {  	_ =	shalt  }
0x7a: {  	_ =	shalt  }
0x7b: {  	_ =	shalt  }
0x7c: {  	_ =	shalt  }
0x7d: {  	_ =	shalt  }
0x7e: {  	_ =	shalt  }
0x7f: {  	_ =	shalt  }
0x80: {  	_ =	shalt  }
0x81: {  	_ =	shalt  }
0x82: {  	_ =	shalt  }
0x83: {  	_ =	shalt  }
0x84: {  	_ =	shalt  }
0x85: {  	_ =	shalt  }
0x86: {  	_ =	shalt  }
0x87: {  	_ =	shalt  }
.Lfunc_end0:
.L_simem_size_0:
called_computation.3_lowered:
.L_overlay_start_0:
0x88: {  	s2 =	sld [smem:$0x3FD9]  }
0x89: {  	s3 =	sld [smem:$0x3FFE];
	_ =	sdelay $0x1  }
0x8a: {  	s1 =	srdreg.scid  }
0x8b: {  	s0 =	sand.u32 $0x1, s1  }
0x8c: {  	s16 =	sshll.u32 s0, $0xA;
	s2 =	sadd.s32 s3, s2  }
0x8d: {  	s2 =	sadd.s32 s2, s16  }
0x8e: {  	[smem:$0x3FB8] =	sst s2  }
0x8f: {  	_ = 	snop  }
0x90: {  	(tm) =	ssettm $0x1  }
0x91: {  	s17 =	sld [smem:$0x3FFB];
	_ =	sdelay $0x3  }
0x92: {  	_ =	strace s17  }
0x93: {  	s2 =	sld [smem:$0x3FFC];
	_ =	sdelay $0x3  }
0x94: {  	_ =	strace s2  }
0x95: {  	s2 =	sld [smem:$0x3FFD];
	_ =	sdelay $0x3  }
0x96: {  	_ =	strace s2  }
0x97: {  	_ =	strace $0x8FFFFFFF  }
0x98: {  	s18 =	sld [smem:$0x3FDB];
	_ =	sdelay $0x1  }
0x99: {  	s19 =	simm.s32 $_scs_section_size  }
0x9a: {  	s4 =	simm.s32 $_size__tile_overlayer_lowered;
	s5 =	simm.s32 $_tile_overlayer_lowered  }
0x9b: {  	s22 =	simm.s32 $0x1BFF;
	s21 =	sshll.u32 s5, $0x1;
	s2 =	sadd.s32 s19, s18  }
0x9c: {  	s6 =	simm.s32 $0x0;
	s20 =	sshll.u32 s4, $0x1;
	s4 =	sadd.s32 s21, s2  }
0x9d: {  	[timem:s6], [sflag:s22] =	dma.local [hbm:s4], s20  }
0x9e: {  	_ =	swait.ge [sflag:s22], s20  }
0x9f: {  	s3 =	ssub.s32 $0x0, s20;
	[sflag:s22] =	ssyncset.done $0x0  }
0xa0: {  	[sflag:s22] =	ssyncadd.s32 s3;
	_ =	sdelay $0x1  }
0xa1: {  	s23 =	simm.s32 $0x1B8B  }
0xa2: {  	_ =	swait.ge [sflag:s23], $0x1  }
0xa3: {  	[sflag:s23] =	ssyncset.done $0x0  }
0xa4: {  	s25 =	simm.s32 $0x1B8E;
	s24 =	sld [smem:$0x3FFE];
	[sflag:s23] =	ssyncadd.s32 $0xFFFFFFFF  }
0xa5: {  	s26 =	simm.s32 $execute0_lowered;
	[smem:$0x3FD2] =	sst s25  }
0xa6: {  	s4 =	sshll.u32 s26, $0x1;
	_ =	strace $0x8000004C;
	[dreg:$0x1] =	wrdreg $0xFFFFFFFF  }
0xa7: {  	s28 =	simm.s32 $_size_execute0_lowered;
	s2 =	sadd.s32 s2, s4;
	[dreg:$0x0] =	wrdreg $0x0  }
0xa8: {  	s4 =	sshll.u32 s28, $0x1;
	[dreg:$0x2] =	wrdreg s2  }
0xa9: {  	[dreg:$0x3] =	wrdreg s4  }
0xaa: {  	[dreg:$0x4] =	wrdreg $0xC0  }
0xab: {  	_ =	task [dreg:s6], $0x5FFFF  }
0xac: {  	[dreg:$0x1] =	wrdreg $0xFFFFFFFF  }
0xad: {  	[dreg:$0x0] =	wrdreg $0x60  }
0xae: {  	[dreg:$0x2] =	wrdreg s24  }
0xaf: {  	[dreg:$0x3] =	wrdreg $0xA9000  }
0xb0: {  	[dreg:$0x4] =	wrdreg $0xA  }
0xb1: {  	_ =	task.clear_ibuf [dreg:s6], $0x5FFFF;
	_ =	strace $0x9000004C  }
0xb2: {  	s29 =	simm.s32 $0xA;
	_ =	strace $0x8000004E  }
0xb3: {  	_ =	swait.ge [sflag:s29], $0x1  }
0xb4: {  	[sflag:s29] =	ssyncadd.s32 $0xFFFFFFFF  }
0xb5: {  	_ =	strace $0x9000004E  }
0xb6: {  	_ =	sfence  }
0xb7: {  	s30 =	sld [smem:$0x0];
	_ =	sdelay $0x2  }
0xb8: {  	s31 =	sshll.u32 s1, $0xD;
	s1 =	sshrl.u32 s1, $0x2  }
0xb9: {  	s3 =	sand.u32 $0x4000, s31;
	s1 =	sadd.s32 s1, s30  }
0xba: {  	s0 =	sor.u32 s3, s0;
	s1 =	sshll.u32 s1, $0x11  }
0xbb: {  	s0 =	sor.u32 s1, s0  }
0xbc: {  	s0 =	sadd.s32 $0x8F2B, s0  }
0xbd: {  	[sflag:s0] =	ssyncadd.remote.s32 $0x1  }
0xbe: {  	_ =	sfence.sel $0xFFFF  }
0xbf: {  	[dreg:$0x0] =	wrdreg $0xFFFFFFFF;
	(pc) =	sbr.abs _section_cstart, $3  }
0xc0: {  	[dreg:$0x1] =	wrdreg $0xFFFFFFFF  }
0xc1: {  	_ =	task.clear_ibuf [dreg:s6], $0x2FFFF;
	_ =	strace $0x9FFFFFFF  }
0xc2: {  	(tm) =	ssettm $0x7FFFFFFF  }
0xc3: {  	_ =	shalt  }
tec
execute0_lowered:
.L_overlay_start_1:
0x0: {  	(tag) =	ssettag $0x1  }
0x1: {  	s1 =	srdreg.scid  }
0x2: {  	s0 =	stileid.u32;
	s6 =	rddreg [dreg:$0x0];
	s3 =	simm.s32 $0x0  }
0x3: {  	s19 =	simm.s32 $0x3;
	s20 =	simm.s32 $0x2800;
	s9 =	smul.u32 $0x14000, s0  }
0x4: {  	s21 =	simm.s32 $0x80;
	s22 =	simm.s32 $0x2880;
	s11 =	smul.u32 $0x50000, s0  }
0x5: {  	s23 =	simm.s32 $0x6900;
	s24 =	simm.s32 $0x1;
	s26 =	smul.u32 $0xA00, s0  }
0x6: {  	s29 =	simm.s32 $0x0;
	s1 =	sand.u32 $0x1, s1;
	s16 =	smul.u32 $0xA0, s0  }
0x7: {  	s2 =	sshll.u32 s0, $0x1;
	[smem:$0x7FF] =	sst s3;
	s5 =	smul.u32 $0x140000, s1  }
0x8: {  	s4 =	sadd.s32 $0x2BC00, s6;
	s17 =	sadd.s32 $0x21C00, s6;
	s28 =	smul.u32 $0x50, s1  }
0x9: {  	s7 =	sor.u32 s1, s2;
	s12 =	ssub.s32 $0x2, s1;
	s1 =	smul.u32 $0x500, s1  }
0xa: {  	s2 =	rddreg [dreg:$0x1];
	_ =	strace $0x8000004D;
	s8 =	smul.u32 $0x500, s7  }
0xb: {  	s13 =	sshrl.u32 s12, $0x1;
	s11 =	sshrl.u32 s11, $0x2;
	s14 =	smul.u32 $0x2800, s7  }
0xc: {  	s18 =	sadd.s32 s26, s17;
	s9 =	sadd.s32 s9, s5;
	s5 =	sadd.s32 $0x3C00, s6  }
0xd: {  	s12 =	ssub.s32 s12, s13;
	s1 =	sadd.s32 s1, s18;
	s18 =	simm.s32 $0x2900  }
0xe: {  	s10 =	sadd.s32 s8, s6;
	s9 =	sshrl.u32 s9, $0x3;
	s25 =	sshrl.u32 s14, $0x3  }
0xf: {  	s8 =	sadd.s32 s17, s8;
	s15 =	sadd.s32 s9, s6;
	s6 =	sadd.s32 s11, s2  }
0x10: {  	s7 =	sadd.s32 $0x17C00, s10;
	s9 =	sadd.s32 s17, s25;
	s11 =	smax.u32 s12, $0x1  }
0x11: {  	s25 =	simm.s32 $0x2;
	s10 =	sadd.s32 $0x52E00, s15;
	s15 =	sadd.s32 s28, s16  }
0x12: {  	s9 =	sadd.s32 $0x4F0, s9;
	s12 =	sadd.s32 $0x4000, s6;
	s30 =	sshll.u32 s15, $0x4  }
0x13: {  	s13 =	sadd.s32 $0x8000, s6;
	s14 =	sadd.s32 $0xC000, s6;
	s31 =	sadd.s32 s30, s17  }
0x14: {  	s16 =	sadd.s32 $0x20, s1;
	s15 =	sadd.s32 $0x10000, s6;
	s17 =	sadd.s32 $0x10, s31  }
.LBB2_1:
0x15: {  	[tilespmem:s18], [sflag:$0x3] =	stream.linear.gather [hbm4b:s5+s3], $0x4000, $0x38;
	[tilespmem:$0x1E900] =	vst v63  }
0x16: {  	_ =	swait.ge [sflag:s19], $0x4000  }
0x17: {  	[sflag:s19] =	ssyncset.done $0x0  }
0x18: {  	[sflag:s19] =	ssyncadd.s32 $0xFFFFC000  }
0x19: {  	[spmem:s6] =	stream.linear.scatter [tilespmem:s18], [sflag:$0x3], $0x4000, $0x38;
	[tilespmem:$0x1E900] =	vst v63  }
0x1a: {  	_ =	swait.ge [sflag:s19], $0x4000  }
0x1b: {  	[sflag:s19] =	ssyncset.done $0x0  }
0x1c: {  	[sflag:s19] =	ssyncadd.s32 $0xFFFFC000  }
0x1d: {  	[spmem:s12] =	stream.linear.scatter [tilespmem:s18], [sflag:$0x3], $0x4000, $0x38;
	[tilespmem:$0x1E900] =	vst v63  }
0x1e: {  	_ =	swait.ge [sflag:s19], $0x4000  }
0x1f: {  	[sflag:s19] =	ssyncset.done $0x0  }
0x20: {  	[sflag:s19] =	ssyncadd.s32 $0xFFFFC000  }
0x21: {  	[spmem:s13] =	stream.linear.scatter [tilespmem:s18], [sflag:$0x3], $0x4000, $0x38;
	[tilespmem:$0x1E900] =	vst v63  }
0x22: {  	_ =	swait.ge [sflag:s19], $0x4000  }
0x23: {  	[sflag:s19] =	ssyncset.done $0x0  }
0x24: {  	[sflag:s19] =	ssyncadd.s32 $0xFFFFC000  }
0x25: {  	[spmem:s14] =	stream.linear.scatter [tilespmem:s18], [sflag:$0x3], $0x4000, $0x38;
	[tilespmem:$0x1E900] =	vst v63  }
0x26: {  	_ =	swait.ge [sflag:s19], $0x4000  }
0x27: {  	[sflag:s19] =	ssyncset.done $0x0  }
0x28: {  	[sflag:s19] =	ssyncadd.s32 $0xFFFFC000  }
0x29: {  	[spmem:s15] =	stream.linear.scatter [tilespmem:s18], [sflag:$0x3], $0x4000, $0x38;
	[tilespmem:$0x1E900] =	vst v63  }
0x2a: {  	_ =	swait.ge [sflag:s19], $0x4000  }
0x2b: {  	[sflag:s19] =	ssyncset.done $0x0  }
0x2c: {  	[sflag:s19] =	ssyncadd.s32 $0xFFFFC000  }
0x2d: {  	[tilespmem:s3], [sflag:$0x3] =	stream.linear.gather [hbm4b:s7+s3], $0x2800, $0x38;
	[tilespmem:$0x1E900] =	vst v63  }
0x2e: {  	_ =	swait.ge [sflag:s19], $0x2800  }
0x2f: {  	[sflag:s19] =	ssyncset.done $0x0  }
0x30: {  	[sflag:s19] =	ssyncadd.s32 $0xFFFFD800  }
0x31: {  	[bflag:$0x0] =	sbarrier.arrive $0xFFFF  }
0x32: {  	[tilespmem:s20], [sflag:$0x3] =	stream.linear.gather [hbm4b:s8+s3], $0x80, $0x38;
	[tilespmem:$0x1E900] =	vst v63  }
0x33: {  	_ =	swait.ge [sflag:s19], $0x80  }
0x34: {  	[sflag:s19] =	ssyncset.done $0x0  }
0x35: {  	[sflag:s19] =	ssyncadd.s32 $0xFFFFFF80  }
0x36: {  	[tilespmem:s18], [sflag:$0x1] =	stream.indirect.gather [hbm4b:s4+s21], $0x80, s20, s21, $0xb8;
	[tilespmem:$0x1E900] =	vst v63  }
0x37: {  	s1 =	sadd.s32 $0x0, s17  }
0x38: {  	[tilespmem:s22], [sflag:$0x3] =	stream.linear.gather [hbm4b:s1+s3], $0x80, $0x38;
	[tilespmem:$0x1E900] =	vst v63  }
0x39: {  	_ =	swait.ge [sflag:s19], $0x80  }
0x3a: {  	[sflag:s19] =	ssyncset.done $0x0  }
0x3b: {  	[sflag:s19] =	ssyncadd.s32 $0xFFFFFF80  }
0x3c: {  	[tilespmem:s23], [sflag:$0x2] =	stream.indirect.gather [hbm4b:s4+s21], $0x80, s22, s21, $0xb8;
	[tilespmem:$0x1E900] =	vst v63  }
0x3d: {  	_ =	swait.ge [sflag:s24], $0x4000  }
0x3e: {  	[sflag:s24] =	ssyncset.done $0x0  }
0x3f: {  	[sflag:s24] =	ssyncadd.s32 $0xFFFFC000  }
0x40: {  	[spmem:s2] =	stream.indirect.scatter.add.f32 [tilespmem:s18], [sflag:$0x3], $0x80, s3, s21, $0xb8;
	[tilespmem:$0x1E900] =	vst v63  }
0x41: {  	_ =	swait.ge [sflag:s19], $0x4000  }
0x42: {  	[sflag:s19] =	ssyncset.done $0x0  }
0x43: {  	s26 =	sadd.s32 $0x0, s16;
	[sflag:s19] =	ssyncadd.s32 $0xFFFFC000  }
0x44: {  	[tilespmem:s20], [sflag:$0x3] =	stream.linear.gather [hbm4b:s26+s3], $0x80, $0x38;
	[tilespmem:$0x1E900] =	vst v63  }
0x45: {  	_ =	swait.ge [sflag:s19], $0x80  }
0x46: {  	[sflag:s19] =	ssyncset.done $0x0  }
0x47: {  	[sflag:s19] =	ssyncadd.s32 $0xFFFFFF80  }
0x48: {  	[tilespmem:s18], [sflag:$0x1] =	stream.indirect.gather [hbm4b:s4+s21], $0x80, s20, s21, $0xb8;
	[tilespmem:$0x1E900] =	vst v63  }
0x49: {  	_ =	swait.ge [sflag:s25], $0x4000  }
0x4a: {  	[sflag:s25] =	ssyncset.done $0x0  }
0x4b: {  	s28 =	simm.s32 $0x80;
	[sflag:s25] =	ssyncadd.s32 $0xFFFFC000  }
0x4c: {  	[spmem:s2] =	stream.indirect.scatter.add.f32 [tilespmem:s23], [sflag:$0x3], $0x80, s28, s21, $0xb8;
	[tilespmem:$0x1E900] =	vst v63  }
0x4d: {  	s31 =	simm.s32 $0x20;
	_ =	swait.ge [sflag:s19], $0x4000  }
0x4e: {  	s30 =	simm.s32 $0x100;
	s1 =	simm.s32 $0x40;
	[sflag:s19] =	ssyncset.done $0x0  }
.LBB2_2:
0x4f: {  	s0 =	sadd.s32 s31, s17  }
0x50: {  	[sflag:s19] =	ssyncadd.s32 $0xFFFFC000;
	s26 =	smov.u32 s1;
	s28 =	sadd.s32 $0x20, s1  }
0x51: {  	[tilespmem:s22], [sflag:$0x3] =	stream.linear.gather [hbm4b:s0+s3], $0x80, $0x38;
	[tilespmem:$0x1E900] =	vst v63  }
0x52: {  	p0 =	sne.s32 s1, $0x4C0;
	_ =	swait.ge [sflag:s19], $0x80  }
0x53: {  	[sflag:s19] =	ssyncset.done $0x0  }
0x54: {  	[sflag:s19] =	ssyncadd.s32 $0xFFFFFF80  }
0x55: {  	[tilespmem:s23], [sflag:$0x2] =	stream.indirect.gather [hbm4b:s4+s21], $0x80, s22, s21, $0xb8;
	[tilespmem:$0x1E900] =	vst v63  }
0x56: {  	_ =	swait.ge [sflag:s24], $0x4000  }
0x57: {  	[sflag:s24] =	ssyncset.done $0x0  }
0x58: {  	[sflag:s24] =	ssyncadd.s32 $0xFFFFC000  }
0x59: {  	[spmem:s2] =	stream.indirect.scatter.add.f32 [tilespmem:s18], [sflag:$0x3], $0x80, s30, s21, $0xb8;
	[tilespmem:$0x1E900] =	vst v63  }
0x5a: {  	_ =	swait.ge [sflag:s19], $0x4000  }
0x5b: {  	[sflag:s19] =	ssyncset.done $0x0  }
0x5c: {  	s0 =	sadd.s32 s31, s16;
	s31 =	smov.u32 s26;
	[sflag:s19] =	ssyncadd.s32 $0xFFFFC000  }
0x5d: {  	[tilespmem:s20], [sflag:$0x3] =	stream.linear.gather [hbm4b:s0+s3], $0x80, $0x38;
	[tilespmem:$0x1E900] =	vst v63  }
0x5e: {  	_ =	swait.ge [sflag:s19], $0x80  }
0x5f: {  	[sflag:s19] =	ssyncset.done $0x0  }
0x60: {  	[sflag:s19] =	ssyncadd.s32 $0xFFFFFF80  }
0x61: {  	[tilespmem:s18], [sflag:$0x1] =	stream.indirect.gather [hbm4b:s4+s21], $0x80, s20, s21, $0xb8;
	[tilespmem:$0x1E900] =	vst v63  }
0x62: {  	_ =	swait.ge [sflag:s25], $0x4000  }
.Ltmp0:
0x63: {  	[sflag:s25] =	ssyncset.done $0x0;
	(pc) =	sbr.rel @p0 .LBB2_2-.Ltmp0, $4  }
0x64: {  	s0 =	sadd.s32 $0x80, s30;
	[sflag:s25] =	ssyncadd.s32 $0xFFFFC000  }
0x65: {  	[spmem:s2] =	stream.indirect.scatter.add.f32 [tilespmem:s23], [sflag:$0x3], $0x80, s0, s21, $0xb8;
	[tilespmem:$0x1E900] =	vst v63  }
0x66: {  	_ =	swait.ge [sflag:s19], $0x4000  }
0x67: {  	s1 =	smov.u32 s28;
	s30 =	sadd.s32 $0x100, s30;
	[sflag:s19] =	ssyncset.done $0x0  }
0x68: {  	s0 =	sadd.s32 s31, s17;
	[sflag:s19] =	ssyncadd.s32 $0xFFFFC000  }
0x69: {  	[tilespmem:s22], [sflag:$0x3] =	stream.linear.gather [hbm4b:s0+s3], $0x80, $0x38;
	[tilespmem:$0x1E900] =	vst v63  }
0x6a: {  	_ =	swait.ge [sflag:s19], $0x80  }
0x6b: {  	[sflag:s19] =	ssyncset.done $0x0  }
0x6c: {  	[sflag:s19] =	ssyncadd.s32 $0xFFFFFF80  }
0x6d: {  	[tilespmem:s23], [sflag:$0x2] =	stream.indirect.gather [hbm4b:s4+s21], $0x80, s22, s21, $0xb8;
	[tilespmem:$0x1E900] =	vst v63  }
0x6e: {  	_ =	swait.ge [sflag:s24], $0x4000  }
0x6f: {  	[sflag:s24] =	ssyncset.done $0x0  }
0x70: {  	[sflag:s24] =	ssyncadd.s32 $0xFFFFC000  }
0x71: {  	[spmem:s2] =	stream.indirect.scatter.add.f32 [tilespmem:s18], [sflag:$0x3], $0x80, s30, s21, $0xb8;
	[tilespmem:$0x1E900] =	vst v63  }
0x72: {  	_ =	swait.ge [sflag:s19], $0x4000  }
0x73: {  	[sflag:s19] =	ssyncset.done $0x0  }
0x74: {  	s1 =	sadd.s32 s31, s16;
	[sflag:s19] =	ssyncadd.s32 $0xFFFFC000  }
0x75: {  	[tilespmem:s20], [sflag:$0x3] =	stream.linear.gather [hbm4b:s1+s3], $0x80, $0x38;
	[tilespmem:$0x1E900] =	vst v63  }
0x76: {  	_ =	swait.ge [sflag:s19], $0x80  }
0x77: {  	[sflag:s19] =	ssyncset.done $0x0  }
0x78: {  	[sflag:s19] =	ssyncadd.s32 $0xFFFFFF80  }
0x79: {  	[tilespmem:s18], [sflag:$0x1] =	stream.indirect.gather [hbm4b:s4+s21], $0x80, s20, s21, $0xb8;
	[tilespmem:$0x1E900] =	vst v63  }
0x7a: {  	_ =	swait.ge [sflag:s25], $0x4000  }
0x7b: {  	[sflag:s25] =	ssyncset.done $0x0  }
0x7c: {  	s26 =	sadd.s32 $0x80, s30;
	[sflag:s25] =	ssyncadd.s32 $0xFFFFC000  }
0x7d: {  	[spmem:s2] =	stream.indirect.scatter.add.f32 [tilespmem:s23], [sflag:$0x3], $0x80, s26, s21, $0xb8;
	[tilespmem:$0x1E900] =	vst v63  }
0x7e: {  	_ =	swait.ge [sflag:s19], $0x4000  }
0x7f: {  	[sflag:s19] =	ssyncset.done $0x0  }
0x80: {  	[sflag:s19] =	ssyncadd.s32 $0xFFFFC000  }
0x81: {  	[tilespmem:s22], [sflag:$0x3] =	stream.linear.gather [hbm4b:s9+s3], $0x80, $0x38;
	[tilespmem:$0x1E900] =	vst v63  }
0x82: {  	_ =	swait.ge [sflag:s19], $0x80  }
0x83: {  	[sflag:s19] =	ssyncset.done $0x0  }
0x84: {  	[sflag:s19] =	ssyncadd.s32 $0xFFFFFF80  }
0x85: {  	[tilespmem:s23], [sflag:$0x2] =	stream.indirect.gather [hbm4b:s4+s21], $0x80, s22, s21, $0xb8;
	[tilespmem:$0x1E900] =	vst v63  }
0x86: {  	_ =	swait.ge [sflag:s24], $0x4000  }
0x87: {  	[sflag:s24] =	ssyncset.done $0x0  }
0x88: {  	s28 =	simm.s32 $0x2700;
	[sflag:s24] =	ssyncadd.s32 $0xFFFFC000  }
0x89: {  	[spmem:s2] =	stream.indirect.scatter.add.f32 [tilespmem:s18], [sflag:$0x3], $0x80, s28, s21, $0xb8;
	[tilespmem:$0x1E900] =	vst v63  }
0x8a: {  	_ =	swait.ge [sflag:s19], $0x4000  }
0x8b: {  	[sflag:s19] =	ssyncset.done $0x0  }
0x8c: {  	[sflag:s19] =	ssyncadd.s32 $0xFFFFC000  }
0x8d: {  	_ =	swait.ge [sflag:s25], $0x4000  }
0x8e: {  	[sflag:s25] =	ssyncset.done $0x0  }
0x8f: {  	s30 =	simm.s32 $0x2780;
	[sflag:s25] =	ssyncadd.s32 $0xFFFFC000  }
0x90: {  	[spmem:s2] =	stream.indirect.scatter.add.f32 [tilespmem:s23], [sflag:$0x3], $0x80, s30, s21, $0xb8;
	[tilespmem:$0x1E900] =	vst v63  }
0x91: {  	s31 =	stileid.u32;
	_ =	swait.ge [sflag:s19], $0x4000  }
0x92: {  	s29 =	sadd.s32 $0x1, s29;
	s0 =	sshll.u32 s31, $0x6;
	[sflag:s19] =	ssyncset.done $0x0  }
0x93: {  	p0 =	sne.s32 s29, s11;
	s0 =	sor.u32 $0x1C03, s0;
	[sflag:s19] =	ssyncadd.s32 $0xFFFFC000  }
.Ltmp1:
0x94: {  	s1 =	sshrl.u32 s6, $0x3;
	[bflag:$0x0] =	sbarrier.arrive $0xFFFF;
	(pc) =	sbr.rel @p0 .LBB2_1-.Ltmp1, $4  }
0x95: {  	[hbm:s10], [sflag:s0] =	dma.local [spmem:s1], $0x2800  }
0x96: {  	_ =	swait.ge [sflag:s19], $0x2800  }
0x97: {  	[sflag:s19] =	ssyncset.done $0x0  }
0x98: {  	[sflag:s19] =	ssyncadd.s32 $0xFFFFD800  }
0x99: {  	_ =	sfence.sel $0x180000  }
0x9a: {  	[bflag:$0x0] =	sbarrier.arrive $0xFFFF  }
0x9b: {  	_ =	strace $0x9000004D  }
0x9c: {  	s0 =	stileid.u32;
	[bflag:$0x2] =	sbarrier.arrive $0xFFFF  }
0x9d: {  	p0 =	sne.s32 s0, $0x0;
	s0 =	rddreg [dreg:$0x2]  }
0x9e: {  	s0 =	sadd.s32 @!p0 $0x100000, s0  }
0x9f: {  	[sflag:s0] =	ssyncadd.tile.s32 @!p0 $0x1;
	_ =	shalt  }
.Lfunc_end2:
_tile_overlayer_lowered:
.L_overlay_start_2:
0xa0: {  	(tag) =	ssettag $0x2  }
0xa1: {  	s0 =	rddreg [dreg:$0x0];
	s2 =	stileid.u32  }
0xa2: {  	s1 =	rddreg [dreg:$0x1];
	p0 =	sne.s32 s2, $0x0  }
0xa3: {  	s3 =	rddreg [dreg:$0x2];
	[bflag:$0x3] =	sbarrier.arrive $0xFFFF;
	s2 =	simm.s32 @!p0 $0x1C03  }
0xa4: {  	[timem:s3], [sflag:s2] =	dma.local @!p0 [hbm:s0], s1  }
0xa5: {  	s0 =	simm.s32 @!p0 $0x3  }
0xa6: {  	_ =	swait.ge @!p0 [sflag:s0], s1  }
0xa7: {  	s1 =	ssub.s32 @!p0 $0x0, s1;
	[sflag:s0] =	ssyncset.done @!p0 $0x0  }
0xa8: {  	[sflag:s0] =	ssyncadd.s32 @!p0 s1  }
0xa9: {  	[bflag:$0x3] =	sbarrier.arrive $0xFFFF  }
0xaa: {  	_ =	shalt  }

// kernel: kernel.15.cloned.1.call-start
scs
__scs_entry_jumppad:
0x0: {  	(pc) =	sbr.rel $0x88, $3  }
0x1: {  	(tag) =	ssettag $0x0;
	lr =	simm.s32 $0x1  }
0x2: {  	[smem:$0x3F91] =	sst lr;
	_ =	strace $0xD0000000  }
0x3: {  	_ = 	snop  }
0x4: {  	_ = 	snop  }
0x5: {  	_ = 	snop  }
0x6: {  	_ = 	snop  }
0x7: {  	_ = 	snop  }
__scs_overlays_trampoline_lowered:
0x8: {  	[smem:$0x3FA0] =	sst s0  }
0x9: {  	[smem:$0x3FA1] =	sst s1  }
0xa: {  	[smem:$0x3FA2] =	sst s2  }
0xb: {  	[smem:$0x3FA3] =	sst s3  }
0xc: {  	[smem:$0x3FA4] =	sst s4  }
0xd: {  	[smem:$0x3FA5] =	sst s5  }
0xe: {  	[smem:$0x3FA6] =	sst s6  }
0xf: {  	[smem:$0x3FA7] =	sst s7  }
0x10: {  	[smem:$0x3FA8] =	sst s8  }
0x11: {  	[smem:$0x3FA9] =	sst s9;
	s0 =	simm.s32 @!p0 $0x0  }
0x12: {  	s1 =	sld [smem:$0x3F8F];
	s0 =	simm.s32 @p0 $0x1  }
0x13: {  	[smem:$0x3FAA] =	sst s0;
	s0 =	simm.s32 @!p1 $0x0  }
0x14: {  	s2 =	sld [smem:$0x3F8E];
	s0 =	simm.s32 @p1 $0x1  }
0x15: {  	[smem:$0x3FAB] =	sst s0;
	s0 =	simm.s32 @!p2 $0x0  }
0x16: {  	s3 =	sld [smem:$0x3FDB];
	s0 =	simm.s32 @p2 $0x1  }
0x17: {  	s4 =	simm.s32 $0x1BF5;
	[smem:$0x3FAD] =	sst s0  }
0x18: {  	s0 =	sld [smem:$0x3F90];
	_ =	swait.ge [sflag:s4], $0x0  }
0x19: {  	s7 =	sld [smem:$0x3F91]  }
0x1a: {  	s8 =	sadd.s32 $0xFFFFE003, lr  }
0x1b: {  	s9 =	sadd.s32 $0xFFFFFEF7, lr;
	s5 =	simm.s32 $0xFFFFFFFF;
	p2 =	slt.u32 s8, $0xFFFFF086  }
0x1c: {  	p1 =	slt.u32 s9, $0xF7A;
	s5 =	simm.s32 @!p2 $0x0  }
0x1d: {  	s5 =	simm.s32 @p1 $0x1;
	p0 =	seq.s32 s7, s2  }
0x1e: {  	s7 =	smul.u32 @!p0 $0xF7A, s2;
	p2 =	seq.s32 @!p0 s5, $0x0  }
0x1f: {  	s9 =	smul.u32 $0xF7A, s1;
	s8 =	simm.s32 @!p0 $0x1BF5;
	p2 =	por !p2, p0  }
0x20: {  	[sflag:s8] =	ssyncset.s32 @!p0 $0xFFFFF086;
	s6 =	sadd.s32 @!p0 s3, s7;
	s7 =	simm.s32 @!p0 $0x108  }
0x21: {  	s3 =	sadd.s32 s3, s9;
	s6 =	sadd.s32 @!p0 $0x88, s6;
	s7 =	simm.s32 @p2 $0x1082  }
0x22: {  	[simem:s7], [sflag:s8] =	dma.local @!p0 [hbm:s6], $0xF7A  }
0x23: {  	s9 =	sor.u32 $0xD0000000, s2;
	s6 =	simm.s32 $0x108;
	_ =	swait.ge @!p0 [sflag:s8], $0x0  }
0x24: {  	s3 =	sadd.s32 $0x88, s3;
	s6 =	simm.s32 @!p1 $0x1082;
	[sflag:s4] =	ssyncset.s32 $0xFFFFF086  }
0x25: {  	[simem:s6], [sflag:s4] =	dma.local [hbm:s3], $0xF7A  }
0x26: {  	[smem:$0x3F91] =	sst s1;
	(tag) =	ssettag s2;
	_ =	strace s9  }
0x27: {  	s1 =	sld [smem:$0x3FA1]  }
0x28: {  	s2 =	sld [smem:$0x3FA2]  }
0x29: {  	s4 =	sld [smem:$0x3FA4]  }
0x2a: {  	p0 =	seq.s32 s5, $0x0;
	s5 =	sld [smem:$0x3FA5]  }
0x2b: {  	s6 =	sld [smem:$0x3FA6]  }
0x2c: {  	s7 =	sld [smem:$0x3FA7]  }
0x2d: {  	s3 =	simm.s32 $0x108;
	s8 =	sld [smem:$0x3FA8]  }
0x2e: {  	s3 =	simm.s32 @!p0 $0x1082;
	s9 =	sld [smem:$0x3FA9]  }
0x2f: {  	lr =	sadd.s32 s0, s3;
	s0 =	sld [smem:$0x3FA0]  }
0x30: {  	s3 =	sld [smem:$0x3FA3]  }
0x31: {  	[smem:$0x3FAC] =	sst s10  }
0x32: {  	s10 =	sld [smem:$0x3FAA];
	_ =	sdelay $0x3  }
0x33: {  	p0 =	seq.s32 s10, $0x1;
	s10 =	sld [smem:$0x3FAC];
	_ =	sdelay $0x3  }
0x34: {  	[smem:$0x3FAC] =	sst s10  }
0x35: {  	s10 =	sld [smem:$0x3FAB];
	_ =	sdelay $0x3  }
0x36: {  	p1 =	seq.s32 s10, $0x1;
	s10 =	sld [smem:$0x3FAC];
	_ =	sdelay $0x3  }
0x37: {  	[smem:$0x3FAC] =	sst s10  }
0x38: {  	s10 =	sld [smem:$0x3FAD]  }
0x39: {  	_ = 	snop;
	(pc) =	sbr.ind lr, $3  }
0x3a: {  	_ = 	snop  }
0x3b: {  	_ = 	snop  }
0x3c: {  	p2 =	seq.s32 s10, $0x1;
	s10 =	sld [smem:$0x3FAC]  }
0x3d: {  	_ =	shalt  }
0x3e: {  	_ =	shalt  }
0x3f: {  	_ =	shalt  }
0x40: {  	_ =	shalt  }
0x41: {  	_ =	shalt  }
0x42: {  	_ =	shalt  }
0x43: {  	_ =	shalt  }
0x44: {  	_ =	shalt  }
0x45: {  	_ =	shalt  }
0x46: {  	_ =	shalt  }
0x47: {  	_ =	shalt  }
0x48: {  	_ =	shalt  }
0x49: {  	_ =	shalt  }
0x4a: {  	_ =	shalt  }
0x4b: {  	_ =	shalt  }
0x4c: {  	_ =	shalt  }
0x4d: {  	_ =	shalt  }
0x4e: {  	_ =	shalt  }
0x4f: {  	_ =	shalt  }
0x50: {  	_ =	shalt  }
0x51: {  	_ =	shalt  }
0x52: {  	_ =	shalt  }
0x53: {  	_ =	shalt  }
0x54: {  	_ =	shalt  }
0x55: {  	_ =	shalt  }
0x56: {  	_ =	shalt  }
0x57: {  	_ =	shalt  }
0x58: {  	_ =	shalt  }
0x59: {  	_ =	shalt  }
0x5a: {  	_ =	shalt  }
0x5b: {  	_ =	shalt  }
0x5c: {  	_ =	shalt  }
0x5d: {  	_ =	shalt  }
0x5e: {  	_ =	shalt  }
0x5f: {  	_ =	shalt  }
0x60: {  	_ =	shalt  }
0x61: {  	_ =	shalt  }
0x62: {  	_ =	shalt  }
0x63: {  	_ =	shalt  }
0x64: {  	_ =	shalt  }
0x65: {  	_ =	shalt  }
0x66: {  	_ =	shalt  }
0x67: {  	_ =	shalt  }
0x68: {  	_ =	shalt  }
0x69: {  	_ =	shalt  }
0x6a: {  	_ =	shalt  }
0x6b: {  	_ =	shalt  }
0x6c: {  	_ =	shalt  }
0x6d: {  	_ =	shalt  }
0x6e: {  	_ =	shalt  }
0x6f: {  	_ =	shalt  }
0x70: {  	_ =	shalt  }
0x71: {  	_ =	shalt  }
0x72: {  	_ =	shalt  }
0x73: {  	_ =	shalt  }
0x74: {  	_ =	shalt  }
0x75: {  	_ =	shalt  }
0x76: {  	_ =	shalt  }
0x77: {  	_ =	shalt  }
0x78: {  	_ =	shalt  }
0x79: {  	_ =	shalt  }
0x7a: {  	_ =	shalt  }
0x7b: {  	_ =	shalt  }
0x7c: {  	_ =	shalt  }
0x7d: {  	_ =	shalt  }
0x7e: {  	_ =	shalt  }
0x7f: {  	_ =	shalt  }
0x80: {  	_ =	shalt  }
0x81: {  	_ =	shalt  }
0x82: {  	_ =	shalt  }
0x83: {  	_ =	shalt  }
0x84: {  	_ =	shalt  }
0x85: {  	_ =	shalt  }
0x86: {  	_ =	shalt  }
0x87: {  	_ =	shalt  }
.Lfunc_end0:
.L_simem_size_0:
called_computation.4_lowered:
.L_overlay_start_0:
0x88: {  	s2 =	sld [smem:$0x3FD9]  }
0x89: {  	s3 =	sld [smem:$0x3FFE];
	_ =	sdelay $0x1  }
0x8a: {  	s1 =	srdreg.scid  }
0x8b: {  	s0 =	sand.u32 $0x1, s1  }
0x8c: {  	s16 =	sshll.u32 s0, $0xA;
	s2 =	sadd.s32 s3, s2  }
0x8d: {  	s2 =	sadd.s32 s2, s16  }
0x8e: {  	[smem:$0x3FB8] =	sst s2  }
0x8f: {  	_ = 	snop  }
0x90: {  	(tm) =	ssettm $0x1  }
0x91: {  	s17 =	sld [smem:$0x3FFB];
	_ =	sdelay $0x3  }
0x92: {  	_ =	strace s17  }
0x93: {  	s2 =	sld [smem:$0x3FFC];
	_ =	sdelay $0x3  }
0x94: {  	_ =	strace s2  }
0x95: {  	s2 =	sld [smem:$0x3FFD];
	_ =	sdelay $0x3  }
0x96: {  	_ =	strace s2  }
0x97: {  	_ =	strace $0x8FFFFFFF  }
0x98: {  	s18 =	sld [smem:$0x3FDB];
	_ =	sdelay $0x1  }
0x99: {  	s19 =	simm.s32 $_scs_section_size  }
0x9a: {  	s4 =	simm.s32 $_size__tile_overlayer_lowered;
	s5 =	simm.s32 $_tile_overlayer_lowered  }
0x9b: {  	s22 =	simm.s32 $0x1BFF;
	s21 =	sshll.u32 s5, $0x1;
	s2 =	sadd.s32 s19, s18  }
0x9c: {  	s6 =	simm.s32 $0x0;
	s20 =	sshll.u32 s4, $0x1;
	s4 =	sadd.s32 s21, s2  }
0x9d: {  	[timem:s6], [sflag:s22] =	dma.local [hbm:s4], s20  }
0x9e: {  	_ =	swait.ge [sflag:s22], s20  }
0x9f: {  	s3 =	ssub.s32 $0x0, s20;
	[sflag:s22] =	ssyncset.done $0x0  }
0xa0: {  	[sflag:s22] =	ssyncadd.s32 s3;
	_ =	sdelay $0x1  }
0xa1: {  	s23 =	simm.s32 $0x1B8B  }
0xa2: {  	_ =	swait.ge [sflag:s23], $0x1  }
0xa3: {  	[sflag:s23] =	ssyncset.done $0x0  }
0xa4: {  	s25 =	simm.s32 $0x1B8E;
	s24 =	sld [smem:$0x3FFE];
	[sflag:s23] =	ssyncadd.s32 $0xFFFFFFFF  }
0xa5: {  	s26 =	simm.s32 $execute0_lowered;
	[smem:$0x3FD2] =	sst s25  }
0xa6: {  	s4 =	sshll.u32 s26, $0x1;
	_ =	strace $0x80000052;
	[dreg:$0x1] =	wrdreg $0xFFFFFFFF  }
0xa7: {  	s28 =	simm.s32 $_size_execute0_lowered;
	s2 =	sadd.s32 s2, s4;
	[dreg:$0x0] =	wrdreg $0x0  }
0xa8: {  	s4 =	sshll.u32 s28, $0x1;
	[dreg:$0x2] =	wrdreg s2  }
0xa9: {  	[dreg:$0x3] =	wrdreg s4  }
0xaa: {  	[dreg:$0x4] =	wrdreg $0xC0  }
0xab: {  	_ =	task [dreg:s6], $0x5FFFF  }
0xac: {  	[dreg:$0x1] =	wrdreg $0xFFFFFFFF  }
0xad: {  	[dreg:$0x0] =	wrdreg $0x60  }
0xae: {  	[dreg:$0x2] =	wrdreg s24  }
0xaf: {  	[dreg:$0x3] =	wrdreg $0xA9000  }
0xb0: {  	[dreg:$0x4] =	wrdreg $0x9  }
0xb1: {  	_ =	task.clear_ibuf [dreg:s6], $0x5FFFF;
	_ =	strace $0x90000052  }
0xb2: {  	s29 =	simm.s32 $0x9;
	_ =	strace $0x80000054  }
0xb3: {  	_ =	swait.ge [sflag:s29], $0x1  }
0xb4: {  	[sflag:s29] =	ssyncadd.s32 $0xFFFFFFFF  }
0xb5: {  	_ =	strace $0x90000054  }
0xb6: {  	_ =	sfence  }
0xb7: {  	s30 =	sld [smem:$0x0];
	_ =	sdelay $0x2  }
0xb8: {  	s31 =	sshll.u32 s1, $0xD;
	s1 =	sshrl.u32 s1, $0x2  }
0xb9: {  	s3 =	sand.u32 $0x4000, s31;
	s1 =	sadd.s32 s1, s30  }
0xba: {  	s0 =	sor.u32 s3, s0;
	s1 =	sshll.u32 s1, $0x11  }
0xbb: {  	s0 =	sor.u32 s1, s0  }
0xbc: {  	s0 =	sadd.s32 $0x8F2B, s0  }
0xbd: {  	[sflag:s0] =	ssyncadd.remote.s32 $0x1  }
0xbe: {  	_ =	sfence.sel $0xFFFF  }
0xbf: {  	[dreg:$0x0] =	wrdreg $0xFFFFFFFF;
	(pc) =	sbr.abs _section_cstart, $3  }
0xc0: {  	[dreg:$0x1] =	wrdreg $0xFFFFFFFF  }
0xc1: {  	_ =	task.clear_ibuf [dreg:s6], $0x2FFFF;
	_ =	strace $0x9FFFFFFF  }
0xc2: {  	(tm) =	ssettm $0x7FFFFFFF  }
0xc3: {  	_ =	shalt  }
tec
execute0_lowered:
.L_overlay_start_1:
0x0: {  	(tag) =	ssettag $0x1  }
0x1: {  	s1 =	srdreg.scid  }
0x2: {  	s0 =	stileid.u32;
	s6 =	rddreg [dreg:$0x0];
	s3 =	simm.s32 $0x0  }
0x3: {  	s19 =	simm.s32 $0x3;
	s20 =	simm.s32 $0x2800;
	s9 =	smul.u32 $0x14000, s0  }
0x4: {  	s21 =	simm.s32 $0x80;
	s22 =	simm.s32 $0x2880;
	s11 =	smul.u32 $0x50000, s0  }
0x5: {  	s23 =	simm.s32 $0x6900;
	s24 =	simm.s32 $0x1;
	s26 =	smul.u32 $0xA00, s0  }
0x6: {  	s29 =	simm.s32 $0x0;
	s1 =	sand.u32 $0x1, s1;
	s16 =	smul.u32 $0xA0, s0  }
0x7: {  	s2 =	sshll.u32 s0, $0x1;
	[smem:$0x7FF] =	sst s3;
	s5 =	smul.u32 $0x140000, s1  }
0x8: {  	s4 =	sadd.s32 $0x2BC00, s6;
	s17 =	sadd.s32 $0x21C00, s6;
	s28 =	smul.u32 $0x50, s1  }
0x9: {  	s7 =	sor.u32 s1, s2;
	s12 =	ssub.s32 $0x2, s1;
	s1 =	smul.u32 $0x500, s1  }
0xa: {  	s2 =	rddreg [dreg:$0x1];
	_ =	strace $0x80000053;
	s8 =	smul.u32 $0x500, s7  }
0xb: {  	s13 =	sshrl.u32 s12, $0x1;
	s11 =	sshrl.u32 s11, $0x2;
	s14 =	smul.u32 $0x2800, s7  }
0xc: {  	s18 =	sadd.s32 s26, s17;
	s9 =	sadd.s32 s9, s5;
	s5 =	sadd.s32 $0x3C00, s6  }
0xd: {  	s12 =	ssub.s32 s12, s13;
	s1 =	sadd.s32 s1, s18;
	s18 =	simm.s32 $0x2900  }
0xe: {  	s10 =	sadd.s32 s8, s6;
	s9 =	sshrl.u32 s9, $0x3;
	s25 =	sshrl.u32 s14, $0x3  }
0xf: {  	s8 =	sadd.s32 s17, s8;
	s15 =	sadd.s32 s9, s6;
	s6 =	sadd.s32 s11, s2  }
0x10: {  	s7 =	sadd.s32 $0x17C00, s10;
	s9 =	sadd.s32 s17, s25;
	s11 =	smax.u32 s12, $0x1  }
0x11: {  	s25 =	simm.s32 $0x2;
	s10 =	sadd.s32 $0x52E00, s15;
	s15 =	sadd.s32 s28, s16  }
0x12: {  	s9 =	sadd.s32 $0x4F0, s9;
	s12 =	sadd.s32 $0x4000, s6;
	s30 =	sshll.u32 s15, $0x4  }
0x13: {  	s13 =	sadd.s32 $0x8000, s6;
	s14 =	sadd.s32 $0xC000, s6;
	s31 =	sadd.s32 s30, s17  }
0x14: {  	s16 =	sadd.s32 $0x20, s1;
	s15 =	sadd.s32 $0x10000, s6;
	s17 =	sadd.s32 $0x10, s31  }
.LBB2_1:
0x15: {  	[tilespmem:s18], [sflag:$0x3] =	stream.linear.gather [hbm4b:s5+s3], $0x4000, $0x38;
	[tilespmem:$0x1E900] =	vst v63  }
0x16: {  	_ =	swait.ge [sflag:s19], $0x4000  }
0x17: {  	[sflag:s19] =	ssyncset.done $0x0  }
0x18: {  	[sflag:s19] =	ssyncadd.s32 $0xFFFFC000  }
0x19: {  	[spmem:s6] =	stream.linear.scatter [tilespmem:s18], [sflag:$0x3], $0x4000, $0x38;
	[tilespmem:$0x1E900] =	vst v63  }
0x1a: {  	_ =	swait.ge [sflag:s19], $0x4000  }
0x1b: {  	[sflag:s19] =	ssyncset.done $0x0  }
0x1c: {  	[sflag:s19] =	ssyncadd.s32 $0xFFFFC000  }
0x1d: {  	[spmem:s12] =	stream.linear.scatter [tilespmem:s18], [sflag:$0x3], $0x4000, $0x38;
	[tilespmem:$0x1E900] =	vst v63  }
0x1e: {  	_ =	swait.ge [sflag:s19], $0x4000  }
0x1f: {  	[sflag:s19] =	ssyncset.done $0x0  }
0x20: {  	[sflag:s19] =	ssyncadd.s32 $0xFFFFC000  }
0x21: {  	[spmem:s13] =	stream.linear.scatter [tilespmem:s18], [sflag:$0x3], $0x4000, $0x38;
	[tilespmem:$0x1E900] =	vst v63  }
0x22: {  	_ =	swait.ge [sflag:s19], $0x4000  }
0x23: {  	[sflag:s19] =	ssyncset.done $0x0  }
0x24: {  	[sflag:s19] =	ssyncadd.s32 $0xFFFFC000  }
0x25: {  	[spmem:s14] =	stream.linear.scatter [tilespmem:s18], [sflag:$0x3], $0x4000, $0x38;
	[tilespmem:$0x1E900] =	vst v63  }
0x26: {  	_ =	swait.ge [sflag:s19], $0x4000  }
0x27: {  	[sflag:s19] =	ssyncset.done $0x0  }
0x28: {  	[sflag:s19] =	ssyncadd.s32 $0xFFFFC000  }
0x29: {  	[spmem:s15] =	stream.linear.scatter [tilespmem:s18], [sflag:$0x3], $0x4000, $0x38;
	[tilespmem:$0x1E900] =	vst v63  }
0x2a: {  	_ =	swait.ge [sflag:s19], $0x4000  }
0x2b: {  	[sflag:s19] =	ssyncset.done $0x0  }
0x2c: {  	[sflag:s19] =	ssyncadd.s32 $0xFFFFC000  }
0x2d: {  	[tilespmem:s3], [sflag:$0x3] =	stream.linear.gather [hbm4b:s7+s3], $0x2800, $0x38;
	[tilespmem:$0x1E900] =	vst v63  }
0x2e: {  	_ =	swait.ge [sflag:s19], $0x2800  }
0x2f: {  	[sflag:s19] =	ssyncset.done $0x0  }
0x30: {  	[sflag:s19] =	ssyncadd.s32 $0xFFFFD800  }
0x31: {  	[bflag:$0x0] =	sbarrier.arrive $0xFFFF  }
0x32: {  	[tilespmem:s20], [sflag:$0x3] =	stream.linear.gather [hbm4b:s8+s3], $0x80, $0x38;
	[tilespmem:$0x1E900] =	vst v63  }
0x33: {  	_ =	swait.ge [sflag:s19], $0x80  }
0x34: {  	[sflag:s19] =	ssyncset.done $0x0  }
0x35: {  	[sflag:s19] =	ssyncadd.s32 $0xFFFFFF80  }
0x36: {  	[tilespmem:s18], [sflag:$0x1] =	stream.indirect.gather [hbm4b:s4+s21], $0x80, s20, s21, $0xb8;
	[tilespmem:$0x1E900] =	vst v63  }
0x37: {  	s1 =	sadd.s32 $0x0, s17  }
0x38: {  	[tilespmem:s22], [sflag:$0x3] =	stream.linear.gather [hbm4b:s1+s3], $0x80, $0x38;
	[tilespmem:$0x1E900] =	vst v63  }
0x39: {  	_ =	swait.ge [sflag:s19], $0x80  }
0x3a: {  	[sflag:s19] =	ssyncset.done $0x0  }
0x3b: {  	[sflag:s19] =	ssyncadd.s32 $0xFFFFFF80  }
0x3c: {  	[tilespmem:s23], [sflag:$0x2] =	stream.indirect.gather [hbm4b:s4+s21], $0x80, s22, s21, $0xb8;
	[tilespmem:$0x1E900] =	vst v63  }
0x3d: {  	_ =	swait.ge [sflag:s24], $0x4000  }
0x3e: {  	[sflag:s24] =	ssyncset.done $0x0  }
0x3f: {  	[sflag:s24] =	ssyncadd.s32 $0xFFFFC000  }
0x40: {  	[spmem:s2] =	stream.indirect.scatter.add.f32 [tilespmem:s18], [sflag:$0x3], $0x80, s3, s21, $0xb8;
	[tilespmem:$0x1E900] =	vst v63  }
0x41: {  	_ =	swait.ge [sflag:s19], $0x4000  }
0x42: {  	[sflag:s19] =	ssyncset.done $0x0  }
0x43: {  	s26 =	sadd.s32 $0x0, s16;
	[sflag:s19] =	ssyncadd.s32 $0xFFFFC000  }
0x44: {  	[tilespmem:s20], [sflag:$0x3] =	stream.linear.gather [hbm4b:s26+s3], $0x80, $0x38;
	[tilespmem:$0x1E900] =	vst v63  }
0x45: {  	_ =	swait.ge [sflag:s19], $0x80  }
0x46: {  	[sflag:s19] =	ssyncset.done $0x0  }
0x47: {  	[sflag:s19] =	ssyncadd.s32 $0xFFFFFF80  }
0x48: {  	[tilespmem:s18], [sflag:$0x1] =	stream.indirect.gather [hbm4b:s4+s21], $0x80, s20, s21, $0xb8;
	[tilespmem:$0x1E900] =	vst v63  }
0x49: {  	_ =	swait.ge [sflag:s25], $0x4000  }
0x4a: {  	[sflag:s25] =	ssyncset.done $0x0  }
0x4b: {  	s28 =	simm.s32 $0x80;
	[sflag:s25] =	ssyncadd.s32 $0xFFFFC000  }
0x4c: {  	[spmem:s2] =	stream.indirect.scatter.add.f32 [tilespmem:s23], [sflag:$0x3], $0x80, s28, s21, $0xb8;
	[tilespmem:$0x1E900] =	vst v63  }
0x4d: {  	s31 =	simm.s32 $0x20;
	_ =	swait.ge [sflag:s19], $0x4000  }
0x4e: {  	s30 =	simm.s32 $0x100;
	s1 =	simm.s32 $0x40;
	[sflag:s19] =	ssyncset.done $0x0  }
.LBB2_2:
0x4f: {  	s0 =	sadd.s32 s31, s17  }
0x50: {  	[sflag:s19] =	ssyncadd.s32 $0xFFFFC000;
	s26 =	smov.u32 s1;
	s28 =	sadd.s32 $0x20, s1  }
0x51: {  	[tilespmem:s22], [sflag:$0x3] =	stream.linear.gather [hbm4b:s0+s3], $0x80, $0x38;
	[tilespmem:$0x1E900] =	vst v63  }
0x52: {  	p0 =	sne.s32 s1, $0x4C0;
	_ =	swait.ge [sflag:s19], $0x80  }
0x53: {  	[sflag:s19] =	ssyncset.done $0x0  }
0x54: {  	[sflag:s19] =	ssyncadd.s32 $0xFFFFFF80  }
0x55: {  	[tilespmem:s23], [sflag:$0x2] =	stream.indirect.gather [hbm4b:s4+s21], $0x80, s22, s21, $0xb8;
	[tilespmem:$0x1E900] =	vst v63  }
0x56: {  	_ =	swait.ge [sflag:s24], $0x4000  }
0x57: {  	[sflag:s24] =	ssyncset.done $0x0  }
0x58: {  	[sflag:s24] =	ssyncadd.s32 $0xFFFFC000  }
0x59: {  	[spmem:s2] =	stream.indirect.scatter.add.f32 [tilespmem:s18], [sflag:$0x3], $0x80, s30, s21, $0xb8;
	[tilespmem:$0x1E900] =	vst v63  }
0x5a: {  	_ =	swait.ge [sflag:s19], $0x4000  }
0x5b: {  	[sflag:s19] =	ssyncset.done $0x0  }
0x5c: {  	s0 =	sadd.s32 s31, s16;
	s31 =	smov.u32 s26;
	[sflag:s19] =	ssyncadd.s32 $0xFFFFC000  }
0x5d: {  	[tilespmem:s20], [sflag:$0x3] =	stream.linear.gather [hbm4b:s0+s3], $0x80, $0x38;
	[tilespmem:$0x1E900] =	vst v63  }
0x5e: {  	_ =	swait.ge [sflag:s19], $0x80  }
0x5f: {  	[sflag:s19] =	ssyncset.done $0x0  }
0x60: {  	[sflag:s19] =	ssyncadd.s32 $0xFFFFFF80  }
0x61: {  	[tilespmem:s18], [sflag:$0x1] =	stream.indirect.gather [hbm4b:s4+s21], $0x80, s20, s21, $0xb8;
	[tilespmem:$0x1E900] =	vst v63  }
0x62: {  	_ =	swait.ge [sflag:s25], $0x4000  }
.Ltmp0:
0x63: {  	[sflag:s25] =	ssyncset.done $0x0;
	(pc) =	sbr.rel @p0 .LBB2_2-.Ltmp0, $4  }
0x64: {  	s0 =	sadd.s32 $0x80, s30;
	[sflag:s25] =	ssyncadd.s32 $0xFFFFC000  }
0x65: {  	[spmem:s2] =	stream.indirect.scatter.add.f32 [tilespmem:s23], [sflag:$0x3], $0x80, s0, s21, $0xb8;
	[tilespmem:$0x1E900] =	vst v63  }
0x66: {  	_ =	swait.ge [sflag:s19], $0x4000  }
0x67: {  	s1 =	smov.u32 s28;
	s30 =	sadd.s32 $0x100, s30;
	[sflag:s19] =	ssyncset.done $0x0  }
0x68: {  	s0 =	sadd.s32 s31, s17;
	[sflag:s19] =	ssyncadd.s32 $0xFFFFC000  }
0x69: {  	[tilespmem:s22], [sflag:$0x3] =	stream.linear.gather [hbm4b:s0+s3], $0x80, $0x38;
	[tilespmem:$0x1E900] =	vst v63  }
0x6a: {  	_ =	swait.ge [sflag:s19], $0x80  }
0x6b: {  	[sflag:s19] =	ssyncset.done $0x0  }
0x6c: {  	[sflag:s19] =	ssyncadd.s32 $0xFFFFFF80  }
0x6d: {  	[tilespmem:s23], [sflag:$0x2] =	stream.indirect.gather [hbm4b:s4+s21], $0x80, s22, s21, $0xb8;
	[tilespmem:$0x1E900] =	vst v63  }
0x6e: {  	_ =	swait.ge [sflag:s24], $0x4000  }
0x6f: {  	[sflag:s24] =	ssyncset.done $0x0  }
0x70: {  	[sflag:s24] =	ssyncadd.s32 $0xFFFFC000  }
0x71: {  	[spmem:s2] =	stream.indirect.scatter.add.f32 [tilespmem:s18], [sflag:$0x3], $0x80, s30, s21, $0xb8;
	[tilespmem:$0x1E900] =	vst v63  }
0x72: {  	_ =	swait.ge [sflag:s19], $0x4000  }
0x73: {  	[sflag:s19] =	ssyncset.done $0x0  }
0x74: {  	s1 =	sadd.s32 s31, s16;
	[sflag:s19] =	ssyncadd.s32 $0xFFFFC000  }
0x75: {  	[tilespmem:s20], [sflag:$0x3] =	stream.linear.gather [hbm4b:s1+s3], $0x80, $0x38;
	[tilespmem:$0x1E900] =	vst v63  }
0x76: {  	_ =	swait.ge [sflag:s19], $0x80  }
0x77: {  	[sflag:s19] =	ssyncset.done $0x0  }
0x78: {  	[sflag:s19] =	ssyncadd.s32 $0xFFFFFF80  }
0x79: {  	[tilespmem:s18], [sflag:$0x1] =	stream.indirect.gather [hbm4b:s4+s21], $0x80, s20, s21, $0xb8;
	[tilespmem:$0x1E900] =	vst v63  }
0x7a: {  	_ =	swait.ge [sflag:s25], $0x4000  }
0x7b: {  	[sflag:s25] =	ssyncset.done $0x0  }
0x7c: {  	s26 =	sadd.s32 $0x80, s30;
	[sflag:s25] =	ssyncadd.s32 $0xFFFFC000  }
0x7d: {  	[spmem:s2] =	stream.indirect.scatter.add.f32 [tilespmem:s23], [sflag:$0x3], $0x80, s26, s21, $0xb8;
	[tilespmem:$0x1E900] =	vst v63  }
0x7e: {  	_ =	swait.ge [sflag:s19], $0x4000  }
0x7f: {  	[sflag:s19] =	ssyncset.done $0x0  }
0x80: {  	[sflag:s19] =	ssyncadd.s32 $0xFFFFC000  }
0x81: {  	[tilespmem:s22], [sflag:$0x3] =	stream.linear.gather [hbm4b:s9+s3], $0x80, $0x38;
	[tilespmem:$0x1E900] =	vst v63  }
0x82: {  	_ =	swait.ge [sflag:s19], $0x80  }
0x83: {  	[sflag:s19] =	ssyncset.done $0x0  }
0x84: {  	[sflag:s19] =	ssyncadd.s32 $0xFFFFFF80  }
0x85: {  	[tilespmem:s23], [sflag:$0x2] =	stream.indirect.gather [hbm4b:s4+s21], $0x80, s22, s21, $0xb8;
	[tilespmem:$0x1E900] =	vst v63  }
0x86: {  	_ =	swait.ge [sflag:s24], $0x4000  }
0x87: {  	[sflag:s24] =	ssyncset.done $0x0  }
0x88: {  	s28 =	simm.s32 $0x2700;
	[sflag:s24] =	ssyncadd.s32 $0xFFFFC000  }
0x89: {  	[spmem:s2] =	stream.indirect.scatter.add.f32 [tilespmem:s18], [sflag:$0x3], $0x80, s28, s21, $0xb8;
	[tilespmem:$0x1E900] =	vst v63  }
0x8a: {  	_ =	swait.ge [sflag:s19], $0x4000  }
0x8b: {  	[sflag:s19] =	ssyncset.done $0x0  }
0x8c: {  	[sflag:s19] =	ssyncadd.s32 $0xFFFFC000  }
0x8d: {  	_ =	swait.ge [sflag:s25], $0x4000  }
0x8e: {  	[sflag:s25] =	ssyncset.done $0x0  }
0x8f: {  	s30 =	simm.s32 $0x2780;
	[sflag:s25] =	ssyncadd.s32 $0xFFFFC000  }
0x90: {  	[spmem:s2] =	stream.indirect.scatter.add.f32 [tilespmem:s23], [sflag:$0x3], $0x80, s30, s21, $0xb8;
	[tilespmem:$0x1E900] =	vst v63  }
0x91: {  	s31 =	stileid.u32;
	_ =	swait.ge [sflag:s19], $0x4000  }
0x92: {  	s29 =	sadd.s32 $0x1, s29;
	s0 =	sshll.u32 s31, $0x6;
	[sflag:s19] =	ssyncset.done $0x0  }
0x93: {  	p0 =	sne.s32 s29, s11;
	s0 =	sor.u32 $0x1C03, s0;
	[sflag:s19] =	ssyncadd.s32 $0xFFFFC000  }
.Ltmp1:
0x94: {  	s1 =	sshrl.u32 s6, $0x3;
	[bflag:$0x0] =	sbarrier.arrive $0xFFFF;
	(pc) =	sbr.rel @p0 .LBB2_1-.Ltmp1, $4  }
0x95: {  	[hbm:s10], [sflag:s0] =	dma.local [spmem:s1], $0x2800  }
0x96: {  	_ =	swait.ge [sflag:s19], $0x2800  }
0x97: {  	[sflag:s19] =	ssyncset.done $0x0  }
0x98: {  	[sflag:s19] =	ssyncadd.s32 $0xFFFFD800  }
0x99: {  	_ =	sfence.sel $0x180000  }
0x9a: {  	[bflag:$0x0] =	sbarrier.arrive $0xFFFF  }
0x9b: {  	_ =	strace $0x90000053  }
0x9c: {  	s0 =	stileid.u32;
	[bflag:$0x2] =	sbarrier.arrive $0xFFFF  }
0x9d: {  	p0 =	sne.s32 s0, $0x0;
	s0 =	rddreg [dreg:$0x2]  }
0x9e: {  	s0 =	sadd.s32 @!p0 $0x100000, s0  }
0x9f: {  	[sflag:s0] =	ssyncadd.tile.s32 @!p0 $0x1;
	_ =	shalt  }
.Lfunc_end2:
_tile_overlayer_lowered:
.L_overlay_start_2:
0xa0: {  	(tag) =	ssettag $0x2  }
0xa1: {  	s0 =	rddreg [dreg:$0x0];
	s2 =	stileid.u32  }
0xa2: {  	s1 =	rddreg [dreg:$0x1];
	p0 =	sne.s32 s2, $0x0  }
0xa3: {  	s3 =	rddreg [dreg:$0x2];
	[bflag:$0x3] =	sbarrier.arrive $0xFFFF;
	s2 =	simm.s32 @!p0 $0x1C03  }
0xa4: {  	[timem:s3], [sflag:s2] =	dma.local @!p0 [hbm:s0], s1  }
0xa5: {  	s0 =	simm.s32 @!p0 $0x3  }
0xa6: {  	_ =	swait.ge @!p0 [sflag:s0], s1  }
0xa7: {  	s1 =	ssub.s32 @!p0 $0x0, s1;
	[sflag:s0] =	ssyncset.done @!p0 $0x0  }
0xa8: {  	[sflag:s0] =	ssyncadd.s32 @!p0 s1  }
0xa9: {  	[bflag:$0x3] =	sbarrier.arrive $0xFFFF  }
0xaa: {  	_ =	shalt  }

// kernel: kernel.9.cloned.1.call-start
scs
__scs_entry_jumppad:
0x0: {  	(pc) =	sbr.rel $0x88, $3  }
0x1: {  	(tag) =	ssettag $0x0;
	lr =	simm.s32 $0x1  }
0x2: {  	[smem:$0x3F91] =	sst lr;
	_ =	strace $0xD0000000  }
0x3: {  	_ = 	snop  }
0x4: {  	_ = 	snop  }
0x5: {  	_ = 	snop  }
0x6: {  	_ = 	snop  }
0x7: {  	_ = 	snop  }
__scs_overlays_trampoline_lowered:
0x8: {  	[smem:$0x3FA0] =	sst s0  }
0x9: {  	[smem:$0x3FA1] =	sst s1  }
0xa: {  	[smem:$0x3FA2] =	sst s2  }
0xb: {  	[smem:$0x3FA3] =	sst s3  }
0xc: {  	[smem:$0x3FA4] =	sst s4  }
0xd: {  	[smem:$0x3FA5] =	sst s5  }
0xe: {  	[smem:$0x3FA6] =	sst s6  }
0xf: {  	[smem:$0x3FA7] =	sst s7  }
0x10: {  	[smem:$0x3FA8] =	sst s8  }
0x11: {  	[smem:$0x3FA9] =	sst s9;
	s0 =	simm.s32 @!p0 $0x0  }
0x12: {  	s1 =	sld [smem:$0x3F8F];
	s0 =	simm.s32 @p0 $0x1  }
0x13: {  	[smem:$0x3FAA] =	sst s0;
	s0 =	simm.s32 @!p1 $0x0  }
0x14: {  	s2 =	sld [smem:$0x3F8E];
	s0 =	simm.s32 @p1 $0x1  }
0x15: {  	[smem:$0x3FAB] =	sst s0;
	s0 =	simm.s32 @!p2 $0x0  }
0x16: {  	s3 =	sld [smem:$0x3FDB];
	s0 =	simm.s32 @p2 $0x1  }
0x17: {  	s4 =	simm.s32 $0x1BF5;
	[smem:$0x3FAD] =	sst s0  }
0x18: {  	s0 =	sld [smem:$0x3F90];
	_ =	swait.ge [sflag:s4], $0x0  }
0x19: {  	s7 =	sld [smem:$0x3F91]  }
0x1a: {  	s8 =	sadd.s32 $0xFFFFE003, lr  }
0x1b: {  	s9 =	sadd.s32 $0xFFFFFEF7, lr;
	s5 =	simm.s32 $0xFFFFFFFF;
	p2 =	slt.u32 s8, $0xFFFFF086  }
0x1c: {  	p1 =	slt.u32 s9, $0xF7A;
	s5 =	simm.s32 @!p2 $0x0  }
0x1d: {  	s5 =	simm.s32 @p1 $0x1;
	p0 =	seq.s32 s7, s2  }
0x1e: {  	s7 =	smul.u32 @!p0 $0xF7A, s2;
	p2 =	seq.s32 @!p0 s5, $0x0  }
0x1f: {  	s9 =	smul.u32 $0xF7A, s1;
	s8 =	simm.s32 @!p0 $0x1BF5;
	p2 =	por !p2, p0  }
0x20: {  	[sflag:s8] =	ssyncset.s32 @!p0 $0xFFFFF086;
	s6 =	sadd.s32 @!p0 s3, s7;
	s7 =	simm.s32 @!p0 $0x108  }
0x21: {  	s3 =	sadd.s32 s3, s9;
	s6 =	sadd.s32 @!p0 $0x88, s6;
	s7 =	simm.s32 @p2 $0x1082  }
0x22: {  	[simem:s7], [sflag:s8] =	dma.local @!p0 [hbm:s6], $0xF7A  }
0x23: {  	s9 =	sor.u32 $0xD0000000, s2;
	s6 =	simm.s32 $0x108;
	_ =	swait.ge @!p0 [sflag:s8], $0x0  }
0x24: {  	s3 =	sadd.s32 $0x88, s3;
	s6 =	simm.s32 @!p1 $0x1082;
	[sflag:s4] =	ssyncset.s32 $0xFFFFF086  }
0x25: {  	[simem:s6], [sflag:s4] =	dma.local [hbm:s3], $0xF7A  }
0x26: {  	[smem:$0x3F91] =	sst s1;
	(tag) =	ssettag s2;
	_ =	strace s9  }
0x27: {  	s1 =	sld [smem:$0x3FA1]  }
0x28: {  	s2 =	sld [smem:$0x3FA2]  }
0x29: {  	s4 =	sld [smem:$0x3FA4]  }
0x2a: {  	p0 =	seq.s32 s5, $0x0;
	s5 =	sld [smem:$0x3FA5]  }
0x2b: {  	s6 =	sld [smem:$0x3FA6]  }
0x2c: {  	s7 =	sld [smem:$0x3FA7]  }
0x2d: {  	s3 =	simm.s32 $0x108;
	s8 =	sld [smem:$0x3FA8]  }
0x2e: {  	s3 =	simm.s32 @!p0 $0x1082;
	s9 =	sld [smem:$0x3FA9]  }
0x2f: {  	lr =	sadd.s32 s0, s3;
	s0 =	sld [smem:$0x3FA0]  }
0x30: {  	s3 =	sld [smem:$0x3FA3]  }
0x31: {  	[smem:$0x3FAC] =	sst s10  }
0x32: {  	s10 =	sld [smem:$0x3FAA];
	_ =	sdelay $0x3  }
0x33: {  	p0 =	seq.s32 s10, $0x1;
	s10 =	sld [smem:$0x3FAC];
	_ =	sdelay $0x3  }
0x34: {  	[smem:$0x3FAC] =	sst s10  }
0x35: {  	s10 =	sld [smem:$0x3FAB];
	_ =	sdelay $0x3  }
0x36: {  	p1 =	seq.s32 s10, $0x1;
	s10 =	sld [smem:$0x3FAC];
	_ =	sdelay $0x3  }
0x37: {  	[smem:$0x3FAC] =	sst s10  }
0x38: {  	s10 =	sld [smem:$0x3FAD]  }
0x39: {  	_ = 	snop;
	(pc) =	sbr.ind lr, $3  }
0x3a: {  	_ = 	snop  }
0x3b: {  	_ = 	snop  }
0x3c: {  	p2 =	seq.s32 s10, $0x1;
	s10 =	sld [smem:$0x3FAC]  }
0x3d: {  	_ =	shalt  }
0x3e: {  	_ =	shalt  }
0x3f: {  	_ =	shalt  }
0x40: {  	_ =	shalt  }
0x41: {  	_ =	shalt  }
0x42: {  	_ =	shalt  }
0x43: {  	_ =	shalt  }
0x44: {  	_ =	shalt  }
0x45: {  	_ =	shalt  }
0x46: {  	_ =	shalt  }
0x47: {  	_ =	shalt  }
0x48: {  	_ =	shalt  }
0x49: {  	_ =	shalt  }
0x4a: {  	_ =	shalt  }
0x4b: {  	_ =	shalt  }
0x4c: {  	_ =	shalt  }
0x4d: {  	_ =	shalt  }
0x4e: {  	_ =	shalt  }
0x4f: {  	_ =	shalt  }
0x50: {  	_ =	shalt  }
0x51: {  	_ =	shalt  }
0x52: {  	_ =	shalt  }
0x53: {  	_ =	shalt  }
0x54: {  	_ =	shalt  }
0x55: {  	_ =	shalt  }
0x56: {  	_ =	shalt  }
0x57: {  	_ =	shalt  }
0x58: {  	_ =	shalt  }
0x59: {  	_ =	shalt  }
0x5a: {  	_ =	shalt  }
0x5b: {  	_ =	shalt  }
0x5c: {  	_ =	shalt  }
0x5d: {  	_ =	shalt  }
0x5e: {  	_ =	shalt  }
0x5f: {  	_ =	shalt  }
0x60: {  	_ =	shalt  }
0x61: {  	_ =	shalt  }
0x62: {  	_ =	shalt  }
0x63: {  	_ =	shalt  }
0x64: {  	_ =	shalt  }
0x65: {  	_ =	shalt  }
0x66: {  	_ =	shalt  }
0x67: {  	_ =	shalt  }
0x68: {  	_ =	shalt  }
0x69: {  	_ =	shalt  }
0x6a: {  	_ =	shalt  }
0x6b: {  	_ =	shalt  }
0x6c: {  	_ =	shalt  }
0x6d: {  	_ =	shalt  }
0x6e: {  	_ =	shalt  }
0x6f: {  	_ =	shalt  }
0x70: {  	_ =	shalt  }
0x71: {  	_ =	shalt  }
0x72: {  	_ =	shalt  }
0x73: {  	_ =	shalt  }
0x74: {  	_ =	shalt  }
0x75: {  	_ =	shalt  }
0x76: {  	_ =	shalt  }
0x77: {  	_ =	shalt  }
0x78: {  	_ =	shalt  }
0x79: {  	_ =	shalt  }
0x7a: {  	_ =	shalt  }
0x7b: {  	_ =	shalt  }
0x7c: {  	_ =	shalt  }
0x7d: {  	_ =	shalt  }
0x7e: {  	_ =	shalt  }
0x7f: {  	_ =	shalt  }
0x80: {  	_ =	shalt  }
0x81: {  	_ =	shalt  }
0x82: {  	_ =	shalt  }
0x83: {  	_ =	shalt  }
0x84: {  	_ =	shalt  }
0x85: {  	_ =	shalt  }
0x86: {  	_ =	shalt  }
0x87: {  	_ =	shalt  }
.Lfunc_end0:
.L_simem_size_0:
called_computation.2_lowered:
.L_overlay_start_0:
0x88: {  	s2 =	sld [smem:$0x3FD9]  }
0x89: {  	s3 =	sld [smem:$0x3FFE];
	_ =	sdelay $0x1  }
0x8a: {  	s1 =	srdreg.scid  }
0x8b: {  	s0 =	sand.u32 $0x1, s1  }
0x8c: {  	s17 =	sshll.u32 s0, $0xA;
	s2 =	sadd.s32 s3, s2  }
0x8d: {  	s2 =	sadd.s32 s2, s17  }
0x8e: {  	[smem:$0x3FB8] =	sst s2  }
0x8f: {  	_ = 	snop  }
0x90: {  	(tm) =	ssettm $0x1  }
0x91: {  	s18 =	sld [smem:$0x3FFB];
	_ =	sdelay $0x3  }
0x92: {  	_ =	strace s18  }
0x93: {  	s2 =	sld [smem:$0x3FFC];
	_ =	sdelay $0x3  }
0x94: {  	_ =	strace s2  }
0x95: {  	s2 =	sld [smem:$0x3FFD];
	_ =	sdelay $0x3  }
0x96: {  	_ =	strace s2  }
0x97: {  	_ =	strace $0x8FFFFFFF  }
0x98: {  	s19 =	sld [smem:$0x3FDB];
	_ =	sdelay $0x1  }
0x99: {  	s20 =	simm.s32 $_scs_section_size  }
0x9a: {  	s4 =	simm.s32 $_size__tile_overlayer_lowered;
	s5 =	simm.s32 $_tile_overlayer_lowered  }
0x9b: {  	s6 =	simm.s32 $0x1BFF;
	s21 =	sshll.u32 s5, $0x1;
	s3 =	sadd.s32 s20, s19  }
0x9c: {  	s22 =	simm.s32 $0x0;
	s4 =	sshll.u32 s4, $0x1;
	s5 =	sadd.s32 s21, s3  }
0x9d: {  	[timem:s22], [sflag:s6] =	dma.local [hbm:s5], s4  }
0x9e: {  	_ =	swait.ge [sflag:s6], s4  }
0x9f: {  	s4 =	ssub.s32 $0x0, s4;
	[sflag:s6] =	ssyncset.done $0x0  }
0xa0: {  	[sflag:s6] =	ssyncadd.s32 s4;
	_ =	sdelay $0x1  }
0xa1: {  	s23 =	simm.s32 $0x1B8B  }
0xa2: {  	_ =	swait.ge [sflag:s23], $0x1  }
0xa3: {  	[sflag:s23] =	ssyncset.done $0x0  }
0xa4: {  	[sflag:s23] =	ssyncadd.s32 $0xFFFFFFFF  }
0xa5: {  	s4 =	sld [smem:$0x0]  }
0xa6: {  	s5 =	sand.u32 $0xFFFFFFFE, s1  }
0xa7: {  	p0 =	sne.s32 s1, s5  }
0xa8: {  	s5 =	sshll.u32 @p0 s5, $0xE  }
0xa9: {  	s5 =	sadd.s32 @p0 $0x11B8D, s5;
	s6 =	sshll.u32 @p0 s4, $0x11  }
0xaa: {  	s5 =	sor.u32 @p0 s6, s5  }
0xab: {  	[sflag:s5] =	ssyncadd.remote.s32 @p0 $0x1;
	_ =	sdelay $0x1  }
0xac: {  	s5 =	simm.s32 @p0 $0x1B8D  }
0xad: {  	_ =	swait.eq @p0 [sflag:s5], $0x1  }
0xae: {  	[sflag:s5] =	ssyncadd.s32 @p0 $0xFFFFFFFF  }
0xaf: {  	s6 =	sshll.u32 @!p0 s1, $0xE  }
0xb0: {  	s6 =	sor.u32 @!p0 $0x4000, s6;
	s5 =	simm.s32 @!p0 $0x1B8D  }
0xb1: {  	s4 =	sshll.u32 @!p0 s4, $0x11;
	s6 =	sadd.s32 @!p0 $0x11B8D, s6;
	_ =	swait.eq @!p0 [sflag:s5], $0x1  }
0xb2: {  	s4 =	sor.u32 @!p0 s4, s6;
	[sflag:s5] =	ssyncadd.s32 @!p0 $0xFFFFFFFF  }
0xb3: {  	s25 =	simm.s32 $0x1B8E;
	s24 =	sld [smem:$0x3FFE];
	[sflag:s4] =	ssyncadd.remote.s32 @!p0 $0x1  }
0xb4: {  	s26 =	simm.s32 $execute0_lowered;
	[smem:$0x3FD2] =	sst s25  }
0xb5: {  	s5 =	sshll.u32 s26, $0x1;
	_ =	strace $0x8000004F;
	[dreg:$0x1] =	wrdreg $0xFFFFFFFF  }
0xb6: {  	s28 =	simm.s32 $_size_execute0_lowered;
	s3 =	sadd.s32 s3, s5;
	[dreg:$0x0] =	wrdreg $0x0  }
0xb7: {  	s5 =	sshll.u32 s28, $0x1;
	[dreg:$0x2] =	wrdreg s3  }
0xb8: {  	[dreg:$0x3] =	wrdreg s5  }
0xb9: {  	[dreg:$0x4] =	wrdreg $0xC0  }
0xba: {  	_ =	task [dreg:s22], $0x5FFFF  }
0xbb: {  	[dreg:$0x1] =	wrdreg $0xFFFFFFFF  }
0xbc: {  	[dreg:$0x0] =	wrdreg $0x60  }
0xbd: {  	[dreg:$0x2] =	wrdreg s24  }
0xbe: {  	[dreg:$0x3] =	wrdreg $0xA8000  }
0xbf: {  	[dreg:$0x4] =	wrdreg $0x9  }
0xc0: {  	_ =	task.clear_ibuf [dreg:s22], $0x5FFFF;
	_ =	strace $0x9000004F  }
0xc1: {  	s29 =	simm.s32 $0x9;
	_ =	strace $0x80000051  }
0xc2: {  	_ =	swait.ge [sflag:s29], $0x1  }
0xc3: {  	[sflag:s29] =	ssyncadd.s32 $0xFFFFFFFF  }
0xc4: {  	_ =	strace $0x90000051  }
0xc5: {  	_ =	sfence  }
0xc6: {  	s30 =	sld [smem:$0x0];
	_ =	sdelay $0x2  }
0xc7: {  	s31 =	sshll.u32 s1, $0xD;
	s1 =	sshrl.u32 s1, $0x2  }
0xc8: {  	s4 =	sand.u32 $0x4000, s31;
	s1 =	sadd.s32 s1, s30  }
0xc9: {  	s0 =	sor.u32 s4, s0;
	s1 =	sshll.u32 s1, $0x11  }
0xca: {  	s0 =	sor.u32 s1, s0  }
0xcb: {  	s0 =	sadd.s32 $0x8F2B, s0  }
0xcc: {  	[sflag:s0] =	ssyncadd.remote.s32 $0x1  }
0xcd: {  	_ =	sfence.sel $0xFFFF  }
0xce: {  	[dreg:$0x0] =	wrdreg $0xFFFFFFFF;
	(pc) =	sbr.abs _section_cstart, $3  }
0xcf: {  	[dreg:$0x1] =	wrdreg $0xFFFFFFFF  }
0xd0: {  	_ =	task.clear_ibuf [dreg:s22], $0x2FFFF;
	_ =	strace $0x9FFFFFFF  }
0xd1: {  	(tm) =	ssettm $0x7FFFFFFF  }
tec
execute0_lowered:
.L_overlay_start_1:
0x0: {  	(tag) =	ssettag $0x1  }
0x1: {  	s1 =	srdreg.scid  }
0x2: {  	s0 =	stileid.u32;
	s7 =	rddreg [dreg:$0x0]  }
0x3: {  	s2 =	rddreg [dreg:$0x1];
	s3 =	simm.s32 $0x0;
	s14 =	simm.s32 $0x6800  }
0x4: {  	s15 =	simm.s32 $0x2;
	s16 =	simm.s32 $0x2800;
	s17 =	simm.s32 $0x80  }
0x5: {  	s18 =	simm.s32 $0x1;
	s21 =	simm.s32 $0x0;
	s6 =	sand.u32 $0x1, s1  }
0x6: {  	s30 =	sshll.u32 s0, $0x1;
	[smem:$0x7FF] =	sst s3;
	s8 =	smul.u32 $0x14000, s0  }
0x7: {  	s10 =	smul.u32 $0x50000, s0;
	s19 =	sshll.u32 s0, $0x6;
	s1 =	sor.u32 s6, s30  }
0x8: {  	s5 =	smul.u32 $0x140000, s6;
	s6 =	ssub.s32 $0x2, s6;
	s19 =	sor.u32 $0x1C02, s19  }
0x9: {  	s4 =	smul.u32 $0x500, s1;
	s1 =	rddreg [dreg:$0x2];
	_ =	strace $0x80000050  }
0xa: {  	s31 =	sshrl.u32 s6, $0x1;
	s10 =	sshrl.u32 s10, $0x2;
	s8 =	sadd.s32 s8, s5  }
0xb: {  	s5 =	sadd.s32 $0x4400, s7;
	s11 =	ssub.s32 s6, s31;
	s8 =	sshrl.u32 s8, $0x3  }
0xc: {  	s9 =	sadd.s32 s4, s7;
	s4 =	sadd.s32 $0x3C00, s7;
	s8 =	sadd.s32 s8, s7  }
0xd: {  	s6 =	sadd.s32 $0x17C00, s9;
	s7 =	sadd.s32 s10, s2;
	s9 =	smax.u32 s11, $0x1  }
0xe: {  	s8 =	sadd.s32 $0xA2E00, s8;
	s10 =	sadd.s32 $0x4000, s7;
	s11 =	sadd.s32 $0x8000, s7  }
0xf: {  	s12 =	sadd.s32 $0xC000, s7;
	s13 =	sadd.s32 $0x10000, s7;
	s20 =	sshrl.u32 s7, $0x3  }
.LBB2_1:
0x10: {  	[tilespmem:s14], [sflag:$0x2] =	stream.linear.gather [hbm4b:s4+s3], $0x4000, $0x38;
	[tilespmem:$0x1E800] =	vst v63  }
0x11: {  	_ =	swait.ge [sflag:s15], $0x4000  }
0x12: {  	[sflag:s15] =	ssyncset.done $0x0  }
0x13: {  	[sflag:s15] =	ssyncadd.s32 $0xFFFFC000  }
0x14: {  	[tilespmem:s16], [sflag:$0x2] =	stream.linear.gather [hbm4b:s5+s3], $0x4000, $0x38;
	[tilespmem:$0x1E800] =	vst v63  }
0x15: {  	_ =	swait.ge [sflag:s15], $0x4000  }
0x16: {  	[sflag:s15] =	ssyncset.done $0x0  }
0x17: {  	[sflag:s15] =	ssyncadd.s32 $0xFFFFC000  }
0x18: {  	[tilespmem:s3], [sflag:$0x2] =	stream.linear.gather [hbm4b:s6+s3], $0x2800, $0x38;
	[tilespmem:$0x1E800] =	vst v63  }
0x19: {  	_ =	swait.ge [sflag:s15], $0x2800  }
0x1a: {  	[sflag:s15] =	ssyncset.done $0x0  }
0x1b: {  	[sflag:s15] =	ssyncadd.s32 $0xFFFFD800  }
0x1c: {  	[spmem:s7] =	stream.linear.scatter [tilespmem:s14], [sflag:$0x2], $0x4000, $0x38;
	[tilespmem:$0x1E800] =	vst v63  }
0x1d: {  	_ =	swait.ge [sflag:s15], $0x4000  }
0x1e: {  	[sflag:s15] =	ssyncset.done $0x0  }
0x1f: {  	[sflag:s15] =	ssyncadd.s32 $0xFFFFC000  }
0x20: {  	[spmem:s10] =	stream.linear.scatter [tilespmem:s14], [sflag:$0x2], $0x4000, $0x38;
	[tilespmem:$0x1E800] =	vst v63  }
0x21: {  	_ =	swait.ge [sflag:s15], $0x4000  }
0x22: {  	[sflag:s15] =	ssyncset.done $0x0  }
0x23: {  	[sflag:s15] =	ssyncadd.s32 $0xFFFFC000  }
0x24: {  	[spmem:s11] =	stream.linear.scatter [tilespmem:s14], [sflag:$0x2], $0x4000, $0x38;
	[tilespmem:$0x1E800] =	vst v63  }
0x25: {  	_ =	swait.ge [sflag:s15], $0x4000  }
0x26: {  	[sflag:s15] =	ssyncset.done $0x0  }
0x27: {  	[sflag:s15] =	ssyncadd.s32 $0xFFFFC000  }
0x28: {  	[spmem:s12] =	stream.linear.scatter [tilespmem:s14], [sflag:$0x2], $0x4000, $0x38;
	[tilespmem:$0x1E800] =	vst v63  }
0x29: {  	_ =	swait.ge [sflag:s15], $0x4000  }
0x2a: {  	[sflag:s15] =	ssyncset.done $0x0  }
0x2b: {  	[sflag:s15] =	ssyncadd.s32 $0xFFFFC000  }
0x2c: {  	[spmem:s13] =	stream.linear.scatter [tilespmem:s14], [sflag:$0x2], $0x4000, $0x38;
	[tilespmem:$0x1E800] =	vst v63  }
0x2d: {  	_ =	swait.ge [sflag:s15], $0x4000  }
0x2e: {  	[sflag:s15] =	ssyncset.done $0x0  }
0x2f: {  	[sflag:s15] =	ssyncadd.s32 $0xFFFFC000  }
0x30: {  	s22 =	simm.s32 $0x0;
	[bflag:$0x0] =	sbarrier.arrive $0xFFFF  }
0x31: {  	[spmem:s2] =	stream.indirect.scatter.add.f32 [tilespmem:s16], [sflag:$0x1], $0x80, s22, s17, $0xb8;
	[tilespmem:$0x1E800] =	vst v63  }
0x32: {  	s24 =	simm.s32 $0x80  }
0x33: {  	[spmem:s2] =	stream.indirect.scatter.add.f32 [tilespmem:s16], [sflag:$0x1], $0x80, s24, s17, $0xb8;
	[tilespmem:$0x1E800] =	vst v63  }
0x34: {  	s25 =	simm.s32 $0x100  }
0x35: {  	[spmem:s2] =	stream.indirect.scatter.add.f32 [tilespmem:s16], [sflag:$0x1], $0x80, s25, s17, $0xb8;
	[tilespmem:$0x1E800] =	vst v63  }
0x36: {  	s26 =	simm.s32 $0x180  }
0x37: {  	[spmem:s2] =	stream.indirect.scatter.add.f32 [tilespmem:s16], [sflag:$0x1], $0x80, s26, s17, $0xb8;
	[tilespmem:$0x1E800] =	vst v63  }
0x38: {  	s28 =	simm.s32 $0x200  }
0x39: {  	[spmem:s2] =	stream.indirect.scatter.add.f32 [tilespmem:s16], [sflag:$0x1], $0x80, s28, s17, $0xb8;
	[tilespmem:$0x1E800] =	vst v63  }
0x3a: {  	s29 =	simm.s32 $0x280  }
0x3b: {  	[spmem:s2] =	stream.indirect.scatter.add.f32 [tilespmem:s16], [sflag:$0x1], $0x80, s29, s17, $0xb8;
	[tilespmem:$0x1E800] =	vst v63  }
0x3c: {  	s30 =	simm.s32 $0x300  }
0x3d: {  	[spmem:s2] =	stream.indirect.scatter.add.f32 [tilespmem:s16], [sflag:$0x1], $0x80, s30, s17, $0xb8;
	[tilespmem:$0x1E800] =	vst v63  }
0x3e: {  	s31 =	simm.s32 $0x380  }
0x3f: {  	[spmem:s2] =	stream.indirect.scatter.add.f32 [tilespmem:s16], [sflag:$0x1], $0x80, s31, s17, $0xb8;
	[tilespmem:$0x1E800] =	vst v63  }
0x40: {  	s23 =	simm.s32 $0x400  }
0x41: {  	[spmem:s2] =	stream.indirect.scatter.add.f32 [tilespmem:s16], [sflag:$0x1], $0x80, s23, s17, $0xb8;
	[tilespmem:$0x1E800] =	vst v63  }
0x42: {  	s24 =	simm.s32 $0x480  }
0x43: {  	[spmem:s2] =	stream.indirect.scatter.add.f32 [tilespmem:s16], [sflag:$0x1], $0x80, s24, s17, $0xb8;
	[tilespmem:$0x1E800] =	vst v63  }
0x44: {  	s25 =	simm.s32 $0x500  }
0x45: {  	[spmem:s2] =	stream.indirect.scatter.add.f32 [tilespmem:s16], [sflag:$0x1], $0x80, s25, s17, $0xb8;
	[tilespmem:$0x1E800] =	vst v63  }
0x46: {  	s26 =	simm.s32 $0x580  }
0x47: {  	[spmem:s2] =	stream.indirect.scatter.add.f32 [tilespmem:s16], [sflag:$0x1], $0x80, s26, s17, $0xb8;
	[tilespmem:$0x1E800] =	vst v63  }
0x48: {  	s28 =	simm.s32 $0x600  }
0x49: {  	[spmem:s2] =	stream.indirect.scatter.add.f32 [tilespmem:s16], [sflag:$0x1], $0x80, s28, s17, $0xb8;
	[tilespmem:$0x1E800] =	vst v63  }
0x4a: {  	s29 =	simm.s32 $0x680  }
0x4b: {  	[spmem:s2] =	stream.indirect.scatter.add.f32 [tilespmem:s16], [sflag:$0x1], $0x80, s29, s17, $0xb8;
	[tilespmem:$0x1E800] =	vst v63  }
0x4c: {  	s30 =	simm.s32 $0x700  }
0x4d: {  	[spmem:s2] =	stream.indirect.scatter.add.f32 [tilespmem:s16], [sflag:$0x1], $0x80, s30, s17, $0xb8;
	[tilespmem:$0x1E800] =	vst v63  }
0x4e: {  	s31 =	simm.s32 $0x780  }
0x4f: {  	[spmem:s2] =	stream.indirect.scatter.add.f32 [tilespmem:s16], [sflag:$0x1], $0x80, s31, s17, $0xb8;
	[tilespmem:$0x1E800] =	vst v63  }
0x50: {  	_ =	swait.ge [sflag:s18], $0x4000  }
0x51: {  	[sflag:s18] =	ssyncset.done $0x0  }
0x52: {  	[sflag:s18] =	ssyncadd.s32 $0xFFFFC000  }
0x53: {  	_ =	swait.ge [sflag:s18], $0x4000  }
0x54: {  	[sflag:s18] =	ssyncset.done $0x0  }
0x55: {  	[sflag:s18] =	ssyncadd.s32 $0xFFFFC000  }
0x56: {  	_ =	swait.ge [sflag:s18], $0x4000  }
0x57: {  	[sflag:s18] =	ssyncset.done $0x0  }
0x58: {  	[sflag:s18] =	ssyncadd.s32 $0xFFFFC000  }
0x59: {  	_ =	swait.ge [sflag:s18], $0x4000  }
0x5a: {  	[sflag:s18] =	ssyncset.done $0x0  }
0x5b: {  	[sflag:s18] =	ssyncadd.s32 $0xFFFFC000  }
0x5c: {  	_ =	swait.ge [sflag:s18], $0x4000  }
0x5d: {  	[sflag:s18] =	ssyncset.done $0x0  }
0x5e: {  	[sflag:s18] =	ssyncadd.s32 $0xFFFFC000  }
0x5f: {  	_ =	swait.ge [sflag:s18], $0x4000  }
0x60: {  	[sflag:s18] =	ssyncset.done $0x0  }
0x61: {  	[sflag:s18] =	ssyncadd.s32 $0xFFFFC000  }
0x62: {  	_ =	swait.ge [sflag:s18], $0x4000  }
0x63: {  	[sflag:s18] =	ssyncset.done $0x0  }
0x64: {  	[sflag:s18] =	ssyncadd.s32 $0xFFFFC000  }
0x65: {  	_ =	swait.ge [sflag:s18], $0x4000  }
0x66: {  	[sflag:s18] =	ssyncset.done $0x0  }
0x67: {  	[sflag:s18] =	ssyncadd.s32 $0xFFFFC000  }
0x68: {  	_ =	swait.ge [sflag:s18], $0x4000  }
0x69: {  	[sflag:s18] =	ssyncset.done $0x0  }
0x6a: {  	[sflag:s18] =	ssyncadd.s32 $0xFFFFC000  }
0x6b: {  	_ =	swait.ge [sflag:s18], $0x4000  }
0x6c: {  	[sflag:s18] =	ssyncset.done $0x0  }
0x6d: {  	[sflag:s18] =	ssyncadd.s32 $0xFFFFC000  }
0x6e: {  	_ =	swait.ge [sflag:s18], $0x4000  }
0x6f: {  	[sflag:s18] =	ssyncset.done $0x0  }
0x70: {  	[sflag:s18] =	ssyncadd.s32 $0xFFFFC000  }
0x71: {  	_ =	swait.ge [sflag:s18], $0x4000  }
0x72: {  	[sflag:s18] =	ssyncset.done $0x0  }
0x73: {  	[sflag:s18] =	ssyncadd.s32 $0xFFFFC000  }
0x74: {  	_ =	swait.ge [sflag:s18], $0x4000  }
0x75: {  	[sflag:s18] =	ssyncset.done $0x0  }
0x76: {  	[sflag:s18] =	ssyncadd.s32 $0xFFFFC000  }
0x77: {  	_ =	swait.ge [sflag:s18], $0x4000  }
0x78: {  	[sflag:s18] =	ssyncset.done $0x0  }
0x79: {  	[sflag:s18] =	ssyncadd.s32 $0xFFFFC000  }
0x7a: {  	_ =	swait.ge [sflag:s18], $0x4000  }
0x7b: {  	[sflag:s18] =	ssyncset.done $0x0  }
0x7c: {  	[sflag:s18] =	ssyncadd.s32 $0xFFFFC000  }
0x7d: {  	_ =	swait.ge [sflag:s18], $0x4000  }
0x7e: {  	s22 =	simm.s32 $0x2000;
	s25 =	simm.s32 $0x4000;
	[sflag:s18] =	ssyncset.done $0x0  }
.LBB2_2:
0x7f: {  	s24 =	sshra.s32 s22, $0x2  }
0x80: {  	[sflag:s18] =	ssyncadd.s32 $0xFFFFC000;
	s22 =	smov.u32 s25;
	s23 =	sadd.s32 $0x2000, s25  }
0x81: {  	[spmem:s2] =	stream.indirect.scatter.add.f32 [tilespmem:s16], [sflag:$0x1], $0x80, s24, s17, $0xb8;
	[tilespmem:$0x1E800] =	vst v63  }
0x82: {  	p0 =	sne.s32 s25, $0x8000;
	s25 =	sadd.s32 $0x80, s24  }
0x83: {  	[spmem:s2] =	stream.indirect.scatter.add.f32 [tilespmem:s16], [sflag:$0x1], $0x80, s25, s17, $0xb8;
	[tilespmem:$0x1E800] =	vst v63  }
0x84: {  	s25 =	sadd.s32 $0x100, s24  }
0x85: {  	[spmem:s2] =	stream.indirect.scatter.add.f32 [tilespmem:s16], [sflag:$0x1], $0x80, s25, s17, $0xb8;
	[tilespmem:$0x1E800] =	vst v63  }
0x86: {  	s25 =	sadd.s32 $0x180, s24  }
0x87: {  	[spmem:s2] =	stream.indirect.scatter.add.f32 [tilespmem:s16], [sflag:$0x1], $0x80, s25, s17, $0xb8;
	[tilespmem:$0x1E800] =	vst v63  }
0x88: {  	s25 =	sadd.s32 $0x200, s24  }
0x89: {  	[spmem:s2] =	stream.indirect.scatter.add.f32 [tilespmem:s16], [sflag:$0x1], $0x80, s25, s17, $0xb8;
	[tilespmem:$0x1E800] =	vst v63  }
0x8a: {  	s25 =	sadd.s32 $0x280, s24  }
0x8b: {  	[spmem:s2] =	stream.indirect.scatter.add.f32 [tilespmem:s16], [sflag:$0x1], $0x80, s25, s17, $0xb8;
	[tilespmem:$0x1E800] =	vst v63  }
0x8c: {  	s25 =	sadd.s32 $0x300, s24  }
0x8d: {  	[spmem:s2] =	stream.indirect.scatter.add.f32 [tilespmem:s16], [sflag:$0x1], $0x80, s25, s17, $0xb8;
	[tilespmem:$0x1E800] =	vst v63  }
0x8e: {  	s25 =	sadd.s32 $0x380, s24  }
0x8f: {  	[spmem:s2] =	stream.indirect.scatter.add.f32 [tilespmem:s16], [sflag:$0x1], $0x80, s25, s17, $0xb8;
	[tilespmem:$0x1E800] =	vst v63  }
0x90: {  	s25 =	sadd.s32 $0x400, s24  }
0x91: {  	[spmem:s2] =	stream.indirect.scatter.add.f32 [tilespmem:s16], [sflag:$0x1], $0x80, s25, s17, $0xb8;
	[tilespmem:$0x1E800] =	vst v63  }
0x92: {  	s25 =	sadd.s32 $0x480, s24  }
0x93: {  	[spmem:s2] =	stream.indirect.scatter.add.f32 [tilespmem:s16], [sflag:$0x1], $0x80, s25, s17, $0xb8;
	[tilespmem:$0x1E800] =	vst v63  }
0x94: {  	s25 =	sadd.s32 $0x500, s24  }
0x95: {  	[spmem:s2] =	stream.indirect.scatter.add.f32 [tilespmem:s16], [sflag:$0x1], $0x80, s25, s17, $0xb8;
	[tilespmem:$0x1E800] =	vst v63  }
0x96: {  	s25 =	sadd.s32 $0x580, s24  }
0x97: {  	[spmem:s2] =	stream.indirect.scatter.add.f32 [tilespmem:s16], [sflag:$0x1], $0x80, s25, s17, $0xb8;
	[tilespmem:$0x1E800] =	vst v63  }
0x98: {  	s25 =	sadd.s32 $0x600, s24  }
0x99: {  	[spmem:s2] =	stream.indirect.scatter.add.f32 [tilespmem:s16], [sflag:$0x1], $0x80, s25, s17, $0xb8;
	[tilespmem:$0x1E800] =	vst v63  }
0x9a: {  	s25 =	sadd.s32 $0x680, s24  }
0x9b: {  	[spmem:s2] =	stream.indirect.scatter.add.f32 [tilespmem:s16], [sflag:$0x1], $0x80, s25, s17, $0xb8;
	[tilespmem:$0x1E800] =	vst v63  }
0x9c: {  	s25 =	sadd.s32 $0x700, s24  }
0x9d: {  	[spmem:s2] =	stream.indirect.scatter.add.f32 [tilespmem:s16], [sflag:$0x1], $0x80, s25, s17, $0xb8;
	[tilespmem:$0x1E800] =	vst v63  }
0x9e: {  	s24 =	sadd.s32 $0x780, s24  }
0x9f: {  	[spmem:s2] =	stream.indirect.scatter.add.f32 [tilespmem:s16], [sflag:$0x1], $0x80, s24, s17, $0xb8;
	[tilespmem:$0x1E800] =	vst v63  }
0xa0: {  	_ =	swait.ge [sflag:s18], $0x4000  }
0xa1: {  	[sflag:s18] =	ssyncset.done $0x0  }
0xa2: {  	[sflag:s18] =	ssyncadd.s32 $0xFFFFC000  }
0xa3: {  	_ =	swait.ge [sflag:s18], $0x4000  }
0xa4: {  	[sflag:s18] =	ssyncset.done $0x0  }
0xa5: {  	[sflag:s18] =	ssyncadd.s32 $0xFFFFC000  }
0xa6: {  	_ =	swait.ge [sflag:s18], $0x4000  }
0xa7: {  	[sflag:s18] =	ssyncset.done $0x0  }
0xa8: {  	[sflag:s18] =	ssyncadd.s32 $0xFFFFC000  }
0xa9: {  	_ =	swait.ge [sflag:s18], $0x4000  }
0xaa: {  	[sflag:s18] =	ssyncset.done $0x0  }
0xab: {  	[sflag:s18] =	ssyncadd.s32 $0xFFFFC000  }
0xac: {  	_ =	swait.ge [sflag:s18], $0x4000  }
0xad: {  	[sflag:s18] =	ssyncset.done $0x0  }
0xae: {  	[sflag:s18] =	ssyncadd.s32 $0xFFFFC000  }
0xaf: {  	_ =	swait.ge [sflag:s18], $0x4000  }
0xb0: {  	[sflag:s18] =	ssyncset.done $0x0  }
0xb1: {  	[sflag:s18] =	ssyncadd.s32 $0xFFFFC000  }
0xb2: {  	_ =	swait.ge [sflag:s18], $0x4000  }
0xb3: {  	[sflag:s18] =	ssyncset.done $0x0  }
0xb4: {  	[sflag:s18] =	ssyncadd.s32 $0xFFFFC000  }
0xb5: {  	_ =	swait.ge [sflag:s18], $0x4000  }
0xb6: {  	[sflag:s18] =	ssyncset.done $0x0  }
0xb7: {  	[sflag:s18] =	ssyncadd.s32 $0xFFFFC000  }
0xb8: {  	_ =	swait.ge [sflag:s18], $0x4000  }
0xb9: {  	[sflag:s18] =	ssyncset.done $0x0  }
0xba: {  	[sflag:s18] =	ssyncadd.s32 $0xFFFFC000  }
0xbb: {  	_ =	swait.ge [sflag:s18], $0x4000  }
0xbc: {  	[sflag:s18] =	ssyncset.done $0x0  }
0xbd: {  	[sflag:s18] =	ssyncadd.s32 $0xFFFFC000  }
0xbe: {  	_ =	swait.ge [sflag:s18], $0x4000  }
0xbf: {  	[sflag:s18] =	ssyncset.done $0x0  }
0xc0: {  	[sflag:s18] =	ssyncadd.s32 $0xFFFFC000  }
0xc1: {  	_ =	swait.ge [sflag:s18], $0x4000  }
0xc2: {  	[sflag:s18] =	ssyncset.done $0x0  }
0xc3: {  	[sflag:s18] =	ssyncadd.s32 $0xFFFFC000  }
0xc4: {  	_ =	swait.ge [sflag:s18], $0x4000  }
0xc5: {  	[sflag:s18] =	ssyncset.done $0x0  }
0xc6: {  	[sflag:s18] =	ssyncadd.s32 $0xFFFFC000  }
0xc7: {  	_ =	swait.ge [sflag:s18], $0x4000  }
0xc8: {  	[sflag:s18] =	ssyncset.done $0x0  }
0xc9: {  	[sflag:s18] =	ssyncadd.s32 $0xFFFFC000  }
.Ltmp0:
0xca: {  	_ =	swait.ge [sflag:s18], $0x4000;
	(pc) =	sbr.rel @p0 .LBB2_2-.Ltmp0, $4  }
0xcb: {  	[sflag:s18] =	ssyncset.done $0x0  }
0xcc: {  	[sflag:s18] =	ssyncadd.s32 $0xFFFFC000  }
0xcd: {  	_ =	swait.ge [sflag:s18], $0x4000  }
0xce: {  	s25 =	smov.u32 s23;
	[sflag:s18] =	ssyncset.done $0x0  }
0xcf: {  	s22 =	sshra.s32 s22, $0x2;
	[sflag:s18] =	ssyncadd.s32 $0xFFFFC000  }
0xd0: {  	[spmem:s2] =	stream.indirect.scatter.add.f32 [tilespmem:s16], [sflag:$0x1], $0x80, s22, s17, $0xb8;
	[tilespmem:$0x1E800] =	vst v63  }
0xd1: {  	s23 =	sadd.s32 $0x80, s22  }
0xd2: {  	[spmem:s2] =	stream.indirect.scatter.add.f32 [tilespmem:s16], [sflag:$0x1], $0x80, s23, s17, $0xb8;
	[tilespmem:$0x1E800] =	vst v63  }
0xd3: {  	s25 =	sadd.s32 $0x100, s22  }
0xd4: {  	[spmem:s2] =	stream.indirect.scatter.add.f32 [tilespmem:s16], [sflag:$0x1], $0x80, s25, s17, $0xb8;
	[tilespmem:$0x1E800] =	vst v63  }
0xd5: {  	s26 =	sadd.s32 $0x180, s22  }
0xd6: {  	[spmem:s2] =	stream.indirect.scatter.add.f32 [tilespmem:s16], [sflag:$0x1], $0x80, s26, s17, $0xb8;
	[tilespmem:$0x1E800] =	vst v63  }
0xd7: {  	s28 =	sadd.s32 $0x200, s22  }
0xd8: {  	[spmem:s2] =	stream.indirect.scatter.add.f32 [tilespmem:s16], [sflag:$0x1], $0x80, s28, s17, $0xb8;
	[tilespmem:$0x1E800] =	vst v63  }
0xd9: {  	s29 =	sadd.s32 $0x280, s22  }
0xda: {  	[spmem:s2] =	stream.indirect.scatter.add.f32 [tilespmem:s16], [sflag:$0x1], $0x80, s29, s17, $0xb8;
	[tilespmem:$0x1E800] =	vst v63  }
0xdb: {  	s30 =	sadd.s32 $0x300, s22  }
0xdc: {  	[spmem:s2] =	stream.indirect.scatter.add.f32 [tilespmem:s16], [sflag:$0x1], $0x80, s30, s17, $0xb8;
	[tilespmem:$0x1E800] =	vst v63  }
0xdd: {  	s31 =	sadd.s32 $0x380, s22  }
0xde: {  	[spmem:s2] =	stream.indirect.scatter.add.f32 [tilespmem:s16], [sflag:$0x1], $0x80, s31, s17, $0xb8;
	[tilespmem:$0x1E800] =	vst v63  }
0xdf: {  	s24 =	sadd.s32 $0x400, s22  }
0xe0: {  	[spmem:s2] =	stream.indirect.scatter.add.f32 [tilespmem:s16], [sflag:$0x1], $0x80, s24, s17, $0xb8;
	[tilespmem:$0x1E800] =	vst v63  }
0xe1: {  	s25 =	sadd.s32 $0x480, s22  }
0xe2: {  	[spmem:s2] =	stream.indirect.scatter.add.f32 [tilespmem:s16], [sflag:$0x1], $0x80, s25, s17, $0xb8;
	[tilespmem:$0x1E800] =	vst v63  }
0xe3: {  	s26 =	sadd.s32 $0x500, s22  }
0xe4: {  	[spmem:s2] =	stream.indirect.scatter.add.f32 [tilespmem:s16], [sflag:$0x1], $0x80, s26, s17, $0xb8;
	[tilespmem:$0x1E800] =	vst v63  }
0xe5: {  	s28 =	sadd.s32 $0x580, s22  }
0xe6: {  	[spmem:s2] =	stream.indirect.scatter.add.f32 [tilespmem:s16], [sflag:$0x1], $0x80, s28, s17, $0xb8;
	[tilespmem:$0x1E800] =	vst v63  }
0xe7: {  	s29 =	sadd.s32 $0x600, s22  }
0xe8: {  	[spmem:s2] =	stream.indirect.scatter.add.f32 [tilespmem:s16], [sflag:$0x1], $0x80, s29, s17, $0xb8;
	[tilespmem:$0x1E800] =	vst v63  }
0xe9: {  	s30 =	sadd.s32 $0x680, s22  }
0xea: {  	[spmem:s2] =	stream.indirect.scatter.add.f32 [tilespmem:s16], [sflag:$0x1], $0x80, s30, s17, $0xb8;
	[tilespmem:$0x1E800] =	vst v63  }
0xeb: {  	s31 =	sadd.s32 $0x700, s22  }
0xec: {  	[spmem:s2] =	stream.indirect.scatter.add.f32 [tilespmem:s16], [sflag:$0x1], $0x80, s31, s17, $0xb8;
	[tilespmem:$0x1E800] =	vst v63  }
0xed: {  	s22 =	sadd.s32 $0x780, s22  }
0xee: {  	[spmem:s2] =	stream.indirect.scatter.add.f32 [tilespmem:s16], [sflag:$0x1], $0x80, s22, s17, $0xb8;
	[tilespmem:$0x1E800] =	vst v63  }
0xef: {  	_ =	swait.ge [sflag:s18], $0x4000  }
0xf0: {  	[sflag:s18] =	ssyncset.done $0x0  }
0xf1: {  	[sflag:s18] =	ssyncadd.s32 $0xFFFFC000  }
0xf2: {  	_ =	swait.ge [sflag:s18], $0x4000  }
0xf3: {  	[sflag:s18] =	ssyncset.done $0x0  }
0xf4: {  	[sflag:s18] =	ssyncadd.s32 $0xFFFFC000  }
0xf5: {  	_ =	swait.ge [sflag:s18], $0x4000  }
0xf6: {  	[sflag:s18] =	ssyncset.done $0x0  }
0xf7: {  	[sflag:s18] =	ssyncadd.s32 $0xFFFFC000  }
0xf8: {  	_ =	swait.ge [sflag:s18], $0x4000  }
0xf9: {  	[sflag:s18] =	ssyncset.done $0x0  }
0xfa: {  	[sflag:s18] =	ssyncadd.s32 $0xFFFFC000  }
0xfb: {  	_ =	swait.ge [sflag:s18], $0x4000  }
0xfc: {  	[sflag:s18] =	ssyncset.done $0x0  }
0xfd: {  	[sflag:s18] =	ssyncadd.s32 $0xFFFFC000  }
0xfe: {  	_ =	swait.ge [sflag:s18], $0x4000  }
0xff: {  	[sflag:s18] =	ssyncset.done $0x0  }
0x100: {  	[sflag:s18] =	ssyncadd.s32 $0xFFFFC000  }
0x101: {  	_ =	swait.ge [sflag:s18], $0x4000  }
0x102: {  	[sflag:s18] =	ssyncset.done $0x0  }
0x103: {  	[sflag:s18] =	ssyncadd.s32 $0xFFFFC000  }
0x104: {  	_ =	swait.ge [sflag:s18], $0x4000  }
0x105: {  	[sflag:s18] =	ssyncset.done $0x0  }
0x106: {  	[sflag:s18] =	ssyncadd.s32 $0xFFFFC000  }
0x107: {  	_ =	swait.ge [sflag:s18], $0x4000  }
0x108: {  	[sflag:s18] =	ssyncset.done $0x0  }
0x109: {  	[sflag:s18] =	ssyncadd.s32 $0xFFFFC000  }
0x10a: {  	_ =	swait.ge [sflag:s18], $0x4000  }
0x10b: {  	[sflag:s18] =	ssyncset.done $0x0  }
0x10c: {  	[sflag:s18] =	ssyncadd.s32 $0xFFFFC000  }
0x10d: {  	_ =	swait.ge [sflag:s18], $0x4000  }
0x10e: {  	[sflag:s18] =	ssyncset.done $0x0  }
0x10f: {  	[sflag:s18] =	ssyncadd.s32 $0xFFFFC000  }
0x110: {  	_ =	swait.ge [sflag:s18], $0x4000  }
0x111: {  	[sflag:s18] =	ssyncset.done $0x0  }
0x112: {  	[sflag:s18] =	ssyncadd.s32 $0xFFFFC000  }
0x113: {  	_ =	swait.ge [sflag:s18], $0x4000  }
0x114: {  	[sflag:s18] =	ssyncset.done $0x0  }
0x115: {  	[sflag:s18] =	ssyncadd.s32 $0xFFFFC000  }
0x116: {  	_ =	swait.ge [sflag:s18], $0x4000  }
0x117: {  	[sflag:s18] =	ssyncset.done $0x0  }
0x118: {  	[sflag:s18] =	ssyncadd.s32 $0xFFFFC000  }
0x119: {  	_ =	swait.ge [sflag:s18], $0x4000  }
0x11a: {  	[sflag:s18] =	ssyncset.done $0x0  }
0x11b: {  	[sflag:s18] =	ssyncadd.s32 $0xFFFFC000  }
0x11c: {  	_ =	swait.ge [sflag:s18], $0x4000  }
0x11d: {  	s21 =	sadd.s32 $0x1, s21;
	[sflag:s18] =	ssyncset.done $0x0  }
0x11e: {  	p0 =	sne.s32 s21, s9;
	[sflag:s18] =	ssyncadd.s32 $0xFFFFC000  }
.Ltmp1:
0x11f: {  	[bflag:$0x0] =	sbarrier.arrive $0xFFFF;
	(pc) =	sbr.rel @p0 .LBB2_1-.Ltmp1, $4  }
0x120: {  	[hbm:s8], [sflag:s19] =	dma.local [spmem:s20], $0x2800  }
0x121: {  	_ =	swait.ge [sflag:s15], $0x2800  }
0x122: {  	[sflag:s15] =	ssyncset.done $0x0  }
0x123: {  	[sflag:s15] =	ssyncadd.s32 $0xFFFFD800  }
0x124: {  	_ =	sfence.sel $0x180000  }
0x125: {  	[bflag:$0x0] =	sbarrier.arrive $0xFFFF  }
0x126: {  	p0 =	sne.s32 s0, $0x0;
	_ =	strace $0x90000050  }
0x127: {  	s0 =	sadd.s32 @!p0 $0x100000, s1;
	[bflag:$0x2] =	sbarrier.arrive $0xFFFF  }
0x128: {  	[sflag:s0] =	ssyncadd.tile.s32 @!p0 $0x1;
	_ =	shalt  }
.Lfunc_end2:
_tile_overlayer_lowered:
.L_overlay_start_2:
0x129: {  	(tag) =	ssettag $0x2  }
0x12a: {  	s0 =	rddreg [dreg:$0x0];
	s2 =	stileid.u32  }
0x12b: {  	s1 =	rddreg [dreg:$0x1];
	p0 =	sne.s32 s2, $0x0  }
0x12c: {  	s3 =	rddreg [dreg:$0x2];
	[bflag:$0x3] =	sbarrier.arrive $0xFFFF;
	s2 =	simm.s32 @!p0 $0x1C02  }
0x12d: {  	[timem:s3], [sflag:s2] =	dma.local @!p0 [hbm:s0], s1  }
0x12e: {  	s0 =	simm.s32 @!p0 $0x2  }
0x12f: {  	_ =	swait.ge @!p0 [sflag:s0], s1  }
0x130: {  	s1 =	ssub.s32 @!p0 $0x0, s1;
	[sflag:s0] =	ssyncset.done @!p0 $0x0  }
0x131: {  	[sflag:s0] =	ssyncadd.s32 @!p0 s1  }
0x132: {  	[bflag:$0x3] =	sbarrier.arrive $0xFFFF  }
0x133: {  	_ =	shalt  }

</sc_bundles>
